<compile_context>
chip_gen: v7x
topology: tpu7x:2x2x1
jax: 0.10.2.dev20260603
libtpu: 0.0.44.dev20260713+nightly
codegen_flags: <defaults>
</compile_context>

<pallas_src>
import functools

import jax
import jax.numpy as jnp
import numpy as np
from jax import lax
from jax.experimental import pallas as pl
from jax.experimental.pallas import tpu as pltpu
from jax.experimental.pallas import tpu_sc as plsc

N_NODES = 300
T_LEN = 24
F_IN = 32
HID = 128
FF = 256
HEADS = 4
OUT_CH = 64
OUT_FEAT = 14

_PREC = jax.lax.Precision.DEFAULT


def _dot(a, b, prec=_PREC):
    return jax.lax.dot_general(
        a, b, (((1,), (0,)), ((), ())), precision=prec,
        preferred_element_type=jnp.float32)


def _dot_nt(a, b, prec=_PREC):
    return jax.lax.dot_general(
        a, b, (((1,), (1,)), ((), ())), precision=prec,
        preferred_element_type=jnp.float32)


def _ln(x, eps=1e-5):
    m = x.mean(-1, keepdims=True)
    v = ((x - m) ** 2).mean(-1, keepdims=True)
    return (x - m) / jnp.sqrt(v + eps)


def _build_count_sc(edge_index):
    E = edge_index.shape[1]
    M = N_NODES * N_NODES
    n_chunks = (E + 15) // 16
    e_pad = n_chunks * 16
    ef = jnp.concatenate(
        [edge_index.astype(jnp.int32),
         jnp.zeros((2, e_pad - E), jnp.int32)], axis=1).reshape(2 * e_pad)
    zeros = jnp.zeros((M,), jnp.float32)
    mesh = plsc.VectorSubcoreMesh(core_axis_name="c", subcore_axis_name="s")

    @functools.partial(
        pl.kernel,
        mesh=mesh,
        out_type=jax.ShapeDtypeStruct((M,), jnp.float32),
        scratch_types=[
            pltpu.VMEM((2 * e_pad,), jnp.int32),
            pltpu.VMEM((M,), jnp.float32),
            pltpu.VMEM((6000,), jnp.float32),
        ],
        compiler_params=pltpu.CompilerParams(needs_layout_passes=False),
    )
    def count_kernel(ef_hbm, z_hbm, out_hbm, ev, cnt, bounce):
        first = (lax.axis_index("c") == 0) & (lax.axis_index("s") == 0)

        @pl.when(first)
        def _():
            pltpu.sync_copy(z_hbm, cnt)
            pltpu.sync_copy(ef_hbm, ev)
            lanes = jax.lax.broadcasted_iota(jnp.int32, (16,), 0)
            ones = jnp.ones((16,), jnp.float32)

            def body(i, carry):
                s = ev[pl.ds(i * 16, 16)]
                d = ev[pl.ds(e_pad + i * 16, 16)]
                f = d * N_NODES + s
                valid = (i * 16 + lanes) < E
                for j in range(16):
                    plsc.addupdate_scatter(
                        cnt, [f], ones, mask=valid & (lanes == j))
                return carry

            lax.fori_loop(0, n_chunks, body, 0)

            for i in range((N_NODES + 15) // 16):
                idx = i * 16 + lanes
                f = idx * (N_NODES + 1)
                plsc.addupdate_scatter(cnt, [f], ones, mask=idx < N_NODES)

            def copy_chunk(c, carry):
                def copy16(i, carry2):
                    w = cnt[pl.ds(c * 6000 + i * 16, 16)]
                    bounce[pl.ds(i * 16, 16)] = w
                    return carry2
                lax.fori_loop(0, 375, copy16, 0)
                start = pl.multiple_of(c * 6000, 8)
                pltpu.sync_copy(bounce, out_hbm.at[pl.ds(start, 6000)])
                return carry

            lax.fori_loop(0, M // 6000, copy_chunk, 0)

    return count_kernel(ef, zeros).reshape(N_NODES, N_NODES)


def _tc_body(x_ref, cnt_ref,
             wqkvs_r, wot_r, wsk_r,
             wqs_r, wkvs_r, wos_r, wf1_r, wf2_r,
             wg1_r, as1_r, ad1_r,
             wg2_r, as2_r, ad2_r,
             wf_r,
             out_ref, x1_scr):
    xb = x_ref[0]

    row = jax.lax.broadcasted_iota(jnp.int32, (N_NODES, N_NODES), 0)
    col = jax.lax.broadcasted_iota(jnp.int32, (N_NODES, N_NODES), 1)
    tri = jnp.where(row >= col, 0.0, -1e30)
    wqkvs = wqkvs_r[...]
    wot = wot_r[...]
    wsk = wsk_r[...]
    for t in range(T_LEN):
        xt = xb[t]
        h = _ln(xt)
        qkv = _dot(h, wqkvs)
        q = qkv[:, :HID]
        k = qkv[:, HID:2 * HID]
        v = qkv[:, 2 * HID:3 * HID]
        s = _dot_nt(q, k)
        e = jnp.exp(s + tri)
        o = _dot(e, v) / e.sum(-1, keepdims=True)
        x1_t = _dot(xt, wsk) + _dot(o, wot)
        x1_scr[t] = x1_t

    wkvs = wkvs_r[...]
    x1_last = x1_scr[T_LEN - 1]
    q23 = _dot(_ln(x1_last), wqs_r[...])
    l = jnp.zeros((N_NODES, 1), jnp.float32)
    acc = jnp.zeros((N_NODES, HID), jnp.float32)
    for t in range(T_LEN):
        kv = _dot(_ln(x1_scr[t]), wkvs)
        kt = kv[:, :HID]
        vt = kv[:, HID:]
        w = jnp.exp((q23 * kt).sum(-1, keepdims=True))
        l = l + w
        acc = acc + w * vt
    s_attn = acc / l
    x2 = x1_last + _dot(s_attn, wos_r[...])
    ff = _dot(jnp.maximum(_dot(_ln(x2), wf1_r[...]), 0.0), wf2_r[...])
    x3 = x2 + ff

    cnt = cnt_ref[...]
    lcnt = jnp.where(cnt > 0.0, jnp.log(cnt), -1e30)
    h1 = _dot(x3, wg1_r[...])
    asT = _dot_nt(as1_r[...], h1)
    adC = _dot(h1, ad1_r[...])
    outs = []
    hc = HID // HEADS
    for hh in range(HEADS):
        a = adC[:, hh:hh + 1] + asT[hh:hh + 1, :]
        a = jnp.maximum(a, 0.2 * a)
        e = jnp.exp(a + lcnt)
        den = e.sum(-1, keepdims=True)
        outs.append(_dot(e, h1[:, hh * hc:(hh + 1) * hc]) / (den + 1e-16))
    gat1 = jnp.concatenate(outs, axis=1)
    ge = jnp.where(gat1 > 0, gat1, jnp.exp(jnp.minimum(gat1, 0.0)) - 1.0)

    h2g = _dot(ge, wg2_r[...])
    as2T = _dot_nt(as2_r[...], h2g)
    ad2C = _dot(h2g, ad2_r[...])
    a2 = ad2C + as2T
    a2 = jnp.maximum(a2, 0.2 * a2)
    e2 = jnp.exp(a2 + lcnt)
    den2 = e2.sum(-1, keepdims=True)
    gat2 = _dot(e2, h2g) / (den2 + 1e-16)

    out_ref[0] = _dot(gat2, wf_r[...])


def _full_spec(shape):
    nd = len(shape)
    return pl.BlockSpec(shape, lambda b, _n=nd: (0,) * _n)


def _tc_forward(x, cnt, p):
    B = x.shape[0]
    a_s1f = p['a_s1'].reshape(-1)
    a_d1f = p['a_d1'].reshape(-1)
    headmask = ((jnp.arange(HID) // (HID // HEADS))[None, :]
                == jnp.arange(HEADS)[:, None]).astype(jnp.float32)
    AS1 = headmask * a_s1f[None, :]
    AD1 = (headmask * a_d1f[None, :]).T
    scale = np.float32(1.0 / np.sqrt(HID))
    wqkvs = jnp.concatenate([p['Wq_t'] * scale, p['Wk_t'], p['Wv_t']], axis=1)
    wkvs = jnp.concatenate([p['Wk_s'], p['Wv_s']], axis=1)
    ins = [
        cnt,
        wqkvs, p['Wo_t'], p['W_skip'],
        p['Wq_s'] * scale, wkvs, p['Wo_s'], p['W_ff1'], p['W_ff2'],
        p['W_g1'], AS1, AD1,
        p['W_g2'], p['a_s2'], p['a_d2'].reshape(OUT_CH, 1),
        p['W_f'],
    ]
    in_specs = [pl.BlockSpec((1, T_LEN, N_NODES, F_IN),
                             lambda b: (b, 0, 0, 0))]
    in_specs += [_full_spec(a.shape) for a in ins]
    return pl.pallas_call(
        _tc_body,
        grid=(B,),
        in_specs=in_specs,
        out_specs=pl.BlockSpec((1, N_NODES, OUT_FEAT), lambda b: (b, 0, 0)),
        out_shape=jax.ShapeDtypeStruct((B, N_NODES, OUT_FEAT), jnp.float32),
        scratch_shapes=[pltpu.VMEM((T_LEN, N_NODES, HID), jnp.float32)],
        compiler_params=pltpu.CompilerParams(
            dimension_semantics=("arbitrary",)),
    )(x, *ins)


def kernel(x, edge_index, params):
    cnt = _build_count_sc(edge_index)
    out = _tc_forward(x, cnt, params)
    return jnp.transpose(out, (0, 2, 1))

# --- scband reference (transcript-rebuilt; emitter-appended) ---
"""Pipeline reference for scband-pfgat-11562051961041 (READ-ONLY COPY).

The authoritative reference and input builder live on the scoring server;
editing this copy changes nothing except your own understanding.
"""

import jax, jax.numpy as jnp
import numpy as np

B, T, N, F_IN = 16, 24, 300, 32
HID, FF, HEADS, OUT_CH, OUT_FEAT = 128, 256, 4, 64, 14
E = 3000

def layer_norm(x, g, b, eps=1e-5):
    m = x.mean(-1, keepdims=True)
    v = ((x - m) ** 2).mean(-1, keepdims=True)
    return (x - m) / jnp.sqrt(v + eps) * g + b

def mha(x, Wq, bq, Wk, bk, Wv, bv, Wo, bo, axis, causal):
    # single-head attention (tsl SpatioTemporalTransformerLayer default n_heads=1)
    q = x @ Wq + bq
    k = x @ Wk + bk
    v = x @ Wv + bv
    if axis == 1:
        q = jnp.swapaxes(q, 1, 2); k = jnp.swapaxes(k, 1, 2); v = jnp.swapaxes(v, 1, 2)
    L = q.shape[2]
    scale = 1.0 / np.sqrt(q.shape[-1])
    scores = jnp.einsum('bnld,bnmd->bnlm', q, k) * scale
    if causal:
        mask = jnp.tril(jnp.ones((L, L), dtype=bool))
        scores = jnp.where(mask, scores, -jnp.inf)
    attn = jax.nn.softmax(scores, axis=-1)
    out = jnp.einsum('bnlm,bnmd->bnld', attn, v)
    if axis == 1:
        out = jnp.swapaxes(out, 1, 2)
    return out @ Wo + bo

def st_layer(x, p):
    h = layer_norm(x, p['g1'], p['be1'])
    t = mha(h, p['Wq_t'], p['bq_t'], p['Wk_t'], p['bk_t'], p['Wv_t'], p['bv_t'], p['Wo_t'], p['bo_t'], 1, True)
    x = (x @ p['W_skip'] + p['b_skip']) + t
    h2 = layer_norm(x, p['g2'], p['be2'])
    s = mha(h2, p['Wq_s'], p['bq_s'], p['Wk_s'], p['bk_s'], p['Wv_s'], p['bv_s'], p['Wo_s'], p['bo_s'], 2, False)
    x = x + s
    h3 = layer_norm(x, p['g3'], p['be3'])
    h3 = jax.nn.relu(h3 @ p['W_ff1'] + p['b_ff1'])
    x = x + (h3 @ p['W_ff2'] + p['b_ff2'])
    return x

def gat_conv(x, src, dst, W, a_src, a_dst, bias, heads, out_ch, concat, num_nodes):
    # PyG GATConv with default add_self_loops=True
    loop = jnp.arange(num_nodes, dtype=src.dtype)
    s = jnp.concatenate([src, loop])
    d = jnp.concatenate([dst, loop])
    h = (x @ W).reshape(num_nodes, heads, out_ch)
    alpha = (h * a_src).sum(-1)[s] + (h * a_dst).sum(-1)[d]
    alpha = jnp.where(alpha > 0, alpha, 0.2 * alpha)  # leaky_relu(0.2)
    amax = jax.ops.segment_max(alpha, d, num_segments=num_nodes)
    ex = jnp.exp(alpha - amax[d])
    denom = jax.ops.segment_sum(ex, d, num_segments=num_nodes)
    coef = ex / (denom[d] + 1e-16)
    out = jax.ops.segment_sum(h[s] * coef[:, :, None], d, num_segments=num_nodes)
    out = out.reshape(num_nodes, heads * out_ch) if concat else out.mean(axis=1)
    return out + bias

def _forward(x, params, edge_index):
    Bb, Tt, Nn, _ = x.shape
    xp = jnp.transpose(x, (0, 2, 1, 3))  # [B, N, T, F] as in Encoder.forward
    h = st_layer(xp, params)             # [B, N, T, HID]
    h = h[:, :, -1, :].reshape(Bb * Nn, -1)
    Ee = edge_index.shape[1]
    offs = jnp.repeat(jnp.arange(Bb), Ee) * Nn
    src = jnp.tile(edge_index[0], Bb) + offs
    dst = jnp.tile(edge_index[1], Bb) + offs
    nn_tot = Bb * Nn
    h = jax.nn.elu(gat_conv(h, src, dst, params['W_g1'], params['a_s1'], params['a_d1'], params['b_g1'], HEADS, HID // HEADS, True, nn_tot))
    h = gat_conv(h, src, dst, params['W_g2'], params['a_s2'], params['a_d2'], params['b_g2'], 1, OUT_CH, False, nn_tot)
    h = h.reshape(Bb, Nn, OUT_CH)
    out = h @ params['W_f'] + params['b_f']
    return jnp.transpose(out, (0, 2, 1))

def setup_inputs(seed: int = 0):
    key = jax.random.key(seed)
    def rn(i, shape):
        sc = float(np.sqrt(2.0 / sum(shape)))
        return sc * jax.random.normal(jax.random.fold_in(key, i), shape, dtype=jnp.float32)
    x = jax.random.normal(jax.random.fold_in(key, 0), (B, T, N, F_IN), dtype=jnp.float32)
    edge_index = jax.random.randint(jax.random.fold_in(key, 1), (2, E), 0, N)
    p = {}
    p['W_skip'] = rn(10, (F_IN, HID)); p['b_skip'] = jnp.zeros((HID,), jnp.float32)
    p['g1'] = jnp.ones((F_IN,), jnp.float32); p['be1'] = jnp.zeros((F_IN,), jnp.float32)
    p['Wq_t'] = rn(11, (F_IN, HID)); p['bq_t'] = jnp.zeros((HID,), jnp.float32)
    p['Wk_t'] = rn(12, (F_IN, HID)); p['bk_t'] = jnp.zeros((HID,), jnp.float32)
    p['Wv_t'] = rn(13, (F_IN, HID)); p['bv_t'] = jnp.zeros((HID,), jnp.float32)
    p['Wo_t'] = rn(14, (HID, HID)); p['bo_t'] = jnp.zeros((HID,), jnp.float32)
    p['g2'] = jnp.ones((HID,), jnp.float32); p['be2'] = jnp.zeros((HID,), jnp.float32)
    p['Wq_s'] = rn(15, (HID, HID)); p['bq_s'] = jnp.zeros((HID,), jnp.float32)
    p['Wk_s'] = rn(16, (HID, HID)); p['bk_s'] = jnp.zeros((HID,), jnp.float32)
    p['Wv_s'] = rn(17, (HID, HID)); p['bv_s'] = jnp.zeros((HID,), jnp.float32)
    p['Wo_s'] = rn(18, (HID, HID)); p['bo_s'] = jnp.zeros((HID,), jnp.float32)
    p['g3'] = jnp.ones((HID,), jnp.float32); p['be3'] = jnp.zeros((HID,), jnp.float32)
    p['W_ff1'] = rn(19, (HID, FF)); p['b_ff1'] = jnp.zeros((FF,), jnp.float32)
    p['W_ff2'] = rn(20, (FF, HID)); p['b_ff2'] = jnp.zeros((HID,), jnp.float32)
    p['W_g1'] = rn(21, (HID, HID)); p['a_s1'] = rn(22, (HEADS, HID // HEADS)); p['a_d1'] = rn(23, (HEADS, HID // HEADS)); p['b_g1'] = jnp.zeros((HID,), jnp.float32)
    p['W_g2'] = rn(24, (HID, OUT_CH)); p['a_s2'] = rn(25, (1, OUT_CH)); p['a_d2'] = rn(26, (1, OUT_CH)); p['b_g2'] = jnp.zeros((OUT_CH,), jnp.float32)
    p['W_f'] = rn(27, (OUT_CH, OUT_FEAT)); p['b_f'] = jnp.zeros((OUT_FEAT,), jnp.float32)
    return {"x": x, "edge_index": edge_index, "params": p}

def reference(x, edge_index, params):
    return _forward(x, params, edge_index)

if __name__ == "__main__":
    import jax
    _d = setup_inputs()
    print(jax.jit(kernel)(*tuple(_d.values())))

</pallas_src>

<mosaic_0001>
#map = affine_map<(d0, d1) -> (0)>
module attributes {stable_mosaic.version = 14 : i64} {
  func.func @count_kernel(%arg0: i32, %arg1: i32, %arg2: memref<6016xi32, #tpu.memory_space<hbm>>, %arg3: memref<90000xf32, #tpu.memory_space<hbm>>, %arg4: memref<90000xf32, #tpu.memory_space<hbm>>, %arg5: memref<6016xi32, #tpu.memory_space<vmem>>, %arg6: memref<90000xf32, #tpu.memory_space<vmem>>, %arg7: memref<6000xf32, #tpu.memory_space<vmem>>) attributes {dimension_semantics = [#tpu.dimension_semantics<core_parallel>, #tpu.dimension_semantics<subcore_parallel>], iteration_bounds = array<i64: 2, 16>, scalar_prefetch = 0 : i64, scratch_operands = 3 : i64, tpu.core_type = #tpu.core_type<sc_vector_subcore>, window_params = [{transform_indices = #map}, {transform_indices = #map}, {transform_indices = #map}]} {
    %eq3A = arith.constant 0 : i32
    %eq3A_0 = arith.cmpi eq, %arg0, %eq3A : i32
    %eq3A_1 = arith.constant 0 : i32
    %eq3A_2 = arith.cmpi eq, %arg1, %eq3A_1 : i32
    %and3A = arith.andi %eq3A_0, %eq3A_2 : i1
    %convert_element_type3A = arith.extui %and3A : i1 to i32
    %cond3A = arith.constant 0 : i32
    %cond3A_3 = arith.cmpi ne, %convert_element_type3A, %cond3A : i32
    scf.if %cond3A_3 {
      "tpu.region"() ({
        %run_scoped3A = tpu.sem_alloc : memref<!tpu.dma_semaphore, #tpu.memory_space<semaphore_mem>>
        tpu.enqueue_dma source(%arg3 : memref<90000xf32, #tpu.memory_space<hbm>>) target(%arg6 : memref<90000xf32, #tpu.memory_space<vmem>>) target_semaphore(%run_scoped3A : memref<!tpu.dma_semaphore, #tpu.memory_space<semaphore_mem>>)
        tpu.wait_dma2 semaphore(%run_scoped3A : memref<!tpu.dma_semaphore, #tpu.memory_space<semaphore_mem>>) src(%arg3 : memref<90000xf32, #tpu.memory_space<hbm>>) dst(%arg6 : memref<90000xf32, #tpu.memory_space<vmem>>)
        tpu.yield
      }) : () -> ()
      "tpu.region"() ({
        %run_scoped3A = tpu.sem_alloc : memref<!tpu.dma_semaphore, #tpu.memory_space<semaphore_mem>>
        tpu.enqueue_dma source(%arg2 : memref<6016xi32, #tpu.memory_space<hbm>>) target(%arg5 : memref<6016xi32, #tpu.memory_space<vmem>>) target_semaphore(%run_scoped3A : memref<!tpu.dma_semaphore, #tpu.memory_space<semaphore_mem>>)
        tpu.wait_dma2 semaphore(%run_scoped3A : memref<!tpu.dma_semaphore, #tpu.memory_space<semaphore_mem>>) src(%arg2 : memref<6016xi32, #tpu.memory_space<hbm>>) dst(%arg5 : memref<6016xi32, #tpu.memory_space<vmem>>)
        tpu.yield
      }) : () -> ()
      %iota3A = tpu.iota {dimensions = array<i32: 0>} : vector<16xi32>
      %broadcast_in_dim3A = arith.constant 1.000000e+00 : f32
      %broadcast_in_dim3A_4 = vector.broadcast %broadcast_in_dim3A : f32 to vector<16xf32>
      %scan3A = arith.constant 0 : i32
      %scan3A_5 = arith.constant 0 : i32
      %scan3A_6 = arith.constant 188 : i32
      %scan3A_7 = arith.addi %scan3A_5, %scan3A_6 : i32
      %scan3A_8 = arith.constant 1 : i32
      scf.for %scan3A_184 = %scan3A_5 to %scan3A_7 step %scan3A_8  : i32 {
        %mul3A_185 = arith.constant 16 : i32
        %mul3A_186 = arith.muli %scan3A_184, %mul3A_185 : i32
        %get3A = arith.index_cast %mul3A_186 : i32 to index
        %get3A_187 = tpu.vector_load %arg5[%get3A] {strides = array<i32>} : memref<6016xi32, #tpu.memory_space<vmem>>, vector<16xi32>,
        %mul3A_188 = arith.constant 16 : i32
        %mul3A_189 = arith.muli %scan3A_184, %mul3A_188 : i32
        %add3A_190 = arith.constant 3008 : i32
        %add3A_191 = arith.addi %add3A_190, %mul3A_189 : i32
        %get3A_192 = arith.index_cast %add3A_191 : i32 to index
        %get3A_193 = tpu.vector_load %arg5[%get3A_192] {strides = array<i32>} : memref<6016xi32, #tpu.memory_space<vmem>>, vector<16xi32>,
        %mul3A_194 = arith.constant 300 : i32
        %mul3A_195 = vector.broadcast %mul3A_194 : i32 to vector<16xi32>
        %mul3A_196 = arith.muli %get3A_193, %mul3A_195 : vector<16xi32>
        %add3A_197 = arith.addi %mul3A_196, %get3A_187 : vector<16xi32>
        %mul3A_198 = arith.constant 16 : i32
        %mul3A_199 = arith.muli %scan3A_184, %mul3A_198 : i32
        %add3A_200 = vector.broadcast %mul3A_199 : i32 to vector<16xi32>
        %add3A_201 = arith.addi %add3A_200, %iota3A : vector<16xi32>
        %lt3A_202 = arith.constant 3000 : i32
        %lt3A_203 = vector.broadcast %lt3A_202 : i32 to vector<16xi32>
        %lt3A_204 = arith.cmpi slt, %add3A_201, %lt3A_203 : vector<16xi32>
        %eq3A_205 = arith.constant 0 : i32
        %eq3A_206 = vector.broadcast %eq3A_205 : i32 to vector<16xi32>
        %eq3A_207 = arith.cmpi eq, %iota3A, %eq3A_206 : vector<16xi32>
        %and3A_208 = arith.andi %lt3A_204, %eq3A_207 : vector<16xi1>
        tpu.vector_store_idx %arg6[%add3A_197], %broadcast_in_dim3A_4 masked %and3A_208 {add = true} : memref<90000xf32, #tpu.memory_space<vmem>>[vector<16xi32>], vector<16xf32>, vector<16xi1>
        %eq3A_209 = arith.constant 1 : i32
        %eq3A_210 = vector.broadcast %eq3A_209 : i32 to vector<16xi32>
        %eq3A_211 = arith.cmpi eq, %iota3A, %eq3A_210 : vector<16xi32>
        %and3A_212 = arith.andi %lt3A_204, %eq3A_211 : vector<16xi1>
        tpu.vector_store_idx %arg6[%add3A_197], %broadcast_in_dim3A_4 masked %and3A_212 {add = true} : memref<90000xf32, #tpu.memory_space<vmem>>[vector<16xi32>], vector<16xf32>, vector<16xi1>
        %eq3A_213 = arith.constant 2 : i32
        %eq3A_214 = vector.broadcast %eq3A_213 : i32 to vector<16xi32>
        %eq3A_215 = arith.cmpi eq, %iota3A, %eq3A_214 : vector<16xi32>
        %and3A_216 = arith.andi %lt3A_204, %eq3A_215 : vector<16xi1>
        tpu.vector_store_idx %arg6[%add3A_197], %broadcast_in_dim3A_4 masked %and3A_216 {add = true} : memref<90000xf32, #tpu.memory_space<vmem>>[vector<16xi32>], vector<16xf32>, vector<16xi1>
        %eq3A_217 = arith.constant 3 : i32
        %eq3A_218 = vector.broadcast %eq3A_217 : i32 to vector<16xi32>
        %eq3A_219 = arith.cmpi eq, %iota3A, %eq3A_218 : vector<16xi32>
        %and3A_220 = arith.andi %lt3A_204, %eq3A_219 : vector<16xi1>
        tpu.vector_store_idx %arg6[%add3A_197], %broadcast_in_dim3A_4 masked %and3A_220 {add = true} : memref<90000xf32, #tpu.memory_space<vmem>>[vector<16xi32>], vector<16xf32>, vector<16xi1>
        %eq3A_221 = arith.constant 4 : i32
        %eq3A_222 = vector.broadcast %eq3A_221 : i32 to vector<16xi32>
        %eq3A_223 = arith.cmpi eq, %iota3A, %eq3A_222 : vector<16xi32>
        %and3A_224 = arith.andi %lt3A_204, %eq3A_223 : vector<16xi1>
        tpu.vector_store_idx %arg6[%add3A_197], %broadcast_in_dim3A_4 masked %and3A_224 {add = true} : memref<90000xf32, #tpu.memory_space<vmem>>[vector<16xi32>], vector<16xf32>, vector<16xi1>
        %eq3A_225 = arith.constant 5 : i32
        %eq3A_226 = vector.broadcast %eq3A_225 : i32 to vector<16xi32>
        %eq3A_227 = arith.cmpi eq, %iota3A, %eq3A_226 : vector<16xi32>
        %and3A_228 = arith.andi %lt3A_204, %eq3A_227 : vector<16xi1>
        tpu.vector_store_idx %arg6[%add3A_197], %broadcast_in_dim3A_4 masked %and3A_228 {add = true} : memref<90000xf32, #tpu.memory_space<vmem>>[vector<16xi32>], vector<16xf32>, vector<16xi1>
        %eq3A_229 = arith.constant 6 : i32
        %eq3A_230 = vector.broadcast %eq3A_229 : i32 to vector<16xi32>
        %eq3A_231 = arith.cmpi eq, %iota3A, %eq3A_230 : vector<16xi32>
        %and3A_232 = arith.andi %lt3A_204, %eq3A_231 : vector<16xi1>
        tpu.vector_store_idx %arg6[%add3A_197], %broadcast_in_dim3A_4 masked %and3A_232 {add = true} : memref<90000xf32, #tpu.memory_space<vmem>>[vector<16xi32>], vector<16xf32>, vector<16xi1>
        %eq3A_233 = arith.constant 7 : i32
        %eq3A_234 = vector.broadcast %eq3A_233 : i32 to vector<16xi32>
        %eq3A_235 = arith.cmpi eq, %iota3A, %eq3A_234 : vector<16xi32>
        %and3A_236 = arith.andi %lt3A_204, %eq3A_235 : vector<16xi1>
        tpu.vector_store_idx %arg6[%add3A_197], %broadcast_in_dim3A_4 masked %and3A_236 {add = true} : memref<90000xf32, #tpu.memory_space<vmem>>[vector<16xi32>], vector<16xf32>, vector<16xi1>
        %eq3A_237 = arith.constant 8 : i32
        %eq3A_238 = vector.broadcast %eq3A_237 : i32 to vector<16xi32>
        %eq3A_239 = arith.cmpi eq, %iota3A, %eq3A_238 : vector<16xi32>
        %and3A_240 = arith.andi %lt3A_204, %eq3A_239 : vector<16xi1>
        tpu.vector_store_idx %arg6[%add3A_197], %broadcast_in_dim3A_4 masked %and3A_240 {add = true} : memref<90000xf32, #tpu.memory_space<vmem>>[vector<16xi32>], vector<16xf32>, vector<16xi1>
        %eq3A_241 = arith.constant 9 : i32
        %eq3A_242 = vector.broadcast %eq3A_241 : i32 to vector<16xi32>
        %eq3A_243 = arith.cmpi eq, %iota3A, %eq3A_242 : vector<16xi32>
        %and3A_244 = arith.andi %lt3A_204, %eq3A_243 : vector<16xi1>
        tpu.vector_store_idx %arg6[%add3A_197], %broadcast_in_dim3A_4 masked %and3A_244 {add = true} : memref<90000xf32, #tpu.memory_space<vmem>>[vector<16xi32>], vector<16xf32>, vector<16xi1>
        %eq3A_245 = arith.constant 10 : i32
        %eq3A_246 = vector.broadcast %eq3A_245 : i32 to vector<16xi32>
        %eq3A_247 = arith.cmpi eq, %iota3A, %eq3A_246 : vector<16xi32>
        %and3A_248 = arith.andi %lt3A_204, %eq3A_247 : vector<16xi1>
        tpu.vector_store_idx %arg6[%add3A_197], %broadcast_in_dim3A_4 masked %and3A_248 {add = true} : memref<90000xf32, #tpu.memory_space<vmem>>[vector<16xi32>], vector<16xf32>, vector<16xi1>
        %eq3A_249 = arith.constant 11 : i32
        %eq3A_250 = vector.broadcast %eq3A_249 : i32 to vector<16xi32>
        %eq3A_251 = arith.cmpi eq, %iota3A, %eq3A_250 : vector<16xi32>
        %and3A_252 = arith.andi %lt3A_204, %eq3A_251 : vector<16xi1>
        tpu.vector_store_idx %arg6[%add3A_197], %broadcast_in_dim3A_4 masked %and3A_252 {add = true} : memref<90000xf32, #tpu.memory_space<vmem>>[vector<16xi32>], vector<16xf32>, vector<16xi1>
        %eq3A_253 = arith.constant 12 : i32
        %eq3A_254 = vector.broadcast %eq3A_253 : i32 to vector<16xi32>
        %eq3A_255 = arith.cmpi eq, %iota3A, %eq3A_254 : vector<16xi32>
        %and3A_256 = arith.andi %lt3A_204, %eq3A_255 : vector<16xi1>
        tpu.vector_store_idx %arg6[%add3A_197], %broadcast_in_dim3A_4 masked %and3A_256 {add = true} : memref<90000xf32, #tpu.memory_space<vmem>>[vector<16xi32>], vector<16xf32>, vector<16xi1>
        %eq3A_257 = arith.constant 13 : i32
        %eq3A_258 = vector.broadcast %eq3A_257 : i32 to vector<16xi32>
        %eq3A_259 = arith.cmpi eq, %iota3A, %eq3A_258 : vector<16xi32>
        %and3A_260 = arith.andi %lt3A_204, %eq3A_259 : vector<16xi1>
        tpu.vector_store_idx %arg6[%add3A_197], %broadcast_in_dim3A_4 masked %and3A_260 {add = true} : memref<90000xf32, #tpu.memory_space<vmem>>[vector<16xi32>], vector<16xf32>, vector<16xi1>
        %eq3A_261 = arith.constant 14 : i32
        %eq3A_262 = vector.broadcast %eq3A_261 : i32 to vector<16xi32>
        %eq3A_263 = arith.cmpi eq, %iota3A, %eq3A_262 : vector<16xi32>
        %and3A_264 = arith.andi %lt3A_204, %eq3A_263 : vector<16xi1>
        tpu.vector_store_idx %arg6[%add3A_197], %broadcast_in_dim3A_4 masked %and3A_264 {add = true} : memref<90000xf32, #tpu.memory_space<vmem>>[vector<16xi32>], vector<16xf32>, vector<16xi1>
        %eq3A_265 = arith.constant 15 : i32
        %eq3A_266 = vector.broadcast %eq3A_265 : i32 to vector<16xi32>
        %eq3A_267 = arith.cmpi eq, %iota3A, %eq3A_266 : vector<16xi32>
        %and3A_268 = arith.andi %lt3A_204, %eq3A_267 : vector<16xi1>
        tpu.vector_store_idx %arg6[%add3A_197], %broadcast_in_dim3A_4 masked %and3A_268 {add = true} : memref<90000xf32, #tpu.memory_space<vmem>>[vector<16xi32>], vector<16xf32>, vector<16xi1>
      }
      %scan3A_9 = arith.constant 188 : i32
      %add3A = arith.constant 0 : i32
      %add3A_10 = vector.broadcast %add3A : i32 to vector<16xi32>
      %add3A_11 = arith.addi %add3A_10, %iota3A : vector<16xi32>
      %mul3A = arith.constant 301 : i32
      %mul3A_12 = vector.broadcast %mul3A : i32 to vector<16xi32>
      %mul3A_13 = arith.muli %add3A_11, %mul3A_12 : vector<16xi32>
      %lt3A = arith.constant 300 : i32
      %lt3A_14 = vector.broadcast %lt3A : i32 to vector<16xi32>
      %lt3A_15 = arith.cmpi slt, %add3A_11, %lt3A_14 : vector<16xi32>
      tpu.vector_store_idx %arg6[%mul3A_13], %broadcast_in_dim3A_4 masked %lt3A_15 {add = true} : memref<90000xf32, #tpu.memory_space<vmem>>[vector<16xi32>], vector<16xf32>, vector<16xi1>
      %add3A_16 = arith.constant 16 : i32
      %add3A_17 = vector.broadcast %add3A_16 : i32 to vector<16xi32>
      %add3A_18 = arith.addi %add3A_17, %iota3A : vector<16xi32>
      %mul3A_19 = arith.constant 301 : i32
      %mul3A_20 = vector.broadcast %mul3A_19 : i32 to vector<16xi32>
      %mul3A_21 = arith.muli %add3A_18, %mul3A_20 : vector<16xi32>
      %lt3A_22 = arith.constant 300 : i32
      %lt3A_23 = vector.broadcast %lt3A_22 : i32 to vector<16xi32>
      %lt3A_24 = arith.cmpi slt, %add3A_18, %lt3A_23 : vector<16xi32>
      tpu.vector_store_idx %arg6[%mul3A_21], %broadcast_in_dim3A_4 masked %lt3A_24 {add = true} : memref<90000xf32, #tpu.memory_space<vmem>>[vector<16xi32>], vector<16xf32>, vector<16xi1>
      %add3A_25 = arith.constant 32 : i32
      %add3A_26 = vector.broadcast %add3A_25 : i32 to vector<16xi32>
      %add3A_27 = arith.addi %add3A_26, %iota3A : vector<16xi32>
      %mul3A_28 = arith.constant 301 : i32
      %mul3A_29 = vector.broadcast %mul3A_28 : i32 to vector<16xi32>
      %mul3A_30 = arith.muli %add3A_27, %mul3A_29 : vector<16xi32>
      %lt3A_31 = arith.constant 300 : i32
      %lt3A_32 = vector.broadcast %lt3A_31 : i32 to vector<16xi32>
      %lt3A_33 = arith.cmpi slt, %add3A_27, %lt3A_32 : vector<16xi32>
      tpu.vector_store_idx %arg6[%mul3A_30], %broadcast_in_dim3A_4 masked %lt3A_33 {add = true} : memref<90000xf32, #tpu.memory_space<vmem>>[vector<16xi32>], vector<16xf32>, vector<16xi1>
      %add3A_34 = arith.constant 48 : i32
      %add3A_35 = vector.broadcast %add3A_34 : i32 to vector<16xi32>
      %add3A_36 = arith.addi %add3A_35, %iota3A : vector<16xi32>
      %mul3A_37 = arith.constant 301 : i32
      %mul3A_38 = vector.broadcast %mul3A_37 : i32 to vector<16xi32>
      %mul3A_39 = arith.muli %add3A_36, %mul3A_38 : vector<16xi32>
      %lt3A_40 = arith.constant 300 : i32
      %lt3A_41 = vector.broadcast %lt3A_40 : i32 to vector<16xi32>
      %lt3A_42 = arith.cmpi slt, %add3A_36, %lt3A_41 : vector<16xi32>
      tpu.vector_store_idx %arg6[%mul3A_39], %broadcast_in_dim3A_4 masked %lt3A_42 {add = true} : memref<90000xf32, #tpu.memory_space<vmem>>[vector<16xi32>], vector<16xf32>, vector<16xi1>
      %add3A_43 = arith.constant 64 : i32
      %add3A_44 = vector.broadcast %add3A_43 : i32 to vector<16xi32>
      %add3A_45 = arith.addi %add3A_44, %iota3A : vector<16xi32>
      %mul3A_46 = arith.constant 301 : i32
      %mul3A_47 = vector.broadcast %mul3A_46 : i32 to vector<16xi32>
      %mul3A_48 = arith.muli %add3A_45, %mul3A_47 : vector<16xi32>
      %lt3A_49 = arith.constant 300 : i32
      %lt3A_50 = vector.broadcast %lt3A_49 : i32 to vector<16xi32>
      %lt3A_51 = arith.cmpi slt, %add3A_45, %lt3A_50 : vector<16xi32>
      tpu.vector_store_idx %arg6[%mul3A_48], %broadcast_in_dim3A_4 masked %lt3A_51 {add = true} : memref<90000xf32, #tpu.memory_space<vmem>>[vector<16xi32>], vector<16xf32>, vector<16xi1>
      %add3A_52 = arith.constant 80 : i32
      %add3A_53 = vector.broadcast %add3A_52 : i32 to vector<16xi32>
      %add3A_54 = arith.addi %add3A_53, %iota3A : vector<16xi32>
      %mul3A_55 = arith.constant 301 : i32
      %mul3A_56 = vector.broadcast %mul3A_55 : i32 to vector<16xi32>
      %mul3A_57 = arith.muli %add3A_54, %mul3A_56 : vector<16xi32>
      %lt3A_58 = arith.constant 300 : i32
      %lt3A_59 = vector.broadcast %lt3A_58 : i32 to vector<16xi32>
      %lt3A_60 = arith.cmpi slt, %add3A_54, %lt3A_59 : vector<16xi32>
      tpu.vector_store_idx %arg6[%mul3A_57], %broadcast_in_dim3A_4 masked %lt3A_60 {add = true} : memref<90000xf32, #tpu.memory_space<vmem>>[vector<16xi32>], vector<16xf32>, vector<16xi1>
      %add3A_61 = arith.constant 96 : i32
      %add3A_62 = vector.broadcast %add3A_61 : i32 to vector<16xi32>
      %add3A_63 = arith.addi %add3A_62, %iota3A : vector<16xi32>
      %mul3A_64 = arith.constant 301 : i32
      %mul3A_65 = vector.broadcast %mul3A_64 : i32 to vector<16xi32>
      %mul3A_66 = arith.muli %add3A_63, %mul3A_65 : vector<16xi32>
      %lt3A_67 = arith.constant 300 : i32
      %lt3A_68 = vector.broadcast %lt3A_67 : i32 to vector<16xi32>
      %lt3A_69 = arith.cmpi slt, %add3A_63, %lt3A_68 : vector<16xi32>
      tpu.vector_store_idx %arg6[%mul3A_66], %broadcast_in_dim3A_4 masked %lt3A_69 {add = true} : memref<90000xf32, #tpu.memory_space<vmem>>[vector<16xi32>], vector<16xf32>, vector<16xi1>
      %add3A_70 = arith.constant 112 : i32
      %add3A_71 = vector.broadcast %add3A_70 : i32 to vector<16xi32>
      %add3A_72 = arith.addi %add3A_71, %iota3A : vector<16xi32>
      %mul3A_73 = arith.constant 301 : i32
      %mul3A_74 = vector.broadcast %mul3A_73 : i32 to vector<16xi32>
      %mul3A_75 = arith.muli %add3A_72, %mul3A_74 : vector<16xi32>
      %lt3A_76 = arith.constant 300 : i32
      %lt3A_77 = vector.broadcast %lt3A_76 : i32 to vector<16xi32>
      %lt3A_78 = arith.cmpi slt, %add3A_72, %lt3A_77 : vector<16xi32>
      tpu.vector_store_idx %arg6[%mul3A_75], %broadcast_in_dim3A_4 masked %lt3A_78 {add = true} : memref<90000xf32, #tpu.memory_space<vmem>>[vector<16xi32>], vector<16xf32>, vector<16xi1>
      %add3A_79 = arith.constant 128 : i32
      %add3A_80 = vector.broadcast %add3A_79 : i32 to vector<16xi32>
      %add3A_81 = arith.addi %add3A_80, %iota3A : vector<16xi32>
      %mul3A_82 = arith.constant 301 : i32
      %mul3A_83 = vector.broadcast %mul3A_82 : i32 to vector<16xi32>
      %mul3A_84 = arith.muli %add3A_81, %mul3A_83 : vector<16xi32>
      %lt3A_85 = arith.constant 300 : i32
      %lt3A_86 = vector.broadcast %lt3A_85 : i32 to vector<16xi32>
      %lt3A_87 = arith.cmpi slt, %add3A_81, %lt3A_86 : vector<16xi32>
      tpu.vector_store_idx %arg6[%mul3A_84], %broadcast_in_dim3A_4 masked %lt3A_87 {add = true} : memref<90000xf32, #tpu.memory_space<vmem>>[vector<16xi32>], vector<16xf32>, vector<16xi1>
      %add3A_88 = arith.constant 144 : i32
      %add3A_89 = vector.broadcast %add3A_88 : i32 to vector<16xi32>
      %add3A_90 = arith.addi %add3A_89, %iota3A : vector<16xi32>
      %mul3A_91 = arith.constant 301 : i32
      %mul3A_92 = vector.broadcast %mul3A_91 : i32 to vector<16xi32>
      %mul3A_93 = arith.muli %add3A_90, %mul3A_92 : vector<16xi32>
      %lt3A_94 = arith.constant 300 : i32
      %lt3A_95 = vector.broadcast %lt3A_94 : i32 to vector<16xi32>
      %lt3A_96 = arith.cmpi slt, %add3A_90, %lt3A_95 : vector<16xi32>
      tpu.vector_store_idx %arg6[%mul3A_93], %broadcast_in_dim3A_4 masked %lt3A_96 {add = true} : memref<90000xf32, #tpu.memory_space<vmem>>[vector<16xi32>], vector<16xf32>, vector<16xi1>
      %add3A_97 = arith.constant 160 : i32
      %add3A_98 = vector.broadcast %add3A_97 : i32 to vector<16xi32>
      %add3A_99 = arith.addi %add3A_98, %iota3A : vector<16xi32>
      %mul3A_100 = arith.constant 301 : i32
      %mul3A_101 = vector.broadcast %mul3A_100 : i32 to vector<16xi32>
      %mul3A_102 = arith.muli %add3A_99, %mul3A_101 : vector<16xi32>
      %lt3A_103 = arith.constant 300 : i32
      %lt3A_104 = vector.broadcast %lt3A_103 : i32 to vector<16xi32>
      %lt3A_105 = arith.cmpi slt, %add3A_99, %lt3A_104 : vector<16xi32>
      tpu.vector_store_idx %arg6[%mul3A_102], %broadcast_in_dim3A_4 masked %lt3A_105 {add = true} : memref<90000xf32, #tpu.memory_space<vmem>>[vector<16xi32>], vector<16xf32>, vector<16xi1>
      %add3A_106 = arith.constant 176 : i32
      %add3A_107 = vector.broadcast %add3A_106 : i32 to vector<16xi32>
      %add3A_108 = arith.addi %add3A_107, %iota3A : vector<16xi32>
      %mul3A_109 = arith.constant 301 : i32
      %mul3A_110 = vector.broadcast %mul3A_109 : i32 to vector<16xi32>
      %mul3A_111 = arith.muli %add3A_108, %mul3A_110 : vector<16xi32>
      %lt3A_112 = arith.constant 300 : i32
      %lt3A_113 = vector.broadcast %lt3A_112 : i32 to vector<16xi32>
      %lt3A_114 = arith.cmpi slt, %add3A_108, %lt3A_113 : vector<16xi32>
      tpu.vector_store_idx %arg6[%mul3A_111], %broadcast_in_dim3A_4 masked %lt3A_114 {add = true} : memref<90000xf32, #tpu.memory_space<vmem>>[vector<16xi32>], vector<16xf32>, vector<16xi1>
      %add3A_115 = arith.constant 192 : i32
      %add3A_116 = vector.broadcast %add3A_115 : i32 to vector<16xi32>
      %add3A_117 = arith.addi %add3A_116, %iota3A : vector<16xi32>
      %mul3A_118 = arith.constant 301 : i32
      %mul3A_119 = vector.broadcast %mul3A_118 : i32 to vector<16xi32>
      %mul3A_120 = arith.muli %add3A_117, %mul3A_119 : vector<16xi32>
      %lt3A_121 = arith.constant 300 : i32
      %lt3A_122 = vector.broadcast %lt3A_121 : i32 to vector<16xi32>
      %lt3A_123 = arith.cmpi slt, %add3A_117, %lt3A_122 : vector<16xi32>
      tpu.vector_store_idx %arg6[%mul3A_120], %broadcast_in_dim3A_4 masked %lt3A_123 {add = true} : memref<90000xf32, #tpu.memory_space<vmem>>[vector<16xi32>], vector<16xf32>, vector<16xi1>
      %add3A_124 = arith.constant 208 : i32
      %add3A_125 = vector.broadcast %add3A_124 : i32 to vector<16xi32>
      %add3A_126 = arith.addi %add3A_125, %iota3A : vector<16xi32>
      %mul3A_127 = arith.constant 301 : i32
      %mul3A_128 = vector.broadcast %mul3A_127 : i32 to vector<16xi32>
      %mul3A_129 = arith.muli %add3A_126, %mul3A_128 : vector<16xi32>
      %lt3A_130 = arith.constant 300 : i32
      %lt3A_131 = vector.broadcast %lt3A_130 : i32 to vector<16xi32>
      %lt3A_132 = arith.cmpi slt, %add3A_126, %lt3A_131 : vector<16xi32>
      tpu.vector_store_idx %arg6[%mul3A_129], %broadcast_in_dim3A_4 masked %lt3A_132 {add = true} : memref<90000xf32, #tpu.memory_space<vmem>>[vector<16xi32>], vector<16xf32>, vector<16xi1>
      %add3A_133 = arith.constant 224 : i32
      %add3A_134 = vector.broadcast %add3A_133 : i32 to vector<16xi32>
      %add3A_135 = arith.addi %add3A_134, %iota3A : vector<16xi32>
      %mul3A_136 = arith.constant 301 : i32
      %mul3A_137 = vector.broadcast %mul3A_136 : i32 to vector<16xi32>
      %mul3A_138 = arith.muli %add3A_135, %mul3A_137 : vector<16xi32>
      %lt3A_139 = arith.constant 300 : i32
      %lt3A_140 = vector.broadcast %lt3A_139 : i32 to vector<16xi32>
      %lt3A_141 = arith.cmpi slt, %add3A_135, %lt3A_140 : vector<16xi32>
      tpu.vector_store_idx %arg6[%mul3A_138], %broadcast_in_dim3A_4 masked %lt3A_141 {add = true} : memref<90000xf32, #tpu.memory_space<vmem>>[vector<16xi32>], vector<16xf32>, vector<16xi1>
      %add3A_142 = arith.constant 240 : i32
      %add3A_143 = vector.broadcast %add3A_142 : i32 to vector<16xi32>
      %add3A_144 = arith.addi %add3A_143, %iota3A : vector<16xi32>
      %mul3A_145 = arith.constant 301 : i32
      %mul3A_146 = vector.broadcast %mul3A_145 : i32 to vector<16xi32>
      %mul3A_147 = arith.muli %add3A_144, %mul3A_146 : vector<16xi32>
      %lt3A_148 = arith.constant 300 : i32
      %lt3A_149 = vector.broadcast %lt3A_148 : i32 to vector<16xi32>
      %lt3A_150 = arith.cmpi slt, %add3A_144, %lt3A_149 : vector<16xi32>
      tpu.vector_store_idx %arg6[%mul3A_147], %broadcast_in_dim3A_4 masked %lt3A_150 {add = true} : memref<90000xf32, #tpu.memory_space<vmem>>[vector<16xi32>], vector<16xf32>, vector<16xi1>
      %add3A_151 = arith.constant 256 : i32
      %add3A_152 = vector.broadcast %add3A_151 : i32 to vector<16xi32>
      %add3A_153 = arith.addi %add3A_152, %iota3A : vector<16xi32>
      %mul3A_154 = arith.constant 301 : i32
      %mul3A_155 = vector.broadcast %mul3A_154 : i32 to vector<16xi32>
      %mul3A_156 = arith.muli %add3A_153, %mul3A_155 : vector<16xi32>
      %lt3A_157 = arith.constant 300 : i32
      %lt3A_158 = vector.broadcast %lt3A_157 : i32 to vector<16xi32>
      %lt3A_159 = arith.cmpi slt, %add3A_153, %lt3A_158 : vector<16xi32>
      tpu.vector_store_idx %arg6[%mul3A_156], %broadcast_in_dim3A_4 masked %lt3A_159 {add = true} : memref<90000xf32, #tpu.memory_space<vmem>>[vector<16xi32>], vector<16xf32>, vector<16xi1>
      %add3A_160 = arith.constant 272 : i32
      %add3A_161 = vector.broadcast %add3A_160 : i32 to vector<16xi32>
      %add3A_162 = arith.addi %add3A_161, %iota3A : vector<16xi32>
      %mul3A_163 = arith.constant 301 : i32
      %mul3A_164 = vector.broadcast %mul3A_163 : i32 to vector<16xi32>
      %mul3A_165 = arith.muli %add3A_162, %mul3A_164 : vector<16xi32>
      %lt3A_166 = arith.constant 300 : i32
      %lt3A_167 = vector.broadcast %lt3A_166 : i32 to vector<16xi32>
      %lt3A_168 = arith.cmpi slt, %add3A_162, %lt3A_167 : vector<16xi32>
      tpu.vector_store_idx %arg6[%mul3A_165], %broadcast_in_dim3A_4 masked %lt3A_168 {add = true} : memref<90000xf32, #tpu.memory_space<vmem>>[vector<16xi32>], vector<16xf32>, vector<16xi1>
      %add3A_169 = arith.constant 288 : i32
      %add3A_170 = vector.broadcast %add3A_169 : i32 to vector<16xi32>
      %add3A_171 = arith.addi %add3A_170, %iota3A : vector<16xi32>
      %mul3A_172 = arith.constant 301 : i32
      %mul3A_173 = vector.broadcast %mul3A_172 : i32 to vector<16xi32>
      %mul3A_174 = arith.muli %add3A_171, %mul3A_173 : vector<16xi32>
      %lt3A_175 = arith.constant 300 : i32
      %lt3A_176 = vector.broadcast %lt3A_175 : i32 to vector<16xi32>
      %lt3A_177 = arith.cmpi slt, %add3A_171, %lt3A_176 : vector<16xi32>
      tpu.vector_store_idx %arg6[%mul3A_174], %broadcast_in_dim3A_4 masked %lt3A_177 {add = true} : memref<90000xf32, #tpu.memory_space<vmem>>[vector<16xi32>], vector<16xf32>, vector<16xi1>
      %scan3A_178 = arith.constant 0 : i32
      %scan3A_179 = arith.constant 0 : i32
      %scan3A_180 = arith.constant 15 : i32
      %scan3A_181 = arith.addi %scan3A_179, %scan3A_180 : i32
      %scan3A_182 = arith.constant 1 : i32
      scf.for %scan3A_184 = %scan3A_179 to %scan3A_181 step %scan3A_182  : i32 {
        %scan3A_185 = arith.constant 0 : i32
        %scan3A_186 = arith.constant 0 : i32
        %scan3A_187 = arith.constant 375 : i32
        %scan3A_188 = arith.addi %scan3A_186, %scan3A_187 : i32
        %scan3A_189 = arith.constant 1 : i32
        scf.for %scan3A_193 = %scan3A_186 to %scan3A_188 step %scan3A_189  : i32 {
          %mul3A_194 = arith.constant 6000 : i32
          %mul3A_195 = arith.muli %scan3A_184, %mul3A_194 : i32
          %mul3A_196 = arith.constant 16 : i32
          %mul3A_197 = arith.muli %scan3A_193, %mul3A_196 : i32
          %add3A_198 = arith.addi %mul3A_195, %mul3A_197 : i32
          %get3A = arith.index_cast %add3A_198 : i32 to index
          %get3A_199 = tpu.vector_load %arg6[%get3A] {strides = array<i32>} : memref<90000xf32, #tpu.memory_space<vmem>>, vector<16xf32>,
          %mul3A_200 = arith.constant 16 : i32
          %mul3A_201 = arith.muli %scan3A_193, %mul3A_200 : i32
          %swap3A = arith.index_cast %mul3A_201 : i32 to index
          %swap3A_202 = tpu.vector_load %arg7[%swap3A] {strides = array<i32>} : memref<6000xf32, #tpu.memory_space<vmem>>, vector<16xf32>,
          tpu.vector_store %arg7[%swap3A], %get3A_199 {strides = array<i32>} : memref<6000xf32, #tpu.memory_space<vmem>>, vector<16xf32>,
        }
        %scan3A_190 = arith.constant 375 : i32
        %mul3A_191 = arith.constant 6000 : i32
        %mul3A_192 = arith.muli %scan3A_184, %mul3A_191 : i32
        %multiple_of3A = tpu.assume_multiple %mul3A_192, 8 : i32
        "tpu.region"() ({
          %run_scoped3A = tpu.sem_alloc : memref<!tpu.dma_semaphore, #tpu.memory_space<semaphore_mem>>
          %dma_start3A = tpu.memref_slice %arg4[%multiple_of3A] : memref<90000xf32, #tpu.memory_space<hbm>> -> memref<6000xf32, #tpu.memory_space<hbm>>
          %dma_start3A_193 = tpu.memref_slice %arg4[%multiple_of3A] : memref<90000xf32, #tpu.memory_space<hbm>> -> memref<6000xf32, #tpu.memory_space<hbm>>
          tpu.enqueue_dma source(%arg7 : memref<6000xf32, #tpu.memory_space<vmem>>) target(%dma_start3A_193 : memref<6000xf32, #tpu.memory_space<hbm>>) target_semaphore(%run_scoped3A : memref<!tpu.dma_semaphore, #tpu.memory_space<semaphore_mem>>)
          %dma_wait3A = tpu.memref_slice %arg4[%multiple_of3A] : memref<90000xf32, #tpu.memory_space<hbm>> -> memref<6000xf32, #tpu.memory_space<hbm>>
          %dma_wait3A_194 = tpu.memref_slice %arg4[%multiple_of3A] : memref<90000xf32, #tpu.memory_space<hbm>> -> memref<6000xf32, #tpu.memory_space<hbm>>
          tpu.wait_dma2 semaphore(%run_scoped3A : memref<!tpu.dma_semaphore, #tpu.memory_space<semaphore_mem>>) src(%arg7 : memref<6000xf32, #tpu.memory_space<vmem>>) dst(%dma_wait3A_194 : memref<6000xf32, #tpu.memory_space<hbm>>)
          tpu.yield
        }) : () -> ()
      }
      %scan3A_183 = arith.constant 15 : i32
    } else {
    }
    return
  }
}

module attributes {stable_mosaic.version = 14 : i64} {
  func.func @_tc_body(%arg0: i32, %arg1: memref<1x24x300x32xf32, #tpu.memory_space<vmem>>, %arg2: memref<300x300xf32, #tpu.memory_space<vmem>>, %arg3: memref<32x384xf32, #tpu.memory_space<vmem>>, %arg4: memref<128x128xf32, #tpu.memory_space<vmem>>, %arg5: memref<32x128xf32, #tpu.memory_space<vmem>>, %arg6: memref<128x128xf32, #tpu.memory_space<vmem>>, %arg7: memref<128x256xf32, #tpu.memory_space<vmem>>, %arg8: memref<128x128xf32, #tpu.memory_space<vmem>>, %arg9: memref<128x256xf32, #tpu.memory_space<vmem>>, %arg10: memref<256x128xf32, #tpu.memory_space<vmem>>, %arg11: memref<128x128xf32, #tpu.memory_space<vmem>>, %arg12: memref<4x128xf32, #tpu.memory_space<vmem>>, %arg13: memref<128x4xf32, #tpu.memory_space<vmem>>, %arg14: memref<128x64xf32, #tpu.memory_space<vmem>>, %arg15: memref<1x64xf32, #tpu.memory_space<vmem>>, %arg16: memref<64x1xf32, #tpu.memory_space<vmem>>, %arg17: memref<64x14xf32, #tpu.memory_space<vmem>>, %arg18: memref<1x300x14xf32, #tpu.memory_space<vmem>>, %arg19: memref<24x300x128xf32, #tpu.memory_space<vmem>>) attributes {dimension_semantics = [#tpu.dimension_semantics<arbitrary>], iteration_bounds = array<i64: 16>, scalar_prefetch = 0 : i64, scratch_operands = 1 : i64, tpu.core_type = #tpu.core_type<tc>, window_params = [{transform_indices = @transform_0, window_bounds = array<i64: 1, 24, 300, 32>}, {pipeline_mode = #tpu.pipeline_mode<synchronous>, transform_indices = @transform_1, window_bounds = array<i64: 300, 300>}, {pipeline_mode = #tpu.pipeline_mode<synchronous>, transform_indices = @transform_2, window_bounds = array<i64: 32, 384>}, {pipeline_mode = #tpu.pipeline_mode<synchronous>, transform_indices = @transform_3, window_bounds = array<i64: 128, 128>}, {pipeline_mode = #tpu.pipeline_mode<synchronous>, transform_indices = @transform_4, window_bounds = array<i64: 32, 128>}, {pipeline_mode = #tpu.pipeline_mode<synchronous>, transform_indices = @transform_5, window_bounds = array<i64: 128, 128>}, {pipeline_mode = #tpu.pipeline_mode<synchronous>, transform_indices = @transform_6, window_bounds = array<i64: 128, 256>}, {pipeline_mode = #tpu.pipeline_mode<synchronous>, transform_indices = @transform_7, window_bounds = array<i64: 128, 128>}, {pipeline_mode = #tpu.pipeline_mode<synchronous>, transform_indices = @transform_8, window_bounds = array<i64: 128, 256>}, {pipeline_mode = #tpu.pipeline_mode<synchronous>, transform_indices = @transform_9, window_bounds = array<i64: 256, 128>}, {pipeline_mode = #tpu.pipeline_mode<synchronous>, transform_indices = @transform_10, window_bounds = array<i64: 128, 128>}, {pipeline_mode = #tpu.pipeline_mode<synchronous>, transform_indices = @transform_11, window_bounds = array<i64: 4, 128>}, {pipeline_mode = #tpu.pipeline_mode<synchronous>, transform_indices = @transform_12, window_bounds = array<i64: 128, 4>}, {pipeline_mode = #tpu.pipeline_mode<synchronous>, transform_indices = @transform_13, window_bounds = array<i64: 128, 64>}, {pipeline_mode = #tpu.pipeline_mode<synchronous>, transform_indices = @transform_14, window_bounds = array<i64: 1, 64>}, {pipeline_mode = #tpu.pipeline_mode<synchronous>, transform_indices = @transform_15, window_bounds = array<i64: 64, 1>}, {pipeline_mode = #tpu.pipeline_mode<synchronous>, transform_indices = @transform_16, window_bounds = array<i64: 64, 14>}, {transform_indices = @transform_17, window_bounds = array<i64: 1, 300, 14>}]} {
    %get3A = arith.constant 0 : index
    %get3A_0 = arith.constant 0 : index
    %get3A_1 = arith.constant 0 : index
    %get3A_2 = arith.constant 0 : index
    %get3A_3 = vector.load %arg1[%get3A, %get3A_0, %get3A_1, %get3A_2] : memref<1x24x300x32xf32, #tpu.memory_space<vmem>>, vector<1x24x300x32xf32>
    %get3A_4 = vector.shape_cast %get3A_3 : vector<1x24x300x32xf32> to vector<24x300x32xf32>
    %iota3A = tpu.iota {dimensions = array<i32: 0>} : vector<300x300xi32>
    %iota3A_5 = tpu.iota {dimensions = array<i32: 1>} : vector<300x300xi32>
    %ge3A = arith.cmpi sge, %iota3A, %iota3A_5 : vector<300x300xi32>
    %jit3A = arith.constant 0.000000e+00 : f32
    %jit3A_6 = arith.constant -1.000000e+30 : f32
    %broadcast_in_dim3A = vector.broadcast %jit3A : f32 to vector<300x300xf32>
    %broadcast_in_dim3A_7 = vector.broadcast %jit3A_6 : f32 to vector<300x300xf32>
    %select_n3A = arith.select %ge3A, %broadcast_in_dim3A, %broadcast_in_dim3A_7 : vector<300x300xi1>, vector<300x300xf32>
    %get3A_8 = arith.constant 0 : index
    %get3A_9 = arith.constant 0 : index
    %get3A_10 = vector.load %arg3[%get3A_8, %get3A_9] : memref<32x384xf32, #tpu.memory_space<vmem>>, vector<32x384xf32>
    %get3A_11 = arith.constant 0 : index
    %get3A_12 = arith.constant 0 : index
    %get3A_13 = vector.load %arg4[%get3A_11, %get3A_12] : memref<128x128xf32, #tpu.memory_space<vmem>>, vector<128x128xf32>
    %get3A_14 = arith.constant 0 : index
    %get3A_15 = arith.constant 0 : index
    %get3A_16 = vector.load %arg5[%get3A_14, %get3A_15] : memref<32x128xf32, #tpu.memory_space<vmem>>, vector<32x128xf32>
    %slice3A = vector.extract_strided_slice %get3A_4 {offsets = [0, 0, 0], sizes = [1, 300, 32], strides = [1, 1, 1]} : vector<24x300x32xf32> to vector<1x300x32xf32>
    %squeeze3A = vector.shape_cast %slice3A : vector<1x300x32xf32> to vector<300x32xf32>
    %reduce_sum3A = arith.constant dense<0.000000e+00> : vector<300xf32>
    %reduce_sum3A_17 = vector.multi_reduction <add>, %squeeze3A, %reduce_sum3A [1] : vector<300x32xf32> to vector<300xf32>
    %broadcast_in_dim3A_18 = vector.shape_cast %reduce_sum3A_17 : vector<300xf32> to vector<300x1xf32>
    %div3A = arith.constant 3.200000e+01 : f32
    %div3A_19 = vector.broadcast %div3A : f32 to vector<300x1xf32>
    %div3A_20 = arith.divf %broadcast_in_dim3A_18, %div3A_19 : vector<300x1xf32>
    %sub3A = vector.broadcast %div3A_20 : vector<300x1xf32> to vector<300x32xf32>
    %sub3A_21 = arith.subf %squeeze3A, %sub3A : vector<300x32xf32>
    %integer_pow3A = arith.mulf %sub3A_21, %sub3A_21 : vector<300x32xf32>
    %reduce_sum3A_22 = arith.constant dense<0.000000e+00> : vector<300xf32>
    %reduce_sum3A_23 = vector.multi_reduction <add>, %integer_pow3A, %reduce_sum3A_22 [1] : vector<300x32xf32> to vector<300xf32>
    %broadcast_in_dim3A_24 = vector.shape_cast %reduce_sum3A_23 : vector<300xf32> to vector<300x1xf32>
    %div3A_25 = arith.constant 3.200000e+01 : f32
    %div3A_26 = vector.broadcast %div3A_25 : f32 to vector<300x1xf32>
    %div3A_27 = arith.divf %broadcast_in_dim3A_24, %div3A_26 : vector<300x1xf32>
    %sub3A_28 = vector.broadcast %div3A_20 : vector<300x1xf32> to vector<300x32xf32>
    %sub3A_29 = arith.subf %squeeze3A, %sub3A_28 : vector<300x32xf32>
    %add3A = arith.constant 9.99999974E-6 : f32
    %add3A_30 = vector.broadcast %add3A : f32 to vector<300x1xf32>
    %add3A_31 = arith.addf %div3A_27, %add3A_30 : vector<300x1xf32>
    %sqrt3A = math.sqrt %add3A_31 : vector<300x1xf32>
    %div3A_32 = vector.broadcast %sqrt3A : vector<300x1xf32> to vector<300x32xf32>
    %div3A_33 = arith.divf %sub3A_29, %div3A_32 : vector<300x32xf32>
    %dot_general3A = arith.constant dense<0.000000e+00> : vector<300x384xf32>
    %dot_general3A_34 = tpu.matmul %div3A_33, %get3A_10, %dot_general3A {dimension_numbers = #tpu.dot_dimension_numbers<[1], [0], [0], [1], [0, 0, 1, 1], [], []>, transpose_lhs_hint = false} : vector<300x32xf32>, vector<32x384xf32>, vector<300x384xf32> -> vector<300x384xf32>
    %slice3A_35 = vector.extract_strided_slice %dot_general3A_34 {offsets = [0, 0], sizes = [300, 128], strides = [1, 1]} : vector<300x384xf32> to vector<300x128xf32>
    %slice3A_36 = vector.extract_strided_slice %dot_general3A_34 {offsets = [0, 128], sizes = [300, 128], strides = [1, 1]} : vector<300x384xf32> to vector<300x128xf32>
    %slice3A_37 = vector.extract_strided_slice %dot_general3A_34 {offsets = [0, 256], sizes = [300, 128], strides = [1, 1]} : vector<300x384xf32> to vector<300x128xf32>
    %dot_general3A_38 = arith.constant dense<0.000000e+00> : vector<300x300xf32>
    %dot_general3A_39 = tpu.matmul %slice3A_35, %slice3A_36, %dot_general3A_38 {dimension_numbers = #tpu.dot_dimension_numbers<[1], [1], [0], [0], [0, 0, 1, 0], [], []>, transpose_lhs_hint = false} : vector<300x128xf32>, vector<300x128xf32>, vector<300x300xf32> -> vector<300x300xf32>
    %add3A_40 = arith.addf %dot_general3A_39, %select_n3A : vector<300x300xf32>
    %exp3A = math.exp %add3A_40 : vector<300x300xf32>
    %dot_general3A_41 = arith.constant dense<0.000000e+00> : vector<300x128xf32>
    %dot_general3A_42 = tpu.matmul %exp3A, %slice3A_37, %dot_general3A_41 {dimension_numbers = #tpu.dot_dimension_numbers<[1], [0], [0], [1], [0, 0, 1, 1], [], []>, transpose_lhs_hint = false} : vector<300x300xf32>, vector<300x128xf32>, vector<300x128xf32> -> vector<300x128xf32>
    %reduce_sum3A_43 = arith.constant dense<0.000000e+00> : vector<300xf32>
    %reduce_sum3A_44 = vector.multi_reduction <add>, %exp3A, %reduce_sum3A_43 [1] : vector<300x300xf32> to vector<300xf32>
    %broadcast_in_dim3A_45 = vector.shape_cast %reduce_sum3A_44 : vector<300xf32> to vector<300x1xf32>
    %div3A_46 = vector.broadcast %broadcast_in_dim3A_45 : vector<300x1xf32> to vector<300x128xf32>
    %div3A_47 = arith.divf %dot_general3A_42, %div3A_46 : vector<300x128xf32>
    %dot_general3A_48 = arith.constant dense<0.000000e+00> : vector<300x128xf32>
    %dot_general3A_49 = tpu.matmul %squeeze3A, %get3A_16, %dot_general3A_48 {dimension_numbers = #tpu.dot_dimension_numbers<[1], [0], [0], [1], [0, 0, 1, 1], [], []>, transpose_lhs_hint = false} : vector<300x32xf32>, vector<32x128xf32>, vector<300x128xf32> -> vector<300x128xf32>
    %dot_general3A_50 = arith.constant dense<0.000000e+00> : vector<300x128xf32>
    %dot_general3A_51 = tpu.matmul %div3A_47, %get3A_13, %dot_general3A_50 {dimension_numbers = #tpu.dot_dimension_numbers<[1], [0], [0], [1], [0, 0, 1, 1], [], []>, transpose_lhs_hint = false} : vector<300x128xf32>, vector<128x128xf32>, vector<300x128xf32> -> vector<300x128xf32>
    %add3A_52 = arith.addf %dot_general3A_49, %dot_general3A_51 : vector<300x128xf32>
    %swap3A = arith.constant 0 : index
    %swap3A_53 = arith.constant 0 : index
    %swap3A_54 = arith.constant 0 : index
    %swap3A_55 = vector.load %arg19[%swap3A, %swap3A_53, %swap3A_54] : memref<24x300x128xf32, #tpu.memory_space<vmem>>, vector<1x300x128xf32>
    %swap3A_56 = vector.shape_cast %swap3A_55 : vector<1x300x128xf32> to vector<300x128xf32>
    %swap3A_57 = vector.shape_cast %add3A_52 : vector<300x128xf32> to vector<1x300x128xf32>
    tpu.vector_store %arg19[%swap3A, %swap3A_53, %swap3A_54], %swap3A_57 {strides = array<i32>} : memref<24x300x128xf32, #tpu.memory_space<vmem>>, vector<1x300x128xf32>,
    %slice3A_58 = vector.extract_strided_slice %get3A_4 {offsets = [1, 0, 0], sizes = [1, 300, 32], strides = [1, 1, 1]} : vector<24x300x32xf32> to vector<1x300x32xf32>
    %squeeze3A_59 = vector.shape_cast %slice3A_58 : vector<1x300x32xf32> to vector<300x32xf32>
    %reduce_sum3A_60 = arith.constant dense<0.000000e+00> : vector<300xf32>
    %reduce_sum3A_61 = vector.multi_reduction <add>, %squeeze3A_59, %reduce_sum3A_60 [1] : vector<300x32xf32> to vector<300xf32>
    %broadcast_in_dim3A_62 = vector.shape_cast %reduce_sum3A_61 : vector<300xf32> to vector<300x1xf32>
    %div3A_63 = arith.constant 3.200000e+01 : f32
    %div3A_64 = vector.broadcast %div3A_63 : f32 to vector<300x1xf32>
    %div3A_65 = arith.divf %broadcast_in_dim3A_62, %div3A_64 : vector<300x1xf32>
    %sub3A_66 = vector.broadcast %div3A_65 : vector<300x1xf32> to vector<300x32xf32>
    %sub3A_67 = arith.subf %squeeze3A_59, %sub3A_66 : vector<300x32xf32>
    %integer_pow3A_68 = arith.mulf %sub3A_67, %sub3A_67 : vector<300x32xf32>
    %reduce_sum3A_69 = arith.constant dense<0.000000e+00> : vector<300xf32>
    %reduce_sum3A_70 = vector.multi_reduction <add>, %integer_pow3A_68, %reduce_sum3A_69 [1] : vector<300x32xf32> to vector<300xf32>
    %broadcast_in_dim3A_71 = vector.shape_cast %reduce_sum3A_70 : vector<300xf32> to vector<300x1xf32>
    %div3A_72 = arith.constant 3.200000e+01 : f32
    %div3A_73 = vector.broadcast %div3A_72 : f32 to vector<300x1xf32>
    %div3A_74 = arith.divf %broadcast_in_dim3A_71, %div3A_73 : vector<300x1xf32>
    %sub3A_75 = vector.broadcast %div3A_65 : vector<300x1xf32> to vector<300x32xf32>
    %sub3A_76 = arith.subf %squeeze3A_59, %sub3A_75 : vector<300x32xf32>
    %add3A_77 = arith.constant 9.99999974E-6 : f32
    %add3A_78 = vector.broadcast %add3A_77 : f32 to vector<300x1xf32>
    %add3A_79 = arith.addf %div3A_74, %add3A_78 : vector<300x1xf32>
    %sqrt3A_80 = math.sqrt %add3A_79 : vector<300x1xf32>
    %div3A_81 = vector.broadcast %sqrt3A_80 : vector<300x1xf32> to vector<300x32xf32>
    %div3A_82 = arith.divf %sub3A_76, %div3A_81 : vector<300x32xf32>
    %dot_general3A_83 = arith.constant dense<0.000000e+00> : vector<300x384xf32>
    %dot_general3A_84 = tpu.matmul %div3A_82, %get3A_10, %dot_general3A_83 {dimension_numbers = #tpu.dot_dimension_numbers<[1], [0], [0], [1], [0, 0, 1, 1], [], []>, transpose_lhs_hint = false} : vector<300x32xf32>, vector<32x384xf32>, vector<300x384xf32> -> vector<300x384xf32>
    %slice3A_85 = vector.extract_strided_slice %dot_general3A_84 {offsets = [0, 0], sizes = [300, 128], strides = [1, 1]} : vector<300x384xf32> to vector<300x128xf32>
    %slice3A_86 = vector.extract_strided_slice %dot_general3A_84 {offsets = [0, 128], sizes = [300, 128], strides = [1, 1]} : vector<300x384xf32> to vector<300x128xf32>
    %slice3A_87 = vector.extract_strided_slice %dot_general3A_84 {offsets = [0, 256], sizes = [300, 128], strides = [1, 1]} : vector<300x384xf32> to vector<300x128xf32>
    %dot_general3A_88 = arith.constant dense<0.000000e+00> : vector<300x300xf32>
    %dot_general3A_89 = tpu.matmul %slice3A_85, %slice3A_86, %dot_general3A_88 {dimension_numbers = #tpu.dot_dimension_numbers<[1], [1], [0], [0], [0, 0, 1, 0], [], []>, transpose_lhs_hint = false} : vector<300x128xf32>, vector<300x128xf32>, vector<300x300xf32> -> vector<300x300xf32>
    %add3A_90 = arith.addf %dot_general3A_89, %select_n3A : vector<300x300xf32>
    %exp3A_91 = math.exp %add3A_90 : vector<300x300xf32>
    %dot_general3A_92 = arith.constant dense<0.000000e+00> : vector<300x128xf32>
    %dot_general3A_93 = tpu.matmul %exp3A_91, %slice3A_87, %dot_general3A_92 {dimension_numbers = #tpu.dot_dimension_numbers<[1], [0], [0], [1], [0, 0, 1, 1], [], []>, transpose_lhs_hint = false} : vector<300x300xf32>, vector<300x128xf32>, vector<300x128xf32> -> vector<300x128xf32>
    %reduce_sum3A_94 = arith.constant dense<0.000000e+00> : vector<300xf32>
    %reduce_sum3A_95 = vector.multi_reduction <add>, %exp3A_91, %reduce_sum3A_94 [1] : vector<300x300xf32> to vector<300xf32>
    %broadcast_in_dim3A_96 = vector.shape_cast %reduce_sum3A_95 : vector<300xf32> to vector<300x1xf32>
    %div3A_97 = vector.broadcast %broadcast_in_dim3A_96 : vector<300x1xf32> to vector<300x128xf32>
    %div3A_98 = arith.divf %dot_general3A_93, %div3A_97 : vector<300x128xf32>
    %dot_general3A_99 = arith.constant dense<0.000000e+00> : vector<300x128xf32>
    %dot_general3A_100 = tpu.matmul %squeeze3A_59, %get3A_16, %dot_general3A_99 {dimension_numbers = #tpu.dot_dimension_numbers<[1], [0], [0], [1], [0, 0, 1, 1], [], []>, transpose_lhs_hint = false} : vector<300x32xf32>, vector<32x128xf32>, vector<300x128xf32> -> vector<300x128xf32>
    %dot_general3A_101 = arith.constant dense<0.000000e+00> : vector<300x128xf32>
    %dot_general3A_102 = tpu.matmul %div3A_98, %get3A_13, %dot_general3A_101 {dimension_numbers = #tpu.dot_dimension_numbers<[1], [0], [0], [1], [0, 0, 1, 1], [], []>, transpose_lhs_hint = false} : vector<300x128xf32>, vector<128x128xf32>, vector<300x128xf32> -> vector<300x128xf32>
    %add3A_103 = arith.addf %dot_general3A_100, %dot_general3A_102 : vector<300x128xf32>
    %swap3A_104 = arith.constant 1 : index
    %swap3A_105 = arith.constant 0 : index
    %swap3A_106 = arith.constant 0 : index
    %swap3A_107 = vector.load %arg19[%swap3A_104, %swap3A_105, %swap3A_106] : memref<24x300x128xf32, #tpu.memory_space<vmem>>, vector<1x300x128xf32>
    %swap3A_108 = vector.shape_cast %swap3A_107 : vector<1x300x128xf32> to vector<300x128xf32>
    %swap3A_109 = vector.shape_cast %add3A_103 : vector<300x128xf32> to vector<1x300x128xf32>
    tpu.vector_store %arg19[%swap3A_104, %swap3A_105, %swap3A_106], %swap3A_109 {strides = array<i32>} : memref<24x300x128xf32, #tpu.memory_space<vmem>>, vector<1x300x128xf32>,
    %slice3A_110 = vector.extract_strided_slice %get3A_4 {offsets = [2, 0, 0], sizes = [1, 300, 32], strides = [1, 1, 1]} : vector<24x300x32xf32> to vector<1x300x32xf32>
    %squeeze3A_111 = vector.shape_cast %slice3A_110 : vector<1x300x32xf32> to vector<300x32xf32>
    %reduce_sum3A_112 = arith.constant dense<0.000000e+00> : vector<300xf32>
    %reduce_sum3A_113 = vector.multi_reduction <add>, %squeeze3A_111, %reduce_sum3A_112 [1] : vector<300x32xf32> to vector<300xf32>
    %broadcast_in_dim3A_114 = vector.shape_cast %reduce_sum3A_113 : vector<300xf32> to vector<300x1xf32>
    %div3A_115 = arith.constant 3.200000e+01 : f32
    %div3A_116 = vector.broadcast %div3A_115 : f32 to vector<300x1xf32>
    %div3A_117 = arith.divf %broadcast_in_dim3A_114, %div3A_116 : vector<300x1xf32>
    %sub3A_118 = vector.broadcast %div3A_117 : vector<300x1xf32> to vector<300x32xf32>
    %sub3A_119 = arith.subf %squeeze3A_111, %sub3A_118 : vector<300x32xf32>
    %integer_pow3A_120 = arith.mulf %sub3A_119, %sub3A_119 : vector<300x32xf32>
    %reduce_sum3A_121 = arith.constant dense<0.000000e+00> : vector<300xf32>
    %reduce_sum3A_122 = vector.multi_reduction <add>, %integer_pow3A_120, %reduce_sum3A_121 [1] : vector<300x32xf32> to vector<300xf32>
    %broadcast_in_dim3A_123 = vector.shape_cast %reduce_sum3A_122 : vector<300xf32> to vector<300x1xf32>
    %div3A_124 = arith.constant 3.200000e+01 : f32
    %div3A_125 = vector.broadcast %div3A_124 : f32 to vector<300x1xf32>
    %div3A_126 = arith.divf %broadcast_in_dim3A_123, %div3A_125 : vector<300x1xf32>
    %sub3A_127 = vector.broadcast %div3A_117 : vector<300x1xf32> to vector<300x32xf32>
    %sub3A_128 = arith.subf %squeeze3A_111, %sub3A_127 : vector<300x32xf32>
    %add3A_129 = arith.constant 9.99999974E-6 : f32
    %add3A_130 = vector.broadcast %add3A_129 : f32 to vector<300x1xf32>
    %add3A_131 = arith.addf %div3A_126, %add3A_130 : vector<300x1xf32>
    %sqrt3A_132 = math.sqrt %add3A_131 : vector<300x1xf32>
    %div3A_133 = vector.broadcast %sqrt3A_132 : vector<300x1xf32> to vector<300x32xf32>
    %div3A_134 = arith.divf %sub3A_128, %div3A_133 : vector<300x32xf32>
    %dot_general3A_135 = arith.constant dense<0.000000e+00> : vector<300x384xf32>
    %dot_general3A_136 = tpu.matmul %div3A_134, %get3A_10, %dot_general3A_135 {dimension_numbers = #tpu.dot_dimension_numbers<[1], [0], [0], [1], [0, 0, 1, 1], [], []>, transpose_lhs_hint = false} : vector<300x32xf32>, vector<32x384xf32>, vector<300x384xf32> -> vector<300x384xf32>
    %slice3A_137 = vector.extract_strided_slice %dot_general3A_136 {offsets = [0, 0], sizes = [300, 128], strides = [1, 1]} : vector<300x384xf32> to vector<300x128xf32>
    %slice3A_138 = vector.extract_strided_slice %dot_general3A_136 {offsets = [0, 128], sizes = [300, 128], strides = [1, 1]} : vector<300x384xf32> to vector<300x128xf32>
    %slice3A_139 = vector.extract_strided_slice %dot_general3A_136 {offsets = [0, 256], sizes = [300, 128], strides = [1, 1]} : vector<300x384xf32> to vector<300x128xf32>
    %dot_general3A_140 = arith.constant dense<0.000000e+00> : vector<300x300xf32>
    %dot_general3A_141 = tpu.matmul %slice3A_137, %slice3A_138, %dot_general3A_140 {dimension_numbers = #tpu.dot_dimension_numbers<[1], [1], [0], [0], [0, 0, 1, 0], [], []>, transpose_lhs_hint = false} : vector<300x128xf32>, vector<300x128xf32>, vector<300x300xf32> -> vector<300x300xf32>
    %add3A_142 = arith.addf %dot_general3A_141, %select_n3A : vector<300x300xf32>
    %exp3A_143 = math.exp %add3A_142 : vector<300x300xf32>
    %dot_general3A_144 = arith.constant dense<0.000000e+00> : vector<300x128xf32>
    %dot_general3A_145 = tpu.matmul %exp3A_143, %slice3A_139, %dot_general3A_144 {dimension_numbers = #tpu.dot_dimension_numbers<[1], [0], [0], [1], [0, 0, 1, 1], [], []>, transpose_lhs_hint = false} : vector<300x300xf32>, vector<300x128xf32>, vector<300x128xf32> -> vector<300x128xf32>
    %reduce_sum3A_146 = arith.constant dense<0.000000e+00> : vector<300xf32>
    %reduce_sum3A_147 = vector.multi_reduction <add>, %exp3A_143, %reduce_sum3A_146 [1] : vector<300x300xf32> to vector<300xf32>
    %broadcast_in_dim3A_148 = vector.shape_cast %reduce_sum3A_147 : vector<300xf32> to vector<300x1xf32>
    %div3A_149 = vector.broadcast %broadcast_in_dim3A_148 : vector<300x1xf32> to vector<300x128xf32>
    %div3A_150 = arith.divf %dot_general3A_145, %div3A_149 : vector<300x128xf32>
    %dot_general3A_151 = arith.constant dense<0.000000e+00> : vector<300x128xf32>
    %dot_general3A_152 = tpu.matmul %squeeze3A_111, %get3A_16, %dot_general3A_151 {dimension_numbers = #tpu.dot_dimension_numbers<[1], [0], [0], [1], [0, 0, 1, 1], [], []>, transpose_lhs_hint = false} : vector<300x32xf32>, vector<32x128xf32>, vector<300x128xf32> -> vector<300x128xf32>
    %dot_general3A_153 = arith.constant dense<0.000000e+00> : vector<300x128xf32>
    %dot_general3A_154 = tpu.matmul %div3A_150, %get3A_13, %dot_general3A_153 {dimension_numbers = #tpu.dot_dimension_numbers<[1], [0], [0], [1], [0, 0, 1, 1], [], []>, transpose_lhs_hint = false} : vector<300x128xf32>, vector<128x128xf32>, vector<300x128xf32> -> vector<300x128xf32>
    %add3A_155 = arith.addf %dot_general3A_152, %dot_general3A_154 : vector<300x128xf32>
    %swap3A_156 = arith.constant 2 : index
    %swap3A_157 = arith.constant 0 : index
    %swap3A_158 = arith.constant 0 : index
    %swap3A_159 = vector.load %arg19[%swap3A_156, %swap3A_157, %swap3A_158] : memref<24x300x128xf32, #tpu.memory_space<vmem>>, vector<1x300x128xf32>
    %swap3A_160 = vector.shape_cast %swap3A_159 : vector<1x300x128xf32> to vector<300x128xf32>
    %swap3A_161 = vector.shape_cast %add3A_155 : vector<300x128xf32> to vector<1x300x128xf32>
    tpu.vector_store %arg19[%swap3A_156, %swap3A_157, %swap3A_158], %swap3A_161 {strides = array<i32>} : memref<24x300x128xf32, #tpu.memory_space<vmem>>, vector<1x300x128xf32>,
    %slice3A_162 = vector.extract_strided_slice %get3A_4 {offsets = [3, 0, 0], sizes = [1, 300, 32], strides = [1, 1, 1]} : vector<24x300x32xf32> to vector<1x300x32xf32>
    %squeeze3A_163 = vector.shape_cast %slice3A_162 : vector<1x300x32xf32> to vector<300x32xf32>
    %reduce_sum3A_164 = arith.constant dense<0.000000e+00> : vector<300xf32>
    %reduce_sum3A_165 = vector.multi_reduction <add>, %squeeze3A_163, %reduce_sum3A_164 [1] : vector<300x32xf32> to vector<300xf32>
    %broadcast_in_dim3A_166 = vector.shape_cast %reduce_sum3A_165 : vector<300xf32> to vector<300x1xf32>
    %div3A_167 = arith.constant 3.200000e+01 : f32
    %div3A_168 = vector.broadcast %div3A_167 : f32 to vector<300x1xf32>
    %div3A_169 = arith.divf %broadcast_in_dim3A_166, %div3A_168 : vector<300x1xf32>
    %sub3A_170 = vector.broadcast %div3A_169 : vector<300x1xf32> to vector<300x32xf32>
    %sub3A_171 = arith.subf %squeeze3A_163, %sub3A_170 : vector<300x32xf32>
    %integer_pow3A_172 = arith.mulf %sub3A_171, %sub3A_171 : vector<300x32xf32>
    %reduce_sum3A_173 = arith.constant dense<0.000000e+00> : vector<300xf32>
    %reduce_sum3A_174 = vector.multi_reduction <add>, %integer_pow3A_172, %reduce_sum3A_173 [1] : vector<300x32xf32> to vector<300xf32>
    %broadcast_in_dim3A_175 = vector.shape_cast %reduce_sum3A_174 : vector<300xf32> to vector<300x1xf32>
    %div3A_176 = arith.constant 3.200000e+01 : f32
    %div3A_177 = vector.broadcast %div3A_176 : f32 to vector<300x1xf32>
    %div3A_178 = arith.divf %broadcast_in_dim3A_175, %div3A_177 : vector<300x1xf32>
    %sub3A_179 = vector.broadcast %div3A_169 : vector<300x1xf32> to vector<300x32xf32>
    %sub3A_180 = arith.subf %squeeze3A_163, %sub3A_179 : vector<300x32xf32>
    %add3A_181 = arith.constant 9.99999974E-6 : f32
    %add3A_182 = vector.broadcast %add3A_181 : f32 to vector<300x1xf32>
    %add3A_183 = arith.addf %div3A_178, %add3A_182 : vector<300x1xf32>
    %sqrt3A_184 = math.sqrt %add3A_183 : vector<300x1xf32>
    %div3A_185 = vector.broadcast %sqrt3A_184 : vector<300x1xf32> to vector<300x32xf32>
    %div3A_186 = arith.divf %sub3A_180, %div3A_185 : vector<300x32xf32>
    %dot_general3A_187 = arith.constant dense<0.000000e+00> : vector<300x384xf32>
    %dot_general3A_188 = tpu.matmul %div3A_186, %get3A_10, %dot_general3A_187 {dimension_numbers = #tpu.dot_dimension_numbers<[1], [0], [0], [1], [0, 0, 1, 1], [], []>, transpose_lhs_hint = false} : vector<300x32xf32>, vector<32x384xf32>, vector<300x384xf32> -> vector<300x384xf32>
    %slice3A_189 = vector.extract_strided_slice %dot_general3A_188 {offsets = [0, 0], sizes = [300, 128], strides = [1, 1]} : vector<300x384xf32> to vector<300x128xf32>
    %slice3A_190 = vector.extract_strided_slice %dot_general3A_188 {offsets = [0, 128], sizes = [300, 128], strides = [1, 1]} : vector<300x384xf32> to vector<300x128xf32>
    %slice3A_191 = vector.extract_strided_slice %dot_general3A_188 {offsets = [0, 256], sizes = [300, 128], strides = [1, 1]} : vector<300x384xf32> to vector<300x128xf32>
    %dot_general3A_192 = arith.constant dense<0.000000e+00> : vector<300x300xf32>
    %dot_general3A_193 = tpu.matmul %slice3A_189, %slice3A_190, %dot_general3A_192 {dimension_numbers = #tpu.dot_dimension_numbers<[1], [1], [0], [0], [0, 0, 1, 0], [], []>, transpose_lhs_hint = false} : vector<300x128xf32>, vector<300x128xf32>, vector<300x300xf32> -> vector<300x300xf32>
    %add3A_194 = arith.addf %dot_general3A_193, %select_n3A : vector<300x300xf32>
    %exp3A_195 = math.exp %add3A_194 : vector<300x300xf32>
    %dot_general3A_196 = arith.constant dense<0.000000e+00> : vector<300x128xf32>
    %dot_general3A_197 = tpu.matmul %exp3A_195, %slice3A_191, %dot_general3A_196 {dimension_numbers = #tpu.dot_dimension_numbers<[1], [0], [0], [1], [0, 0, 1, 1], [], []>, transpose_lhs_hint = false} : vector<300x300xf32>, vector<300x128xf32>, vector<300x128xf32> -> vector<300x128xf32>
    %reduce_sum3A_198 = arith.constant dense<0.000000e+00> : vector<300xf32>
    %reduce_sum3A_199 = vector.multi_reduction <add>, %exp3A_195, %reduce_sum3A_198 [1] : vector<300x300xf32> to vector<300xf32>
    %broadcast_in_dim3A_200 = vector.shape_cast %reduce_sum3A_199 : vector<300xf32> to vector<300x1xf32>
    %div3A_201 = vector.broadcast %broadcast_in_dim3A_200 : vector<300x1xf32> to vector<300x128xf32>
    %div3A_202 = arith.divf %dot_general3A_197, %div3A_201 : vector<300x128xf32>
    %dot_general3A_203 = arith.constant dense<0.000000e+00> : vector<300x128xf32>
    %dot_general3A_204 = tpu.matmul %squeeze3A_163, %get3A_16, %dot_general3A_203 {dimension_numbers = #tpu.dot_dimension_numbers<[1], [0], [0], [1], [0, 0, 1, 1], [], []>, transpose_lhs_hint = false} : vector<300x32xf32>, vector<32x128xf32>, vector<300x128xf32> -> vector<300x128xf32>
    %dot_general3A_205 = arith.constant dense<0.000000e+00> : vector<300x128xf32>
    %dot_general3A_206 = tpu.matmul %div3A_202, %get3A_13, %dot_general3A_205 {dimension_numbers = #tpu.dot_dimension_numbers<[1], [0], [0], [1], [0, 0, 1, 1], [], []>, transpose_lhs_hint = false} : vector<300x128xf32>, vector<128x128xf32>, vector<300x128xf32> -> vector<300x128xf32>
    %add3A_207 = arith.addf %dot_general3A_204, %dot_general3A_206 : vector<300x128xf32>
    %swap3A_208 = arith.constant 3 : index
    %swap3A_209 = arith.constant 0 : index
    %swap3A_210 = arith.constant 0 : index
    %swap3A_211 = vector.load %arg19[%swap3A_208, %swap3A_209, %swap3A_210] : memref<24x300x128xf32, #tpu.memory_space<vmem>>, vector<1x300x128xf32>
    %swap3A_212 = vector.shape_cast %swap3A_211 : vector<1x300x128xf32> to vector<300x128xf32>
    %swap3A_213 = vector.shape_cast %add3A_207 : vector<300x128xf32> to vector<1x300x128xf32>
    tpu.vector_store %arg19[%swap3A_208, %swap3A_209, %swap3A_210], %swap3A_213 {strides = array<i32>} : memref<24x300x128xf32, #tpu.memory_space<vmem>>, vector<1x300x128xf32>,
    %slice3A_214 = vector.extract_strided_slice %get3A_4 {offsets = [4, 0, 0], sizes = [1, 300, 32], strides = [1, 1, 1]} : vector<24x300x32xf32> to vector<1x300x32xf32>
    %squeeze3A_215 = vector.shape_cast %slice3A_214 : vector<1x300x32xf32> to vector<300x32xf32>
    %reduce_sum3A_216 = arith.constant dense<0.000000e+00> : vector<300xf32>
    %reduce_sum3A_217 = vector.multi_reduction <add>, %squeeze3A_215, %reduce_sum3A_216 [1] : vector<300x32xf32> to vector<300xf32>
    %broadcast_in_dim3A_218 = vector.shape_cast %reduce_sum3A_217 : vector<300xf32> to vector<300x1xf32>
    %div3A_219 = arith.constant 3.200000e+01 : f32
    %div3A_220 = vector.broadcast %div3A_219 : f32 to vector<300x1xf32>
    %div3A_221 = arith.divf %broadcast_in_dim3A_218, %div3A_220 : vector<300x1xf32>
    %sub3A_222 = vector.broadcast %div3A_221 : vector<300x1xf32> to vector<300x32xf32>
    %sub3A_223 = arith.subf %squeeze3A_215, %sub3A_222 : vector<300x32xf32>
    %integer_pow3A_224 = arith.mulf %sub3A_223, %sub3A_223 : vector<300x32xf32>
    %reduce_sum3A_225 = arith.constant dense<0.000000e+00> : vector<300xf32>
    %reduce_sum3A_226 = vector.multi_reduction <add>, %integer_pow3A_224, %reduce_sum3A_225 [1] : vector<300x32xf32> to vector<300xf32>
    %broadcast_in_dim3A_227 = vector.shape_cast %reduce_sum3A_226 : vector<300xf32> to vector<300x1xf32>
    %div3A_228 = arith.constant 3.200000e+01 : f32
    %div3A_229 = vector.broadcast %div3A_228 : f32 to vector<300x1xf32>
    %div3A_230 = arith.divf %broadcast_in_dim3A_227, %div3A_229 : vector<300x1xf32>
    %sub3A_231 = vector.broadcast %div3A_221 : vector<300x1xf32> to vector<300x32xf32>
    %sub3A_232 = arith.subf %squeeze3A_215, %sub3A_231 : vector<300x32xf32>
    %add3A_233 = arith.constant 9.99999974E-6 : f32
    %add3A_234 = vector.broadcast %add3A_233 : f32 to vector<300x1xf32>
    %add3A_235 = arith.addf %div3A_230, %add3A_234 : vector<300x1xf32>
    %sqrt3A_236 = math.sqrt %add3A_235 : vector<300x1xf32>
    %div3A_237 = vector.broadcast %sqrt3A_236 : vector<300x1xf32> to vector<300x32xf32>
    %div3A_238 = arith.divf %sub3A_232, %div3A_237 : vector<300x32xf32>
    %dot_general3A_239 = arith.constant dense<0.000000e+00> : vector<300x384xf32>
    %dot_general3A_240 = tpu.matmul %div3A_238, %get3A_10, %dot_general3A_239 {dimension_numbers = #tpu.dot_dimension_numbers<[1], [0], [0], [1], [0, 0, 1, 1], [], []>, transpose_lhs_hint = false} : vector<300x32xf32>, vector<32x384xf32>, vector<300x384xf32> -> vector<300x384xf32>
    %slice3A_241 = vector.extract_strided_slice %dot_general3A_240 {offsets = [0, 0], sizes = [300, 128], strides = [1, 1]} : vector<300x384xf32> to vector<300x128xf32>
    %slice3A_242 = vector.extract_strided_slice %dot_general3A_240 {offsets = [0, 128], sizes = [300, 128], strides = [1, 1]} : vector<300x384xf32> to vector<300x128xf32>
    %slice3A_243 = vector.extract_strided_slice %dot_general3A_240 {offsets = [0, 256], sizes = [300, 128], strides = [1, 1]} : vector<300x384xf32> to vector<300x128xf32>
    %dot_general3A_244 = arith.constant dense<0.000000e+00> : vector<300x300xf32>
    %dot_general3A_245 = tpu.matmul %slice3A_241, %slice3A_242, %dot_general3A_244 {dimension_numbers = #tpu.dot_dimension_numbers<[1], [1], [0], [0], [0, 0, 1, 0], [], []>, transpose_lhs_hint = false} : vector<300x128xf32>, vector<300x128xf32>, vector<300x300xf32> -> vector<300x300xf32>
    %add3A_246 = arith.addf %dot_general3A_245, %select_n3A : vector<300x300xf32>
    %exp3A_247 = math.exp %add3A_246 : vector<300x300xf32>
    %dot_general3A_248 = arith.constant dense<0.000000e+00> : vector<300x128xf32>
    %dot_general3A_249 = tpu.matmul %exp3A_247, %slice3A_243, %dot_general3A_248 {dimension_numbers = #tpu.dot_dimension_numbers<[1], [0], [0], [1], [0, 0, 1, 1], [], []>, transpose_lhs_hint = false} : vector<300x300xf32>, vector<300x128xf32>, vector<300x128xf32> -> vector<300x128xf32>
    %reduce_sum3A_250 = arith.constant dense<0.000000e+00> : vector<300xf32>
    %reduce_sum3A_251 = vector.multi_reduction <add>, %exp3A_247, %reduce_sum3A_250 [1] : vector<300x300xf32> to vector<300xf32>
    %broadcast_in_dim3A_252 = vector.shape_cast %reduce_sum3A_251 : vector<300xf32> to vector<300x1xf32>
    %div3A_253 = vector.broadcast %broadcast_in_dim3A_252 : vector<300x1xf32> to vector<300x128xf32>
    %div3A_254 = arith.divf %dot_general3A_249, %div3A_253 : vector<300x128xf32>
    %dot_general3A_255 = arith.constant dense<0.000000e+00> : vector<300x128xf32>
    %dot_general3A_256 = tpu.matmul %squeeze3A_215, %get3A_16, %dot_general3A_255 {dimension_numbers = #tpu.dot_dimension_numbers<[1], [0], [0], [1], [0, 0, 1, 1], [], []>, transpose_lhs_hint = false} : vector<300x32xf32>, vector<32x128xf32>, vector<300x128xf32> -> vector<300x128xf32>
    %dot_general3A_257 = arith.constant dense<0.000000e+00> : vector<300x128xf32>
    %dot_general3A_258 = tpu.matmul %div3A_254, %get3A_13, %dot_general3A_257 {dimension_numbers = #tpu.dot_dimension_numbers<[1], [0], [0], [1], [0, 0, 1, 1], [], []>, transpose_lhs_hint = false} : vector<300x128xf32>, vector<128x128xf32>, vector<300x128xf32> -> vector<300x128xf32>
    %add3A_259 = arith.addf %dot_general3A_256, %dot_general3A_258 : vector<300x128xf32>
    %swap3A_260 = arith.constant 4 : index
    %swap3A_261 = arith.constant 0 : index
    %swap3A_262 = arith.constant 0 : index
    %swap3A_263 = vector.load %arg19[%swap3A_260, %swap3A_261, %swap3A_262] : memref<24x300x128xf32, #tpu.memory_space<vmem>>, vector<1x300x128xf32>
    %swap3A_264 = vector.shape_cast %swap3A_263 : vector<1x300x128xf32> to vector<300x128xf32>
    %swap3A_265 = vector.shape_cast %add3A_259 : vector<300x128xf32> to vector<1x300x128xf32>
    tpu.vector_store %arg19[%swap3A_260, %swap3A_261, %swap3A_262], %swap3A_265 {strides = array<i32>} : memref<24x300x128xf32, #tpu.memory_space<vmem>>, vector<1x300x128xf32>,
    %slice3A_266 = vector.extract_strided_slice %get3A_4 {offsets = [5, 0, 0], sizes = [1, 300, 32], strides = [1, 1, 1]} : vector<24x300x32xf32> to vector<1x300x32xf32>
    %squeeze3A_267 = vector.shape_cast %slice3A_266 : vector<1x300x32xf32> to vector<300x32xf32>
    %reduce_sum3A_268 = arith.constant dense<0.000000e+00> : vector<300xf32>
    %reduce_sum3A_269 = vector.multi_reduction <add>, %squeeze3A_267, %reduce_sum3A_268 [1] : vector<300x32xf32> to vector<300xf32>
    %broadcast_in_dim3A_270 = vector.shape_cast %reduce_sum3A_269 : vector<300xf32> to vector<300x1xf32>
    %div3A_271 = arith.constant 3.200000e+01 : f32
    %div3A_272 = vector.broadcast %div3A_271 : f32 to vector<300x1xf32>
    %div3A_273 = arith.divf %broadcast_in_dim3A_270, %div3A_272 : vector<300x1xf32>
    %sub3A_274 = vector.broadcast %div3A_273 : vector<300x1xf32> to vector<300x32xf32>
    %sub3A_275 = arith.subf %squeeze3A_267, %sub3A_274 : vector<300x32xf32>
    %integer_pow3A_276 = arith.mulf %sub3A_275, %sub3A_275 : vector<300x32xf32>
    %reduce_sum3A_277 = arith.constant dense<0.000000e+00> : vector<300xf32>
    %reduce_sum3A_278 = vector.multi_reduction <add>, %integer_pow3A_276, %reduce_sum3A_277 [1] : vector<300x32xf32> to vector<300xf32>
    %broadcast_in_dim3A_279 = vector.shape_cast %reduce_sum3A_278 : vector<300xf32> to vector<300x1xf32>
    %div3A_280 = arith.constant 3.200000e+01 : f32
    %div3A_281 = vector.broadcast %div3A_280 : f32 to vector<300x1xf32>
    %div3A_282 = arith.divf %broadcast_in_dim3A_279, %div3A_281 : vector<300x1xf32>
    %sub3A_283 = vector.broadcast %div3A_273 : vector<300x1xf32> to vector<300x32xf32>
    %sub3A_284 = arith.subf %squeeze3A_267, %sub3A_283 : vector<300x32xf32>
    %add3A_285 = arith.constant 9.99999974E-6 : f32
    %add3A_286 = vector.broadcast %add3A_285 : f32 to vector<300x1xf32>
    %add3A_287 = arith.addf %div3A_282, %add3A_286 : vector<300x1xf32>
    %sqrt3A_288 = math.sqrt %add3A_287 : vector<300x1xf32>
    %div3A_289 = vector.broadcast %sqrt3A_288 : vector<300x1xf32> to vector<300x32xf32>
    %div3A_290 = arith.divf %sub3A_284, %div3A_289 : vector<300x32xf32>
    %dot_general3A_291 = arith.constant dense<0.000000e+00> : vector<300x384xf32>
    %dot_general3A_292 = tpu.matmul %div3A_290, %get3A_10, %dot_general3A_291 {dimension_numbers = #tpu.dot_dimension_numbers<[1], [0], [0], [1], [0, 0, 1, 1], [], []>, transpose_lhs_hint = false} : vector<300x32xf32>, vector<32x384xf32>, vector<300x384xf32> -> vector<300x384xf32>
    %slice3A_293 = vector.extract_strided_slice %dot_general3A_292 {offsets = [0, 0], sizes = [300, 128], strides = [1, 1]} : vector<300x384xf32> to vector<300x128xf32>
    %slice3A_294 = vector.extract_strided_slice %dot_general3A_292 {offsets = [0, 128], sizes = [300, 128], strides = [1, 1]} : vector<300x384xf32> to vector<300x128xf32>
    %slice3A_295 = vector.extract_strided_slice %dot_general3A_292 {offsets = [0, 256], sizes = [300, 128], strides = [1, 1]} : vector<300x384xf32> to vector<300x128xf32>
    %dot_general3A_296 = arith.constant dense<0.000000e+00> : vector<300x300xf32>
    %dot_general3A_297 = tpu.matmul %slice3A_293, %slice3A_294, %dot_general3A_296 {dimension_numbers = #tpu.dot_dimension_numbers<[1], [1], [0], [0], [0, 0, 1, 0], [], []>, transpose_lhs_hint = false} : vector<300x128xf32>, vector<300x128xf32>, vector<300x300xf32> -> vector<300x300xf32>
    %add3A_298 = arith.addf %dot_general3A_297, %select_n3A : vector<300x300xf32>
    %exp3A_299 = math.exp %add3A_298 : vector<300x300xf32>
    %dot_general3A_300 = arith.constant dense<0.000000e+00> : vector<300x128xf32>
    %dot_general3A_301 = tpu.matmul %exp3A_299, %slice3A_295, %dot_general3A_300 {dimension_numbers = #tpu.dot_dimension_numbers<[1], [0], [0], [1], [0, 0, 1, 1], [], []>, transpose_lhs_hint = false} : vector<300x300xf32>, vector<300x128xf32>, vector<300x128xf32> -> vector<300x128xf32>
    %reduce_sum3A_302 = arith.constant dense<0.000000e+00> : vector<300xf32>
    %reduce_sum3A_303 = vector.multi_reduction <add>, %exp3A_299, %reduce_sum3A_302 [1] : vector<300x300xf32> to vector<300xf32>
    %broadcast_in_dim3A_304 = vector.shape_cast %reduce_sum3A_303 : vector<300xf32> to vector<300x1xf32>
    %div3A_305 = vector.broadcast %broadcast_in_dim3A_304 : vector<300x1xf32> to vector<300x128xf32>
    %div3A_306 = arith.divf %dot_general3A_301, %div3A_305 : vector<300x128xf32>
    %dot_general3A_307 = arith.constant dense<0.000000e+00> : vector<300x128xf32>
    %dot_general3A_308 = tpu.matmul %squeeze3A_267, %get3A_16, %dot_general3A_307 {dimension_numbers = #tpu.dot_dimension_numbers<[1], [0], [0], [1], [0, 0, 1, 1], [], []>, transpose_lhs_hint = false} : vector<300x32xf32>, vector<32x128xf32>, vector<300x128xf32> -> vector<300x128xf32>
    %dot_general3A_309 = arith.constant dense<0.000000e+00> : vector<300x128xf32>
    %dot_general3A_310 = tpu.matmul %div3A_306, %get3A_13, %dot_general3A_309 {dimension_numbers = #tpu.dot_dimension_numbers<[1], [0], [0], [1], [0, 0, 1, 1], [], []>, transpose_lhs_hint = false} : vector<300x128xf32>, vector<128x128xf32>, vector<300x128xf32> -> vector<300x128xf32>
    %add3A_311 = arith.addf %dot_general3A_308, %dot_general3A_310 : vector<300x128xf32>
    %swap3A_312 = arith.constant 5 : index
    %swap3A_313 = arith.constant 0 : index
    %swap3A_314 = arith.constant 0 : index
    %swap3A_315 = vector.load %arg19[%swap3A_312, %swap3A_313, %swap3A_314] : memref<24x300x128xf32, #tpu.memory_space<vmem>>, vector<1x300x128xf32>
    %swap3A_316 = vector.shape_cast %swap3A_315 : vector<1x300x128xf32> to vector<300x128xf32>
    %swap3A_317 = vector.shape_cast %add3A_311 : vector<300x128xf32> to vector<1x300x128xf32>
    tpu.vector_store %arg19[%swap3A_312, %swap3A_313, %swap3A_314], %swap3A_317 {strides = array<i32>} : memref<24x300x128xf32, #tpu.memory_space<vmem>>, vector<1x300x128xf32>,
    %slice3A_318 = vector.extract_strided_slice %get3A_4 {offsets = [6, 0, 0], sizes = [1, 300, 32], strides = [1, 1, 1]} : vector<24x300x32xf32> to vector<1x300x32xf32>
    %squeeze3A_319 = vector.shape_cast %slice3A_318 : vector<1x300x32xf32> to vector<300x32xf32>
    %reduce_sum3A_320 = arith.constant dense<0.000000e+00> : vector<300xf32>
    %reduce_sum3A_321 = vector.multi_reduction <add>, %squeeze3A_319, %reduce_sum3A_320 [1] : vector<300x32xf32> to vector<300xf32>
    %broadcast_in_dim3A_322 = vector.shape_cast %reduce_sum3A_321 : vector<300xf32> to vector<300x1xf32>
    %div3A_323 = arith.constant 3.200000e+01 : f32
    %div3A_324 = vector.broadcast %div3A_323 : f32 to vector<300x1xf32>
    %div3A_325 = arith.divf %broadcast_in_dim3A_322, %div3A_324 : vector<300x1xf32>
    %sub3A_326 = vector.broadcast %div3A_325 : vector<300x1xf32> to vector<300x32xf32>
    %sub3A_327 = arith.subf %squeeze3A_319, %sub3A_326 : vector<300x32xf32>
    %integer_pow3A_328 = arith.mulf %sub3A_327, %sub3A_327 : vector<300x32xf32>
    %reduce_sum3A_329 = arith.constant dense<0.000000e+00> : vector<300xf32>
    %reduce_sum3A_330 = vector.multi_reduction <add>, %integer_pow3A_328, %reduce_sum3A_329 [1] : vector<300x32xf32> to vector<300xf32>
    %broadcast_in_dim3A_331 = vector.shape_cast %reduce_sum3A_330 : vector<300xf32> to vector<300x1xf32>
    %div3A_332 = arith.constant 3.200000e+01 : f32
    %div3A_333 = vector.broadcast %div3A_332 : f32 to vector<300x1xf32>
    %div3A_334 = arith.divf %broadcast_in_dim3A_331, %div3A_333 : vector<300x1xf32>
    %sub3A_335 = vector.broadcast %div3A_325 : vector<300x1xf32> to vector<300x32xf32>
    %sub3A_336 = arith.subf %squeeze3A_319, %sub3A_335 : vector<300x32xf32>
    %add3A_337 = arith.constant 9.99999974E-6 : f32
    %add3A_338 = vector.broadcast %add3A_337 : f32 to vector<300x1xf32>
    %add3A_339 = arith.addf %div3A_334, %add3A_338 : vector<300x1xf32>
    %sqrt3A_340 = math.sqrt %add3A_339 : vector<300x1xf32>
    %div3A_341 = vector.broadcast %sqrt3A_340 : vector<300x1xf32> to vector<300x32xf32>
    %div3A_342 = arith.divf %sub3A_336, %div3A_341 : vector<300x32xf32>
    %dot_general3A_343 = arith.constant dense<0.000000e+00> : vector<300x384xf32>
    %dot_general3A_344 = tpu.matmul %div3A_342, %get3A_10, %dot_general3A_343 {dimension_numbers = #tpu.dot_dimension_numbers<[1], [0], [0], [1], [0, 0, 1, 1], [], []>, transpose_lhs_hint = false} : vector<300x32xf32>, vector<32x384xf32>, vector<300x384xf32> -> vector<300x384xf32>
    %slice3A_345 = vector.extract_strided_slice %dot_general3A_344 {offsets = [0, 0], sizes = [300, 128], strides = [1, 1]} : vector<300x384xf32> to vector<300x128xf32>
    %slice3A_346 = vector.extract_strided_slice %dot_general3A_344 {offsets = [0, 128], sizes = [300, 128], strides = [1, 1]} : vector<300x384xf32> to vector<300x128xf32>
    %slice3A_347 = vector.extract_strided_slice %dot_general3A_344 {offsets = [0, 256], sizes = [300, 128], strides = [1, 1]} : vector<300x384xf32> to vector<300x128xf32>
    %dot_general3A_348 = arith.constant dense<0.000000e+00> : vector<300x300xf32>
    %dot_general3A_349 = tpu.matmul %slice3A_345, %slice3A_346, %dot_general3A_348 {dimension_numbers = #tpu.dot_dimension_numbers<[1], [1], [0], [0], [0, 0, 1, 0], [], []>, transpose_lhs_hint = false} : vector<300x128xf32>, vector<300x128xf32>, vector<300x300xf32> -> vector<300x300xf32>
    %add3A_350 = arith.addf %dot_general3A_349, %select_n3A : vector<300x300xf32>
    %exp3A_351 = math.exp %add3A_350 : vector<300x300xf32>
    %dot_general3A_352 = arith.constant dense<0.000000e+00> : vector<300x128xf32>
    %dot_general3A_353 = tpu.matmul %exp3A_351, %slice3A_347, %dot_general3A_352 {dimension_numbers = #tpu.dot_dimension_numbers<[1], [0], [0], [1], [0, 0, 1, 1], [], []>, transpose_lhs_hint = false} : vector<300x300xf32>, vector<300x128xf32>, vector<300x128xf32> -> vector<300x128xf32>
    %reduce_sum3A_354 = arith.constant dense<0.000000e+00> : vector<300xf32>
    %reduce_sum3A_355 = vector.multi_reduction <add>, %exp3A_351, %reduce_sum3A_354 [1] : vector<300x300xf32> to vector<300xf32>
    %broadcast_in_dim3A_356 = vector.shape_cast %reduce_sum3A_355 : vector<300xf32> to vector<300x1xf32>
    %div3A_357 = vector.broadcast %broadcast_in_dim3A_356 : vector<300x1xf32> to vector<300x128xf32>
    %div3A_358 = arith.divf %dot_general3A_353, %div3A_357 : vector<300x128xf32>
    %dot_general3A_359 = arith.constant dense<0.000000e+00> : vector<300x128xf32>
    %dot_general3A_360 = tpu.matmul %squeeze3A_319, %get3A_16, %dot_general3A_359 {dimension_numbers = #tpu.dot_dimension_numbers<[1], [0], [0], [1], [0, 0, 1, 1], [], []>, transpose_lhs_hint = false} : vector<300x32xf32>, vector<32x128xf32>, vector<300x128xf32> -> vector<300x128xf32>
    %dot_general3A_361 = arith.constant dense<0.000000e+00> : vector<300x128xf32>
    %dot_general3A_362 = tpu.matmul %div3A_358, %get3A_13, %dot_general3A_361 {dimension_numbers = #tpu.dot_dimension_numbers<[1], [0], [0], [1], [0, 0, 1, 1], [], []>, transpose_lhs_hint = false} : vector<300x128xf32>, vector<128x128xf32>, vector<300x128xf32> -> vector<300x128xf32>
    %add3A_363 = arith.addf %dot_general3A_360, %dot_general3A_362 : vector<300x128xf32>
    %swap3A_364 = arith.constant 6 : index
    %swap3A_365 = arith.constant 0 : index
    %swap3A_366 = arith.constant 0 : index
    %swap3A_367 = vector.load %arg19[%swap3A_364, %swap3A_365, %swap3A_366] : memref<24x300x128xf32, #tpu.memory_space<vmem>>, vector<1x300x128xf32>
    %swap3A_368 = vector.shape_cast %swap3A_367 : vector<1x300x128xf32> to vector<300x128xf32>
    %swap3A_369 = vector.shape_cast %add3A_363 : vector<300x128xf32> to vector<1x300x128xf32>
    tpu.vector_store %arg19[%swap3A_364, %swap3A_365, %swap3A_366], %swap3A_369 {strides = array<i32>} : memref<24x300x128xf32, #tpu.memory_space<vmem>>, vector<1x300x128xf32>,
    %slice3A_370 = vector.extract_strided_slice %get3A_4 {offsets = [7, 0, 0], sizes = [1, 300, 32], strides = [1, 1, 1]} : vector<24x300x32xf32> to vector<1x300x32xf32>
    %squeeze3A_371 = vector.shape_cast %slice3A_370 : vector<1x300x32xf32> to vector<300x32xf32>
    %reduce_sum3A_372 = arith.constant dense<0.000000e+00> : vector<300xf32>
    %reduce_sum3A_373 = vector.multi_reduction <add>, %squeeze3A_371, %reduce_sum3A_372 [1] : vector<300x32xf32> to vector<300xf32>
    %broadcast_in_dim3A_374 = vector.shape_cast %reduce_sum3A_373 : vector<300xf32> to vector<300x1xf32>
    %div3A_375 = arith.constant 3.200000e+01 : f32
    %div3A_376 = vector.broadcast %div3A_375 : f32 to vector<300x1xf32>
    %div3A_377 = arith.divf %broadcast_in_dim3A_374, %div3A_376 : vector<300x1xf32>
    %sub3A_378 = vector.broadcast %div3A_377 : vector<300x1xf32> to vector<300x32xf32>
    %sub3A_379 = arith.subf %squeeze3A_371, %sub3A_378 : vector<300x32xf32>
    %integer_pow3A_380 = arith.mulf %sub3A_379, %sub3A_379 : vector<300x32xf32>
    %reduce_sum3A_381 = arith.constant dense<0.000000e+00> : vector<300xf32>
    %reduce_sum3A_382 = vector.multi_reduction <add>, %integer_pow3A_380, %reduce_sum3A_381 [1] : vector<300x32xf32> to vector<300xf32>
    %broadcast_in_dim3A_383 = vector.shape_cast %reduce_sum3A_382 : vector<300xf32> to vector<300x1xf32>
    %div3A_384 = arith.constant 3.200000e+01 : f32
    %div3A_385 = vector.broadcast %div3A_384 : f32 to vector<300x1xf32>
    %div3A_386 = arith.divf %broadcast_in_dim3A_383, %div3A_385 : vector<300x1xf32>
    %sub3A_387 = vector.broadcast %div3A_377 : vector<300x1xf32> to vector<300x32xf32>
    %sub3A_388 = arith.subf %squeeze3A_371, %sub3A_387 : vector<300x32xf32>
    %add3A_389 = arith.constant 9.99999974E-6 : f32
    %add3A_390 = vector.broadcast %add3A_389 : f32 to vector<300x1xf32>
    %add3A_391 = arith.addf %div3A_386, %add3A_390 : vector<300x1xf32>
    %sqrt3A_392 = math.sqrt %add3A_391 : vector<300x1xf32>
    %div3A_393 = vector.broadcast %sqrt3A_392 : vector<300x1xf32> to vector<300x32xf32>
    %div3A_394 = arith.divf %sub3A_388, %div3A_393 : vector<300x32xf32>
    %dot_general3A_395 = arith.constant dense<0.000000e+00> : vector<300x384xf32>
    %dot_general3A_396 = tpu.matmul %div3A_394, %get3A_10, %dot_general3A_395 {dimension_numbers = #tpu.dot_dimension_numbers<[1], [0], [0], [1], [0, 0, 1, 1], [], []>, transpose_lhs_hint = false} : vector<300x32xf32>, vector<32x384xf32>, vector<300x384xf32> -> vector<300x384xf32>
    %slice3A_397 = vector.extract_strided_slice %dot_general3A_396 {offsets = [0, 0], sizes = [300, 128], strides = [1, 1]} : vector<300x384xf32> to vector<300x128xf32>
    %slice3A_398 = vector.extract_strided_slice %dot_general3A_396 {offsets = [0, 128], sizes = [300, 128], strides = [1, 1]} : vector<300x384xf32> to vector<300x128xf32>
    %slice3A_399 = vector.extract_strided_slice %dot_general3A_396 {offsets = [0, 256], sizes = [300, 128], strides = [1, 1]} : vector<300x384xf32> to vector<300x128xf32>
    %dot_general3A_400 = arith.constant dense<0.000000e+00> : vector<300x300xf32>
    %dot_general3A_401 = tpu.matmul %slice3A_397, %slice3A_398, %dot_general3A_400 {dimension_numbers = #tpu.dot_dimension_numbers<[1], [1], [0], [0], [0, 0, 1, 0], [], []>, transpose_lhs_hint = false} : vector<300x128xf32>, vector<300x128xf32>, vector<300x300xf32> -> vector<300x300xf32>
    %add3A_402 = arith.addf %dot_general3A_401, %select_n3A : vector<300x300xf32>
    %exp3A_403 = math.exp %add3A_402 : vector<300x300xf32>
    %dot_general3A_404 = arith.constant dense<0.000000e+00> : vector<300x128xf32>
    %dot_general3A_405 = tpu.matmul %exp3A_403, %slice3A_399, %dot_general3A_404 {dimension_numbers = #tpu.dot_dimension_numbers<[1], [0], [0], [1], [0, 0, 1, 1], [], []>, transpose_lhs_hint = false} : vector<300x300xf32>, vector<300x128xf32>, vector<300x128xf32> -> vector<300x128xf32>
    %reduce_sum3A_406 = arith.constant dense<0.000000e+00> : vector<300xf32>
    %reduce_sum3A_407 = vector.multi_reduction <add>, %exp3A_403, %reduce_sum3A_406 [1] : vector<300x300xf32> to vector<300xf32>
    %broadcast_in_dim3A_408 = vector.shape_cast %reduce_sum3A_407 : vector<300xf32> to vector<300x1xf32>
    %div3A_409 = vector.broadcast %broadcast_in_dim3A_408 : vector<300x1xf32> to vector<300x128xf32>
    %div3A_410 = arith.divf %dot_general3A_405, %div3A_409 : vector<300x128xf32>
    %dot_general3A_411 = arith.constant dense<0.000000e+00> : vector<300x128xf32>
    %dot_general3A_412 = tpu.matmul %squeeze3A_371, %get3A_16, %dot_general3A_411 {dimension_numbers = #tpu.dot_dimension_numbers<[1], [0], [0], [1], [0, 0, 1, 1], [], []>, transpose_lhs_hint = false} : vector<300x32xf32>, vector<32x128xf32>, vector<300x128xf32> -> vector<300x128xf32>
    %dot_general3A_413 = arith.constant dense<0.000000e+00> : vector<300x128xf32>
    %dot_general3A_414 = tpu.matmul %div3A_410, %get3A_13, %dot_general3A_413 {dimension_numbers = #tpu.dot_dimension_numbers<[1], [0], [0], [1], [0, 0, 1, 1], [], []>, transpose_lhs_hint = false} : vector<300x128xf32>, vector<128x128xf32>, vector<300x128xf32> -> vector<300x128xf32>
    %add3A_415 = arith.addf %dot_general3A_412, %dot_general3A_414 : vector<300x128xf32>
    %swap3A_416 = arith.constant 7 : index
    %swap3A_417 = arith.constant 0 : index
    %swap3A_418 = arith.constant 0 : index
    %swap3A_419 = vector.load %arg19[%swap3A_416, %swap3A_417, %swap3A_418] : memref<24x300x128xf32, #tpu.memory_space<vmem>>, vector<1x300x128xf32>
    %swap3A_420 = vector.shape_cast %swap3A_419 : vector<1x300x128xf32> to vector<300x128xf32>
    %swap3A_421 = vector.shape_cast %add3A_415 : vector<300x128xf32> to vector<1x300x128xf32>
    tpu.vector_store %arg19[%swap3A_416, %swap3A_417, %swap3A_418], %swap3A_421 {strides = array<i32>} : memref<24x300x128xf32, #tpu.memory_space<vmem>>, vector<1x300x128xf32>,
    %slice3A_422 = vector.extract_strided_slice %get3A_4 {offsets = [8, 0, 0], sizes = [1, 300, 32], strides = [1, 1, 1]} : vector<24x300x32xf32> to vector<1x300x32xf32>
    %squeeze3A_423 = vector.shape_cast %slice3A_422 : vector<1x300x32xf32> to vector<300x32xf32>
    %reduce_sum3A_424 = arith.constant dense<0.000000e+00> : vector<300xf32>
    %reduce_sum3A_425 = vector.multi_reduction <add>, %squeeze3A_423, %reduce_sum3A_424 [1] : vector<300x32xf32> to vector<300xf32>
    %broadcast_in_dim3A_426 = vector.shape_cast %reduce_sum3A_425 : vector<300xf32> to vector<300x1xf32>
    %div3A_427 = arith.constant 3.200000e+01 : f32
    %div3A_428 = vector.broadcast %div3A_427 : f32 to vector<300x1xf32>
    %div3A_429 = arith.divf %broadcast_in_dim3A_426, %div3A_428 : vector<300x1xf32>
    %sub3A_430 = vector.broadcast %div3A_429 : vector<300x1xf32> to vector<300x32xf32>
    %sub3A_431 = arith.subf %squeeze3A_423, %sub3A_430 : vector<300x32xf32>
    %integer_pow3A_432 = arith.mulf %sub3A_431, %sub3A_431 : vector<300x32xf32>
    %reduce_sum3A_433 = arith.constant dense<0.000000e+00> : vector<300xf32>
    %reduce_sum3A_434 = vector.multi_reduction <add>, %integer_pow3A_432, %reduce_sum3A_433 [1] : vector<300x32xf32> to vector<300xf32>
    %broadcast_in_dim3A_435 = vector.shape_cast %reduce_sum3A_434 : vector<300xf32> to vector<300x1xf32>
    %div3A_436 = arith.constant 3.200000e+01 : f32
    %div3A_437 = vector.broadcast %div3A_436 : f32 to vector<300x1xf32>
    %div3A_438 = arith.divf %broadcast_in_dim3A_435, %div3A_437 : vector<300x1xf32>
    %sub3A_439 = vector.broadcast %div3A_429 : vector<300x1xf32> to vector<300x32xf32>
    %sub3A_440 = arith.subf %squeeze3A_423, %sub3A_439 : vector<300x32xf32>
    %add3A_441 = arith.constant 9.99999974E-6 : f32
    %add3A_442 = vector.broadcast %add3A_441 : f32 to vector<300x1xf32>
    %add3A_443 = arith.addf %div3A_438, %add3A_442 : vector<300x1xf32>
    %sqrt3A_444 = math.sqrt %add3A_443 : vector<300x1xf32>
    %div3A_445 = vector.broadcast %sqrt3A_444 : vector<300x1xf32> to vector<300x32xf32>
    %div3A_446 = arith.divf %sub3A_440, %div3A_445 : vector<300x32xf32>
    %dot_general3A_447 = arith.constant dense<0.000000e+00> : vector<300x384xf32>
    %dot_general3A_448 = tpu.matmul %div3A_446, %get3A_10, %dot_general3A_447 {dimension_numbers = #tpu.dot_dimension_numbers<[1], [0], [0], [1], [0, 0, 1, 1], [], []>, transpose_lhs_hint = false} : vector<300x32xf32>, vector<32x384xf32>, vector<300x384xf32> -> vector<300x384xf32>
    %slice3A_449 = vector.extract_strided_slice %dot_general3A_448 {offsets = [0, 0], sizes = [300, 128], strides = [1, 1]} : vector<300x384xf32> to vector<300x128xf32>
    %slice3A_450 = vector.extract_strided_slice %dot_general3A_448 {offsets = [0, 128], sizes = [300, 128], strides = [1, 1]} : vector<300x384xf32> to vector<300x128xf32>
    %slice3A_451 = vector.extract_strided_slice %dot_general3A_448 {offsets = [0, 256], sizes = [300, 128], strides = [1, 1]} : vector<300x384xf32> to vector<300x128xf32>
    %dot_general3A_452 = arith.constant dense<0.000000e+00> : vector<300x300xf32>
    %dot_general3A_453 = tpu.matmul %slice3A_449, %slice3A_450, %dot_general3A_452 {dimension_numbers = #tpu.dot_dimension_numbers<[1], [1], [0], [0], [0, 0, 1, 0], [], []>, transpose_lhs_hint = false} : vector<300x128xf32>, vector<300x128xf32>, vector<300x300xf32> -> vector<300x300xf32>
    %add3A_454 = arith.addf %dot_general3A_453, %select_n3A : vector<300x300xf32>
    %exp3A_455 = math.exp %add3A_454 : vector<300x300xf32>
    %dot_general3A_456 = arith.constant dense<0.000000e+00> : vector<300x128xf32>
    %dot_general3A_457 = tpu.matmul %exp3A_455, %slice3A_451, %dot_general3A_456 {dimension_numbers = #tpu.dot_dimension_numbers<[1], [0], [0], [1], [0, 0, 1, 1], [], []>, transpose_lhs_hint = false} : vector<300x300xf32>, vector<300x128xf32>, vector<300x128xf32> -> vector<300x128xf32>
    %reduce_sum3A_458 = arith.constant dense<0.000000e+00> : vector<300xf32>
    %reduce_sum3A_459 = vector.multi_reduction <add>, %exp3A_455, %reduce_sum3A_458 [1] : vector<300x300xf32> to vector<300xf32>
    %broadcast_in_dim3A_460 = vector.shape_cast %reduce_sum3A_459 : vector<300xf32> to vector<300x1xf32>
    %div3A_461 = vector.broadcast %broadcast_in_dim3A_460 : vector<300x1xf32> to vector<300x128xf32>
    %div3A_462 = arith.divf %dot_general3A_457, %div3A_461 : vector<300x128xf32>
    %dot_general3A_463 = arith.constant dense<0.000000e+00> : vector<300x128xf32>
    %dot_general3A_464 = tpu.matmul %squeeze3A_423, %get3A_16, %dot_general3A_463 {dimension_numbers = #tpu.dot_dimension_numbers<[1], [0], [0], [1], [0, 0, 1, 1], [], []>, transpose_lhs_hint = false} : vector<300x32xf32>, vector<32x128xf32>, vector<300x128xf32> -> vector<300x128xf32>
    %dot_general3A_465 = arith.constant dense<0.000000e+00> : vector<300x128xf32>
    %dot_general3A_466 = tpu.matmul %div3A_462, %get3A_13, %dot_general3A_465 {dimension_numbers = #tpu.dot_dimension_numbers<[1], [0], [0], [1], [0, 0, 1, 1], [], []>, transpose_lhs_hint = false} : vector<300x128xf32>, vector<128x128xf32>, vector<300x128xf32> -> vector<300x128xf32>
    %add3A_467 = arith.addf %dot_general3A_464, %dot_general3A_466 : vector<300x128xf32>
    %swap3A_468 = arith.constant 8 : index
    %swap3A_469 = arith.constant 0 : index
    %swap3A_470 = arith.constant 0 : index
    %swap3A_471 = vector.load %arg19[%swap3A_468, %swap3A_469, %swap3A_470] : memref<24x300x128xf32, #tpu.memory_space<vmem>>, vector<1x300x128xf32>
    %swap3A_472 = vector.shape_cast %swap3A_471 : vector<1x300x128xf32> to vector<300x128xf32>
    %swap3A_473 = vector.shape_cast %add3A_467 : vector<300x128xf32> to vector<1x300x128xf32>
    tpu.vector_store %arg19[%swap3A_468, %swap3A_469, %swap3A_470], %swap3A_473 {strides = array<i32>} : memref<24x300x128xf32, #tpu.memory_space<vmem>>, vector<1x300x128xf32>,
    %slice3A_474 = vector.extract_strided_slice %get3A_4 {offsets = [9, 0, 0], sizes = [1, 300, 32], strides = [1, 1, 1]} : vector<24x300x32xf32> to vector<1x300x32xf32>
    %squeeze3A_475 = vector.shape_cast %slice3A_474 : vector<1x300x32xf32> to vector<300x32xf32>
    %reduce_sum3A_476 = arith.constant dense<0.000000e+00> : vector<300xf32>
    %reduce_sum3A_477 = vector.multi_reduction <add>, %squeeze3A_475, %reduce_sum3A_476 [1] : vector<300x32xf32> to vector<300xf32>
    %broadcast_in_dim3A_478 = vector.shape_cast %reduce_sum3A_477 : vector<300xf32> to vector<300x1xf32>
    %div3A_479 = arith.constant 3.200000e+01 : f32
    %div3A_480 = vector.broadcast %div3A_479 : f32 to vector<300x1xf32>
    %div3A_481 = arith.divf %broadcast_in_dim3A_478, %div3A_480 : vector<300x1xf32>
    %sub3A_482 = vector.broadcast %div3A_481 : vector<300x1xf32> to vector<300x32xf32>
    %sub3A_483 = arith.subf %squeeze3A_475, %sub3A_482 : vector<300x32xf32>
    %integer_pow3A_484 = arith.mulf %sub3A_483, %sub3A_483 : vector<300x32xf32>
    %reduce_sum3A_485 = arith.constant dense<0.000000e+00> : vector<300xf32>
    %reduce_sum3A_486 = vector.multi_reduction <add>, %integer_pow3A_484, %reduce_sum3A_485 [1] : vector<300x32xf32> to vector<300xf32>
    %broadcast_in_dim3A_487 = vector.shape_cast %reduce_sum3A_486 : vector<300xf32> to vector<300x1xf32>
    %div3A_488 = arith.constant 3.200000e+01 : f32
    %div3A_489 = vector.broadcast %div3A_488 : f32 to vector<300x1xf32>
    %div3A_490 = arith.divf %broadcast_in_dim3A_487, %div3A_489 : vector<300x1xf32>
    %sub3A_491 = vector.broadcast %div3A_481 : vector<300x1xf32> to vector<300x32xf32>
    %sub3A_492 = arith.subf %squeeze3A_475, %sub3A_491 : vector<300x32xf32>
    %add3A_493 = arith.constant 9.99999974E-6 : f32
    %add3A_494 = vector.broadcast %add3A_493 : f32 to vector<300x1xf32>
    %add3A_495 = arith.addf %div3A_490, %add3A_494 : vector<300x1xf32>
    %sqrt3A_496 = math.sqrt %add3A_495 : vector<300x1xf32>
    %div3A_497 = vector.broadcast %sqrt3A_496 : vector<300x1xf32> to vector<300x32xf32>
    %div3A_498 = arith.divf %sub3A_492, %div3A_497 : vector<300x32xf32>
    %dot_general3A_499 = arith.constant dense<0.000000e+00> : vector<300x384xf32>
    %dot_general3A_500 = tpu.matmul %div3A_498, %get3A_10, %dot_general3A_499 {dimension_numbers = #tpu.dot_dimension_numbers<[1], [0], [0], [1], [0, 0, 1, 1], [], []>, transpose_lhs_hint = false} : vector<300x32xf32>, vector<32x384xf32>, vector<300x384xf32> -> vector<300x384xf32>
    %slice3A_501 = vector.extract_strided_slice %dot_general3A_500 {offsets = [0, 0], sizes = [300, 128], strides = [1, 1]} : vector<300x384xf32> to vector<300x128xf32>
    %slice3A_502 = vector.extract_strided_slice %dot_general3A_500 {offsets = [0, 128], sizes = [300, 128], strides = [1, 1]} : vector<300x384xf32> to vector<300x128xf32>
    %slice3A_503 = vector.extract_strided_slice %dot_general3A_500 {offsets = [0, 256], sizes = [300, 128], strides = [1, 1]} : vector<300x384xf32> to vector<300x128xf32>
    %dot_general3A_504 = arith.constant dense<0.000000e+00> : vector<300x300xf32>
    %dot_general3A_505 = tpu.matmul %slice3A_501, %slice3A_502, %dot_general3A_504 {dimension_numbers = #tpu.dot_dimension_numbers<[1], [1], [0], [0], [0, 0, 1, 0], [], []>, transpose_lhs_hint = false} : vector<300x128xf32>, vector<300x128xf32>, vector<300x300xf32> -> vector<300x300xf32>
    %add3A_506 = arith.addf %dot_general3A_505, %select_n3A : vector<300x300xf32>
    %exp3A_507 = math.exp %add3A_506 : vector<300x300xf32>
    %dot_general3A_508 = arith.constant dense<0.000000e+00> : vector<300x128xf32>
    %dot_general3A_509 = tpu.matmul %exp3A_507, %slice3A_503, %dot_general3A_508 {dimension_numbers = #tpu.dot_dimension_numbers<[1], [0], [0], [1], [0, 0, 1, 1], [], []>, transpose_lhs_hint = false} : vector<300x300xf32>, vector<300x128xf32>, vector<300x128xf32> -> vector<300x128xf32>
    %reduce_sum3A_510 = arith.constant dense<0.000000e+00> : vector<300xf32>
    %reduce_sum3A_511 = vector.multi_reduction <add>, %exp3A_507, %reduce_sum3A_510 [1] : vector<300x300xf32> to vector<300xf32>
    %broadcast_in_dim3A_512 = vector.shape_cast %reduce_sum3A_511 : vector<300xf32> to vector<300x1xf32>
    %div3A_513 = vector.broadcast %broadcast_in_dim3A_512 : vector<300x1xf32> to vector<300x128xf32>
    %div3A_514 = arith.divf %dot_general3A_509, %div3A_513 : vector<300x128xf32>
    %dot_general3A_515 = arith.constant dense<0.000000e+00> : vector<300x128xf32>
    %dot_general3A_516 = tpu.matmul %squeeze3A_475, %get3A_16, %dot_general3A_515 {dimension_numbers = #tpu.dot_dimension_numbers<[1], [0], [0], [1], [0, 0, 1, 1], [], []>, transpose_lhs_hint = false} : vector<300x32xf32>, vector<32x128xf32>, vector<300x128xf32> -> vector<300x128xf32>
    %dot_general3A_517 = arith.constant dense<0.000000e+00> : vector<300x128xf32>
    %dot_general3A_518 = tpu.matmul %div3A_514, %get3A_13, %dot_general3A_517 {dimension_numbers = #tpu.dot_dimension_numbers<[1], [0], [0], [1], [0, 0, 1, 1], [], []>, transpose_lhs_hint = false} : vector<300x128xf32>, vector<128x128xf32>, vector<300x128xf32> -> vector<300x128xf32>
    %add3A_519 = arith.addf %dot_general3A_516, %dot_general3A_518 : vector<300x128xf32>
    %swap3A_520 = arith.constant 9 : index
    %swap3A_521 = arith.constant 0 : index
    %swap3A_522 = arith.constant 0 : index
    %swap3A_523 = vector.load %arg19[%swap3A_520, %swap3A_521, %swap3A_522] : memref<24x300x128xf32, #tpu.memory_space<vmem>>, vector<1x300x128xf32>
    %swap3A_524 = vector.shape_cast %swap3A_523 : vector<1x300x128xf32> to vector<300x128xf32>
    %swap3A_525 = vector.shape_cast %add3A_519 : vector<300x128xf32> to vector<1x300x128xf32>
    tpu.vector_store %arg19[%swap3A_520, %swap3A_521, %swap3A_522], %swap3A_525 {strides = array<i32>} : memref<24x300x128xf32, #tpu.memory_space<vmem>>, vector<1x300x128xf32>,
    %slice3A_526 = vector.extract_strided_slice %get3A_4 {offsets = [10, 0, 0], sizes = [1, 300, 32], strides = [1, 1, 1]} : vector<24x300x32xf32> to vector<1x300x32xf32>
    %squeeze3A_527 = vector.shape_cast %slice3A_526 : vector<1x300x32xf32> to vector<300x32xf32>
    %reduce_sum3A_528 = arith.constant dense<0.000000e+00> : vector<300xf32>
    %reduce_sum3A_529 = vector.multi_reduction <add>, %squeeze3A_527, %reduce_sum3A_528 [1] : vector<300x32xf32> to vector<300xf32>
    %broadcast_in_dim3A_530 = vector.shape_cast %reduce_sum3A_529 : vector<300xf32> to vector<300x1xf32>
    %div3A_531 = arith.constant 3.200000e+01 : f32
    %div3A_532 = vector.broadcast %div3A_531 : f32 to vector<300x1xf32>
    %div3A_533 = arith.divf %broadcast_in_dim3A_530, %div3A_532 : vector<300x1xf32>
    %sub3A_534 = vector.broadcast %div3A_533 : vector<300x1xf32> to vector<300x32xf32>
    %sub3A_535 = arith.subf %squeeze3A_527, %sub3A_534 : vector<300x32xf32>
    %integer_pow3A_536 = arith.mulf %sub3A_535, %sub3A_535 : vector<300x32xf32>
    %reduce_sum3A_537 = arith.constant dense<0.000000e+00> : vector<300xf32>
    %reduce_sum3A_538 = vector.multi_reduction <add>, %integer_pow3A_536, %reduce_sum3A_537 [1] : vector<300x32xf32> to vector<300xf32>
    %broadcast_in_dim3A_539 = vector.shape_cast %reduce_sum3A_538 : vector<300xf32> to vector<300x1xf32>
    %div3A_540 = arith.constant 3.200000e+01 : f32
    %div3A_541 = vector.broadcast %div3A_540 : f32 to vector<300x1xf32>
    %div3A_542 = arith.divf %broadcast_in_dim3A_539, %div3A_541 : vector<300x1xf32>
    %sub3A_543 = vector.broadcast %div3A_533 : vector<300x1xf32> to vector<300x32xf32>
    %sub3A_544 = arith.subf %squeeze3A_527, %sub3A_543 : vector<300x32xf32>
    %add3A_545 = arith.constant 9.99999974E-6 : f32
    %add3A_546 = vector.broadcast %add3A_545 : f32 to vector<300x1xf32>
    %add3A_547 = arith.addf %div3A_542, %add3A_546 : vector<300x1xf32>
    %sqrt3A_548 = math.sqrt %add3A_547 : vector<300x1xf32>
    %div3A_549 = vector.broadcast %sqrt3A_548 : vector<300x1xf32> to vector<300x32xf32>
    %div3A_550 = arith.divf %sub3A_544, %div3A_549 : vector<300x32xf32>
    %dot_general3A_551 = arith.constant dense<0.000000e+00> : vector<300x384xf32>
    %dot_general3A_552 = tpu.matmul %div3A_550, %get3A_10, %dot_general3A_551 {dimension_numbers = #tpu.dot_dimension_numbers<[1], [0], [0], [1], [0, 0, 1, 1], [], []>, transpose_lhs_hint = false} : vector<300x32xf32>, vector<32x384xf32>, vector<300x384xf32> -> vector<300x384xf32>
    %slice3A_553 = vector.extract_strided_slice %dot_general3A_552 {offsets = [0, 0], sizes = [300, 128], strides = [1, 1]} : vector<300x384xf32> to vector<300x128xf32>
    %slice3A_554 = vector.extract_strided_slice %dot_general3A_552 {offsets = [0, 128], sizes = [300, 128], strides = [1, 1]} : vector<300x384xf32> to vector<300x128xf32>
    %slice3A_555 = vector.extract_strided_slice %dot_general3A_552 {offsets = [0, 256], sizes = [300, 128], strides = [1, 1]} : vector<300x384xf32> to vector<300x128xf32>
    %dot_general3A_556 = arith.constant dense<0.000000e+00> : vector<300x300xf32>
    %dot_general3A_557 = tpu.matmul %slice3A_553, %slice3A_554, %dot_general3A_556 {dimension_numbers = #tpu.dot_dimension_numbers<[1], [1], [0], [0], [0, 0, 1, 0], [], []>, transpose_lhs_hint = false} : vector<300x128xf32>, vector<300x128xf32>, vector<300x300xf32> -> vector<300x300xf32>
    %add3A_558 = arith.addf %dot_general3A_557, %select_n3A : vector<300x300xf32>
    %exp3A_559 = math.exp %add3A_558 : vector<300x300xf32>
    %dot_general3A_560 = arith.constant dense<0.000000e+00> : vector<300x128xf32>
    %dot_general3A_561 = tpu.matmul %exp3A_559, %slice3A_555, %dot_general3A_560 {dimension_numbers = #tpu.dot_dimension_numbers<[1], [0], [0], [1], [0, 0, 1, 1], [], []>, transpose_lhs_hint = false} : vector<300x300xf32>, vector<300x128xf32>, vector<300x128xf32> -> vector<300x128xf32>
    %reduce_sum3A_562 = arith.constant dense<0.000000e+00> : vector<300xf32>
    %reduce_sum3A_563 = vector.multi_reduction <add>, %exp3A_559, %reduce_sum3A_562 [1] : vector<300x300xf32> to vector<300xf32>
    %broadcast_in_dim3A_564 = vector.shape_cast %reduce_sum3A_563 : vector<300xf32> to vector<300x1xf32>
    %div3A_565 = vector.broadcast %broadcast_in_dim3A_564 : vector<300x1xf32> to vector<300x128xf32>
    %div3A_566 = arith.divf %dot_general3A_561, %div3A_565 : vector<300x128xf32>
    %dot_general3A_567 = arith.constant dense<0.000000e+00> : vector<300x128xf32>
    %dot_general3A_568 = tpu.matmul %squeeze3A_527, %get3A_16, %dot_general3A_567 {dimension_numbers = #tpu.dot_dimension_numbers<[1], [0], [0], [1], [0, 0, 1, 1], [], []>, transpose_lhs_hint = false} : vector<300x32xf32>, vector<32x128xf32>, vector<300x128xf32> -> vector<300x128xf32>
    %dot_general3A_569 = arith.constant dense<0.000000e+00> : vector<300x128xf32>
    %dot_general3A_570 = tpu.matmul %div3A_566, %get3A_13, %dot_general3A_569 {dimension_numbers = #tpu.dot_dimension_numbers<[1], [0], [0], [1], [0, 0, 1, 1], [], []>, transpose_lhs_hint = false} : vector<300x128xf32>, vector<128x128xf32>, vector<300x128xf32> -> vector<300x128xf32>
    %add3A_571 = arith.addf %dot_general3A_568, %dot_general3A_570 : vector<300x128xf32>
    %swap3A_572 = arith.constant 10 : index
    %swap3A_573 = arith.constant 0 : index
    %swap3A_574 = arith.constant 0 : index
    %swap3A_575 = vector.load %arg19[%swap3A_572, %swap3A_573, %swap3A_574] : memref<24x300x128xf32, #tpu.memory_space<vmem>>, vector<1x300x128xf32>
    %swap3A_576 = vector.shape_cast %swap3A_575 : vector<1x300x128xf32> to vector<300x128xf32>
    %swap3A_577 = vector.shape_cast %add3A_571 : vector<300x128xf32> to vector<1x300x128xf32>
    tpu.vector_store %arg19[%swap3A_572, %swap3A_573, %swap3A_574], %swap3A_577 {strides = array<i32>} : memref<24x300x128xf32, #tpu.memory_space<vmem>>, vector<1x300x128xf32>,
    %slice3A_578 = vector.extract_strided_slice %get3A_4 {offsets = [11, 0, 0], sizes = [1, 300, 32], strides = [1, 1, 1]} : vector<24x300x32xf32> to vector<1x300x32xf32>
    %squeeze3A_579 = vector.shape_cast %slice3A_578 : vector<1x300x32xf32> to vector<300x32xf32>
    %reduce_sum3A_580 = arith.constant dense<0.000000e+00> : vector<300xf32>
    %reduce_sum3A_581 = vector.multi_reduction <add>, %squeeze3A_579, %reduce_sum3A_580 [1] : vector<300x32xf32> to vector<300xf32>
    %broadcast_in_dim3A_582 = vector.shape_cast %reduce_sum3A_581 : vector<300xf32> to vector<300x1xf32>
    %div3A_583 = arith.constant 3.200000e+01 : f32
    %div3A_584 = vector.broadcast %div3A_583 : f32 to vector<300x1xf32>
    %div3A_585 = arith.divf %broadcast_in_dim3A_582, %div3A_584 : vector<300x1xf32>
    %sub3A_586 = vector.broadcast %div3A_585 : vector<300x1xf32> to vector<300x32xf32>
    %sub3A_587 = arith.subf %squeeze3A_579, %sub3A_586 : vector<300x32xf32>
    %integer_pow3A_588 = arith.mulf %sub3A_587, %sub3A_587 : vector<300x32xf32>
    %reduce_sum3A_589 = arith.constant dense<0.000000e+00> : vector<300xf32>
    %reduce_sum3A_590 = vector.multi_reduction <add>, %integer_pow3A_588, %reduce_sum3A_589 [1] : vector<300x32xf32> to vector<300xf32>
    %broadcast_in_dim3A_591 = vector.shape_cast %reduce_sum3A_590 : vector<300xf32> to vector<300x1xf32>
    %div3A_592 = arith.constant 3.200000e+01 : f32
    %div3A_593 = vector.broadcast %div3A_592 : f32 to vector<300x1xf32>
    %div3A_594 = arith.divf %broadcast_in_dim3A_591, %div3A_593 : vector<300x1xf32>
    %sub3A_595 = vector.broadcast %div3A_585 : vector<300x1xf32> to vector<300x32xf32>
    %sub3A_596 = arith.subf %squeeze3A_579, %sub3A_595 : vector<300x32xf32>
    %add3A_597 = arith.constant 9.99999974E-6 : f32
    %add3A_598 = vector.broadcast %add3A_597 : f32 to vector<300x1xf32>
    %add3A_599 = arith.addf %div3A_594, %add3A_598 : vector<300x1xf32>
    %sqrt3A_600 = math.sqrt %add3A_599 : vector<300x1xf32>
    %div3A_601 = vector.broadcast %sqrt3A_600 : vector<300x1xf32> to vector<300x32xf32>
    %div3A_602 = arith.divf %sub3A_596, %div3A_601 : vector<300x32xf32>
    %dot_general3A_603 = arith.constant dense<0.000000e+00> : vector<300x384xf32>
    %dot_general3A_604 = tpu.matmul %div3A_602, %get3A_10, %dot_general3A_603 {dimension_numbers = #tpu.dot_dimension_numbers<[1], [0], [0], [1], [0, 0, 1, 1], [], []>, transpose_lhs_hint = false} : vector<300x32xf32>, vector<32x384xf32>, vector<300x384xf32> -> vector<300x384xf32>
    %slice3A_605 = vector.extract_strided_slice %dot_general3A_604 {offsets = [0, 0], sizes = [300, 128], strides = [1, 1]} : vector<300x384xf32> to vector<300x128xf32>
    %slice3A_606 = vector.extract_strided_slice %dot_general3A_604 {offsets = [0, 128], sizes = [300, 128], strides = [1, 1]} : vector<300x384xf32> to vector<300x128xf32>
    %slice3A_607 = vector.extract_strided_slice %dot_general3A_604 {offsets = [0, 256], sizes = [300, 128], strides = [1, 1]} : vector<300x384xf32> to vector<300x128xf32>
    %dot_general3A_608 = arith.constant dense<0.000000e+00> : vector<300x300xf32>
    %dot_general3A_609 = tpu.matmul %slice3A_605, %slice3A_606, %dot_general3A_608 {dimension_numbers = #tpu.dot_dimension_numbers<[1], [1], [0], [0], [0, 0, 1, 0], [], []>, transpose_lhs_hint = false} : vector<300x128xf32>, vector<300x128xf32>, vector<300x300xf32> -> vector<300x300xf32>
    %add3A_610 = arith.addf %dot_general3A_609, %select_n3A : vector<300x300xf32>
    %exp3A_611 = math.exp %add3A_610 : vector<300x300xf32>
    %dot_general3A_612 = arith.constant dense<0.000000e+00> : vector<300x128xf32>
    %dot_general3A_613 = tpu.matmul %exp3A_611, %slice3A_607, %dot_general3A_612 {dimension_numbers = #tpu.dot_dimension_numbers<[1], [0], [0], [1], [0, 0, 1, 1], [], []>, transpose_lhs_hint = false} : vector<300x300xf32>, vector<300x128xf32>, vector<300x128xf32> -> vector<300x128xf32>
    %reduce_sum3A_614 = arith.constant dense<0.000000e+00> : vector<300xf32>
    %reduce_sum3A_615 = vector.multi_reduction <add>, %exp3A_611, %reduce_sum3A_614 [1] : vector<300x300xf32> to vector<300xf32>
    %broadcast_in_dim3A_616 = vector.shape_cast %reduce_sum3A_615 : vector<300xf32> to vector<300x1xf32>
    %div3A_617 = vector.broadcast %broadcast_in_dim3A_616 : vector<300x1xf32> to vector<300x128xf32>
    %div3A_618 = arith.divf %dot_general3A_613, %div3A_617 : vector<300x128xf32>
    %dot_general3A_619 = arith.constant dense<0.000000e+00> : vector<300x128xf32>
    %dot_general3A_620 = tpu.matmul %squeeze3A_579, %get3A_16, %dot_general3A_619 {dimension_numbers = #tpu.dot_dimension_numbers<[1], [0], [0], [1], [0, 0, 1, 1], [], []>, transpose_lhs_hint = false} : vector<300x32xf32>, vector<32x128xf32>, vector<300x128xf32> -> vector<300x128xf32>
    %dot_general3A_621 = arith.constant dense<0.000000e+00> : vector<300x128xf32>
    %dot_general3A_622 = tpu.matmul %div3A_618, %get3A_13, %dot_general3A_621 {dimension_numbers = #tpu.dot_dimension_numbers<[1], [0], [0], [1], [0, 0, 1, 1], [], []>, transpose_lhs_hint = false} : vector<300x128xf32>, vector<128x128xf32>, vector<300x128xf32> -> vector<300x128xf32>
    %add3A_623 = arith.addf %dot_general3A_620, %dot_general3A_622 : vector<300x128xf32>
    %swap3A_624 = arith.constant 11 : index
    %swap3A_625 = arith.constant 0 : index
    %swap3A_626 = arith.constant 0 : index
    %swap3A_627 = vector.load %arg19[%swap3A_624, %swap3A_625, %swap3A_626] : memref<24x300x128xf32, #tpu.memory_space<vmem>>, vector<1x300x128xf32>
    %swap3A_628 = vector.shape_cast %swap3A_627 : vector<1x300x128xf32> to vector<300x128xf32>
    %swap3A_629 = vector.shape_cast %add3A_623 : vector<300x128xf32> to vector<1x300x128xf32>
    tpu.vector_store %arg19[%swap3A_624, %swap3A_625, %swap3A_626], %swap3A_629 {strides = array<i32>} : memref<24x300x128xf32, #tpu.memory_space<vmem>>, vector<1x300x128xf32>,
    %slice3A_630 = vector.extract_strided_slice %get3A_4 {offsets = [12, 0, 0], sizes = [1, 300, 32], strides = [1, 1, 1]} : vector<24x300x32xf32> to vector<1x300x32xf32>
    %squeeze3A_631 = vector.shape_cast %slice3A_630 : vector<1x300x32xf32> to vector<300x32xf32>
    %reduce_sum3A_632 = arith.constant dense<0.000000e+00> : vector<300xf32>
    %reduce_sum3A_633 = vector.multi_reduction <add>, %squeeze3A_631, %reduce_sum3A_632 [1] : vector<300x32xf32> to vector<300xf32>
    %broadcast_in_dim3A_634 = vector.shape_cast %reduce_sum3A_633 : vector<300xf32> to vector<300x1xf32>
    %div3A_635 = arith.constant 3.200000e+01 : f32
    %div3A_636 = vector.broadcast %div3A_635 : f32 to vector<300x1xf32>
    %div3A_637 = arith.divf %broadcast_in_dim3A_634, %div3A_636 : vector<300x1xf32>
    %sub3A_638 = vector.broadcast %div3A_637 : vector<300x1xf32> to vector<300x32xf32>
    %sub3A_639 = arith.subf %squeeze3A_631, %sub3A_638 : vector<300x32xf32>
    %integer_pow3A_640 = arith.mulf %sub3A_639, %sub3A_639 : vector<300x32xf32>
    %reduce_sum3A_641 = arith.constant dense<0.000000e+00> : vector<300xf32>
    %reduce_sum3A_642 = vector.multi_reduction <add>, %integer_pow3A_640, %reduce_sum3A_641 [1] : vector<300x32xf32> to vector<300xf32>
    %broadcast_in_dim3A_643 = vector.shape_cast %reduce_sum3A_642 : vector<300xf32> to vector<300x1xf32>
    %div3A_644 = arith.constant 3.200000e+01 : f32
    %div3A_645 = vector.broadcast %div3A_644 : f32 to vector<300x1xf32>
    %div3A_646 = arith.divf %broadcast_in_dim3A_643, %div3A_645 : vector<300x1xf32>
    %sub3A_647 = vector.broadcast %div3A_637 : vector<300x1xf32> to vector<300x32xf32>
    %sub3A_648 = arith.subf %squeeze3A_631, %sub3A_647 : vector<300x32xf32>
    %add3A_649 = arith.constant 9.99999974E-6 : f32
    %add3A_650 = vector.broadcast %add3A_649 : f32 to vector<300x1xf32>
    %add3A_651 = arith.addf %div3A_646, %add3A_650 : vector<300x1xf32>
    %sqrt3A_652 = math.sqrt %add3A_651 : vector<300x1xf32>
    %div3A_653 = vector.broadcast %sqrt3A_652 : vector<300x1xf32> to vector<300x32xf32>
    %div3A_654 = arith.divf %sub3A_648, %div3A_653 : vector<300x32xf32>
    %dot_general3A_655 = arith.constant dense<0.000000e+00> : vector<300x384xf32>
    %dot_general3A_656 = tpu.matmul %div3A_654, %get3A_10, %dot_general3A_655 {dimension_numbers = #tpu.dot_dimension_numbers<[1], [0], [0], [1], [0, 0, 1, 1], [], []>, transpose_lhs_hint = false} : vector<300x32xf32>, vector<32x384xf32>, vector<300x384xf32> -> vector<300x384xf32>
    %slice3A_657 = vector.extract_strided_slice %dot_general3A_656 {offsets = [0, 0], sizes = [300, 128], strides = [1, 1]} : vector<300x384xf32> to vector<300x128xf32>
    %slice3A_658 = vector.extract_strided_slice %dot_general3A_656 {offsets = [0, 128], sizes = [300, 128], strides = [1, 1]} : vector<300x384xf32> to vector<300x128xf32>
    %slice3A_659 = vector.extract_strided_slice %dot_general3A_656 {offsets = [0, 256], sizes = [300, 128], strides = [1, 1]} : vector<300x384xf32> to vector<300x128xf32>
    %dot_general3A_660 = arith.constant dense<0.000000e+00> : vector<300x300xf32>
    %dot_general3A_661 = tpu.matmul %slice3A_657, %slice3A_658, %dot_general3A_660 {dimension_numbers = #tpu.dot_dimension_numbers<[1], [1], [0], [0], [0, 0, 1, 0], [], []>, transpose_lhs_hint = false} : vector<300x128xf32>, vector<300x128xf32>, vector<300x300xf32> -> vector<300x300xf32>
    %add3A_662 = arith.addf %dot_general3A_661, %select_n3A : vector<300x300xf32>
    %exp3A_663 = math.exp %add3A_662 : vector<300x300xf32>
    %dot_general3A_664 = arith.constant dense<0.000000e+00> : vector<300x128xf32>
    %dot_general3A_665 = tpu.matmul %exp3A_663, %slice3A_659, %dot_general3A_664 {dimension_numbers = #tpu.dot_dimension_numbers<[1], [0], [0], [1], [0, 0, 1, 1], [], []>, transpose_lhs_hint = false} : vector<300x300xf32>, vector<300x128xf32>, vector<300x128xf32> -> vector<300x128xf32>
    %reduce_sum3A_666 = arith.constant dense<0.000000e+00> : vector<300xf32>
    %reduce_sum3A_667 = vector.multi_reduction <add>, %exp3A_663, %reduce_sum3A_666 [1] : vector<300x300xf32> to vector<300xf32>
    %broadcast_in_dim3A_668 = vector.shape_cast %reduce_sum3A_667 : vector<300xf32> to vector<300x1xf32>
    %div3A_669 = vector.broadcast %broadcast_in_dim3A_668 : vector<300x1xf32> to vector<300x128xf32>
    %div3A_670 = arith.divf %dot_general3A_665, %div3A_669 : vector<300x128xf32>
    %dot_general3A_671 = arith.constant dense<0.000000e+00> : vector<300x128xf32>
    %dot_general3A_672 = tpu.matmul %squeeze3A_631, %get3A_16, %dot_general3A_671 {dimension_numbers = #tpu.dot_dimension_numbers<[1], [0], [0], [1], [0, 0, 1, 1], [], []>, transpose_lhs_hint = false} : vector<300x32xf32>, vector<32x128xf32>, vector<300x128xf32> -> vector<300x128xf32>
    %dot_general3A_673 = arith.constant dense<0.000000e+00> : vector<300x128xf32>
    %dot_general3A_674 = tpu.matmul %div3A_670, %get3A_13, %dot_general3A_673 {dimension_numbers = #tpu.dot_dimension_numbers<[1], [0], [0], [1], [0, 0, 1, 1], [], []>, transpose_lhs_hint = false} : vector<300x128xf32>, vector<128x128xf32>, vector<300x128xf32> -> vector<300x128xf32>
    %add3A_675 = arith.addf %dot_general3A_672, %dot_general3A_674 : vector<300x128xf32>
    %swap3A_676 = arith.constant 12 : index
    %swap3A_677 = arith.constant 0 : index
    %swap3A_678 = arith.constant 0 : index
    %swap3A_679 = vector.load %arg19[%swap3A_676, %swap3A_677, %swap3A_678] : memref<24x300x128xf32, #tpu.memory_space<vmem>>, vector<1x300x128xf32>
    %swap3A_680 = vector.shape_cast %swap3A_679 : vector<1x300x128xf32> to vector<300x128xf32>
    %swap3A_681 = vector.shape_cast %add3A_675 : vector<300x128xf32> to vector<1x300x128xf32>
    tpu.vector_store %arg19[%swap3A_676, %swap3A_677, %swap3A_678], %swap3A_681 {strides = array<i32>} : memref<24x300x128xf32, #tpu.memory_space<vmem>>, vector<1x300x128xf32>,
    %slice3A_682 = vector.extract_strided_slice %get3A_4 {offsets = [13, 0, 0], sizes = [1, 300, 32], strides = [1, 1, 1]} : vector<24x300x32xf32> to vector<1x300x32xf32>
    %squeeze3A_683 = vector.shape_cast %slice3A_682 : vector<1x300x32xf32> to vector<300x32xf32>
    %reduce_sum3A_684 = arith.constant dense<0.000000e+00> : vector<300xf32>
    %reduce_sum3A_685 = vector.multi_reduction <add>, %squeeze3A_683, %reduce_sum3A_684 [1] : vector<300x32xf32> to vector<300xf32>
    %broadcast_in_dim3A_686 = vector.shape_cast %reduce_sum3A_685 : vector<300xf32> to vector<300x1xf32>
    %div3A_687 = arith.constant 3.200000e+01 : f32
    %div3A_688 = vector.broadcast %div3A_687 : f32 to vector<300x1xf32>
    %div3A_689 = arith.divf %broadcast_in_dim3A_686, %div3A_688 : vector<300x1xf32>
    %sub3A_690 = vector.broadcast %div3A_689 : vector<300x1xf32> to vector<300x32xf32>
    %sub3A_691 = arith.subf %squeeze3A_683, %sub3A_690 : vector<300x32xf32>
    %integer_pow3A_692 = arith.mulf %sub3A_691, %sub3A_691 : vector<300x32xf32>
    %reduce_sum3A_693 = arith.constant dense<0.000000e+00> : vector<300xf32>
    %reduce_sum3A_694 = vector.multi_reduction <add>, %integer_pow3A_692, %reduce_sum3A_693 [1] : vector<300x32xf32> to vector<300xf32>
    %broadcast_in_dim3A_695 = vector.shape_cast %reduce_sum3A_694 : vector<300xf32> to vector<300x1xf32>
    %div3A_696 = arith.constant 3.200000e+01 : f32
    %div3A_697 = vector.broadcast %div3A_696 : f32 to vector<300x1xf32>
    %div3A_698 = arith.divf %broadcast_in_dim3A_695, %div3A_697 : vector<300x1xf32>
    %sub3A_699 = vector.broadcast %div3A_689 : vector<300x1xf32> to vector<300x32xf32>
    %sub3A_700 = arith.subf %squeeze3A_683, %sub3A_699 : vector<300x32xf32>
    %add3A_701 = arith.constant 9.99999974E-6 : f32
    %add3A_702 = vector.broadcast %add3A_701 : f32 to vector<300x1xf32>
    %add3A_703 = arith.addf %div3A_698, %add3A_702 : vector<300x1xf32>
    %sqrt3A_704 = math.sqrt %add3A_703 : vector<300x1xf32>
    %div3A_705 = vector.broadcast %sqrt3A_704 : vector<300x1xf32> to vector<300x32xf32>
    %div3A_706 = arith.divf %sub3A_700, %div3A_705 : vector<300x32xf32>
    %dot_general3A_707 = arith.constant dense<0.000000e+00> : vector<300x384xf32>
    %dot_general3A_708 = tpu.matmul %div3A_706, %get3A_10, %dot_general3A_707 {dimension_numbers = #tpu.dot_dimension_numbers<[1], [0], [0], [1], [0, 0, 1, 1], [], []>, transpose_lhs_hint = false} : vector<300x32xf32>, vector<32x384xf32>, vector<300x384xf32> -> vector<300x384xf32>
    %slice3A_709 = vector.extract_strided_slice %dot_general3A_708 {offsets = [0, 0], sizes = [300, 128], strides = [1, 1]} : vector<300x384xf32> to vector<300x128xf32>
    %slice3A_710 = vector.extract_strided_slice %dot_general3A_708 {offsets = [0, 128], sizes = [300, 128], strides = [1, 1]} : vector<300x384xf32> to vector<300x128xf32>
    %slice3A_711 = vector.extract_strided_slice %dot_general3A_708 {offsets = [0, 256], sizes = [300, 128], strides = [1, 1]} : vector<300x384xf32> to vector<300x128xf32>
    %dot_general3A_712 = arith.constant dense<0.000000e+00> : vector<300x300xf32>
    %dot_general3A_713 = tpu.matmul %slice3A_709, %slice3A_710, %dot_general3A_712 {dimension_numbers = #tpu.dot_dimension_numbers<[1], [1], [0], [0], [0, 0, 1, 0], [], []>, transpose_lhs_hint = false} : vector<300x128xf32>, vector<300x128xf32>, vector<300x300xf32> -> vector<300x300xf32>
    %add3A_714 = arith.addf %dot_general3A_713, %select_n3A : vector<300x300xf32>
    %exp3A_715 = math.exp %add3A_714 : vector<300x300xf32>
    %dot_general3A_716 = arith.constant dense<0.000000e+00> : vector<300x128xf32>
    %dot_general3A_717 = tpu.matmul %exp3A_715, %slice3A_711, %dot_general3A_716 {dimension_numbers = #tpu.dot_dimension_numbers<[1], [0], [0], [1], [0, 0, 1, 1], [], []>, transpose_lhs_hint = false} : vector<300x300xf32>, vector<300x128xf32>, vector<300x128xf32> -> vector<300x128xf32>
    %reduce_sum3A_718 = arith.constant dense<0.000000e+00> : vector<300xf32>
    %reduce_sum3A_719 = vector.multi_reduction <add>, %exp3A_715, %reduce_sum3A_718 [1] : vector<300x300xf32> to vector<300xf32>
    %broadcast_in_dim3A_720 = vector.shape_cast %reduce_sum3A_719 : vector<300xf32> to vector<300x1xf32>
    %div3A_721 = vector.broadcast %broadcast_in_dim3A_720 : vector<300x1xf32> to vector<300x128xf32>
    %div3A_722 = arith.divf %dot_general3A_717, %div3A_721 : vector<300x128xf32>
    %dot_general3A_723 = arith.constant dense<0.000000e+00> : vector<300x128xf32>
    %dot_general3A_724 = tpu.matmul %squeeze3A_683, %get3A_16, %dot_general3A_723 {dimension_numbers = #tpu.dot_dimension_numbers<[1], [0], [0], [1], [0, 0, 1, 1], [], []>, transpose_lhs_hint = false} : vector<300x32xf32>, vector<32x128xf32>, vector<300x128xf32> -> vector<300x128xf32>
    %dot_general3A_725 = arith.constant dense<0.000000e+00> : vector<300x128xf32>
    %dot_general3A_726 = tpu.matmul %div3A_722, %get3A_13, %dot_general3A_725 {dimension_numbers = #tpu.dot_dimension_numbers<[1], [0], [0], [1], [0, 0, 1, 1], [], []>, transpose_lhs_hint = false} : vector<300x128xf32>, vector<128x128xf32>, vector<300x128xf32> -> vector<300x128xf32>
    %add3A_727 = arith.addf %dot_general3A_724, %dot_general3A_726 : vector<300x128xf32>
    %swap3A_728 = arith.constant 13 : index
    %swap3A_729 = arith.constant 0 : index
    %swap3A_730 = arith.constant 0 : index
    %swap3A_731 = vector.load %arg19[%swap3A_728, %swap3A_729, %swap3A_730] : memref<24x300x128xf32, #tpu.memory_space<vmem>>, vector<1x300x128xf32>
    %swap3A_732 = vector.shape_cast %swap3A_731 : vector<1x300x128xf32> to vector<300x128xf32>
    %swap3A_733 = vector.shape_cast %add3A_727 : vector<300x128xf32> to vector<1x300x128xf32>
    tpu.vector_store %arg19[%swap3A_728, %swap3A_729, %swap3A_730], %swap3A_733 {strides = array<i32>} : memref<24x300x128xf32, #tpu.memory_space<vmem>>, vector<1x300x128xf32>,
    %slice3A_734 = vector.extract_strided_slice %get3A_4 {offsets = [14, 0, 0], sizes = [1, 300, 32], strides = [1, 1, 1]} : vector<24x300x32xf32> to vector<1x300x32xf32>
    %squeeze3A_735 = vector.shape_cast %slice3A_734 : vector<1x300x32xf32> to vector<300x32xf32>
    %reduce_sum3A_736 = arith.constant dense<0.000000e+00> : vector<300xf32>
    %reduce_sum3A_737 = vector.multi_reduction <add>, %squeeze3A_735, %reduce_sum3A_736 [1] : vector<300x32xf32> to vector<300xf32>
    %broadcast_in_dim3A_738 = vector.shape_cast %reduce_sum3A_737 : vector<300xf32> to vector<300x1xf32>
    %div3A_739 = arith.constant 3.200000e+01 : f32
    %div3A_740 = vector.broadcast %div3A_739 : f32 to vector<300x1xf32>
    %div3A_741 = arith.divf %broadcast_in_dim3A_738, %div3A_740 : vector<300x1xf32>
    %sub3A_742 = vector.broadcast %div3A_741 : vector<300x1xf32> to vector<300x32xf32>
    %sub3A_743 = arith.subf %squeeze3A_735, %sub3A_742 : vector<300x32xf32>
    %integer_pow3A_744 = arith.mulf %sub3A_743, %sub3A_743 : vector<300x32xf32>
    %reduce_sum3A_745 = arith.constant dense<0.000000e+00> : vector<300xf32>
    %reduce_sum3A_746 = vector.multi_reduction <add>, %integer_pow3A_744, %reduce_sum3A_745 [1] : vector<300x32xf32> to vector<300xf32>
    %broadcast_in_dim3A_747 = vector.shape_cast %reduce_sum3A_746 : vector<300xf32> to vector<300x1xf32>
    %div3A_748 = arith.constant 3.200000e+01 : f32
    %div3A_749 = vector.broadcast %div3A_748 : f32 to vector<300x1xf32>
    %div3A_750 = arith.divf %broadcast_in_dim3A_747, %div3A_749 : vector<300x1xf32>
    %sub3A_751 = vector.broadcast %div3A_741 : vector<300x1xf32> to vector<300x32xf32>
    %sub3A_752 = arith.subf %squeeze3A_735, %sub3A_751 : vector<300x32xf32>
    %add3A_753 = arith.constant 9.99999974E-6 : f32
    %add3A_754 = vector.broadcast %add3A_753 : f32 to vector<300x1xf32>
    %add3A_755 = arith.addf %div3A_750, %add3A_754 : vector<300x1xf32>
    %sqrt3A_756 = math.sqrt %add3A_755 : vector<300x1xf32>
    %div3A_757 = vector.broadcast %sqrt3A_756 : vector<300x1xf32> to vector<300x32xf32>
    %div3A_758 = arith.divf %sub3A_752, %div3A_757 : vector<300x32xf32>
    %dot_general3A_759 = arith.constant dense<0.000000e+00> : vector<300x384xf32>
    %dot_general3A_760 = tpu.matmul %div3A_758, %get3A_10, %dot_general3A_759 {dimension_numbers = #tpu.dot_dimension_numbers<[1], [0], [0], [1], [0, 0, 1, 1], [], []>, transpose_lhs_hint = false} : vector<300x32xf32>, vector<32x384xf32>, vector<300x384xf32> -> vector<300x384xf32>
    %slice3A_761 = vector.extract_strided_slice %dot_general3A_760 {offsets = [0, 0], sizes = [300, 128], strides = [1, 1]} : vector<300x384xf32> to vector<300x128xf32>
    %slice3A_762 = vector.extract_strided_slice %dot_general3A_760 {offsets = [0, 128], sizes = [300, 128], strides = [1, 1]} : vector<300x384xf32> to vector<300x128xf32>
    %slice3A_763 = vector.extract_strided_slice %dot_general3A_760 {offsets = [0, 256], sizes = [300, 128], strides = [1, 1]} : vector<300x384xf32> to vector<300x128xf32>
    %dot_general3A_764 = arith.constant dense<0.000000e+00> : vector<300x300xf32>
    %dot_general3A_765 = tpu.matmul %slice3A_761, %slice3A_762, %dot_general3A_764 {dimension_numbers = #tpu.dot_dimension_numbers<[1], [1], [0], [0], [0, 0, 1, 0], [], []>, transpose_lhs_hint = false} : vector<300x128xf32>, vector<300x128xf32>, vector<300x300xf32> -> vector<300x300xf32>
    %add3A_766 = arith.addf %dot_general3A_765, %select_n3A : vector<300x300xf32>
    %exp3A_767 = math.exp %add3A_766 : vector<300x300xf32>
    %dot_general3A_768 = arith.constant dense<0.000000e+00> : vector<300x128xf32>
    %dot_general3A_769 = tpu.matmul %exp3A_767, %slice3A_763, %dot_general3A_768 {dimension_numbers = #tpu.dot_dimension_numbers<[1], [0], [0], [1], [0, 0, 1, 1], [], []>, transpose_lhs_hint = false} : vector<300x300xf32>, vector<300x128xf32>, vector<300x128xf32> -> vector<300x128xf32>
    %reduce_sum3A_770 = arith.constant dense<0.000000e+00> : vector<300xf32>
    %reduce_sum3A_771 = vector.multi_reduction <add>, %exp3A_767, %reduce_sum3A_770 [1] : vector<300x300xf32> to vector<300xf32>
    %broadcast_in_dim3A_772 = vector.shape_cast %reduce_sum3A_771 : vector<300xf32> to vector<300x1xf32>
    %div3A_773 = vector.broadcast %broadcast_in_dim3A_772 : vector<300x1xf32> to vector<300x128xf32>
    %div3A_774 = arith.divf %dot_general3A_769, %div3A_773 : vector<300x128xf32>
    %dot_general3A_775 = arith.constant dense<0.000000e+00> : vector<300x128xf32>
    %dot_general3A_776 = tpu.matmul %squeeze3A_735, %get3A_16, %dot_general3A_775 {dimension_numbers = #tpu.dot_dimension_numbers<[1], [0], [0], [1], [0, 0, 1, 1], [], []>, transpose_lhs_hint = false} : vector<300x32xf32>, vector<32x128xf32>, vector<300x128xf32> -> vector<300x128xf32>
    %dot_general3A_777 = arith.constant dense<0.000000e+00> : vector<300x128xf32>
    %dot_general3A_778 = tpu.matmul %div3A_774, %get3A_13, %dot_general3A_777 {dimension_numbers = #tpu.dot_dimension_numbers<[1], [0], [0], [1], [0, 0, 1, 1], [], []>, transpose_lhs_hint = false} : vector<300x128xf32>, vector<128x128xf32>, vector<300x128xf32> -> vector<300x128xf32>
    %add3A_779 = arith.addf %dot_general3A_776, %dot_general3A_778 : vector<300x128xf32>
    %swap3A_780 = arith.constant 14 : index
    %swap3A_781 = arith.constant 0 : index
    %swap3A_782 = arith.constant 0 : index
    %swap3A_783 = vector.load %arg19[%swap3A_780, %swap3A_781, %swap3A_782] : memref<24x300x128xf32, #tpu.memory_space<vmem>>, vector<1x300x128xf32>
    %swap3A_784 = vector.shape_cast %swap3A_783 : vector<1x300x128xf32> to vector<300x128xf32>
    %swap3A_785 = vector.shape_cast %add3A_779 : vector<300x128xf32> to vector<1x300x128xf32>
    tpu.vector_store %arg19[%swap3A_780, %swap3A_781, %swap3A_782], %swap3A_785 {strides = array<i32>} : memref<24x300x128xf32, #tpu.memory_space<vmem>>, vector<1x300x128xf32>,
    %slice3A_786 = vector.extract_strided_slice %get3A_4 {offsets = [15, 0, 0], sizes = [1, 300, 32], strides = [1, 1, 1]} : vector<24x300x32xf32> to vector<1x300x32xf32>
    %squeeze3A_787 = vector.shape_cast %slice3A_786 : vector<1x300x32xf32> to vector<300x32xf32>
    %reduce_sum3A_788 = arith.constant dense<0.000000e+00> : vector<300xf32>
    %reduce_sum3A_789 = vector.multi_reduction <add>, %squeeze3A_787, %reduce_sum3A_788 [1] : vector<300x32xf32> to vector<300xf32>
    %broadcast_in_dim3A_790 = vector.shape_cast %reduce_sum3A_789 : vector<300xf32> to vector<300x1xf32>
    %div3A_791 = arith.constant 3.200000e+01 : f32
    %div3A_792 = vector.broadcast %div3A_791 : f32 to vector<300x1xf32>
    %div3A_793 = arith.divf %broadcast_in_dim3A_790, %div3A_792 : vector<300x1xf32>
    %sub3A_794 = vector.broadcast %div3A_793 : vector<300x1xf32> to vector<300x32xf32>
    %sub3A_795 = arith.subf %squeeze3A_787, %sub3A_794 : vector<300x32xf32>
    %integer_pow3A_796 = arith.mulf %sub3A_795, %sub3A_795 : vector<300x32xf32>
    %reduce_sum3A_797 = arith.constant dense<0.000000e+00> : vector<300xf32>
    %reduce_sum3A_798 = vector.multi_reduction <add>, %integer_pow3A_796, %reduce_sum3A_797 [1] : vector<300x32xf32> to vector<300xf32>
    %broadcast_in_dim3A_799 = vector.shape_cast %reduce_sum3A_798 : vector<300xf32> to vector<300x1xf32>
    %div3A_800 = arith.constant 3.200000e+01 : f32
    %div3A_801 = vector.broadcast %div3A_800 : f32 to vector<300x1xf32>
    %div3A_802 = arith.divf %broadcast_in_dim3A_799, %div3A_801 : vector<300x1xf32>
    %sub3A_803 = vector.broadcast %div3A_793 : vector<300x1xf32> to vector<300x32xf32>
    %sub3A_804 = arith.subf %squeeze3A_787, %sub3A_803 : vector<300x32xf32>
    %add3A_805 = arith.constant 9.99999974E-6 : f32
    %add3A_806 = vector.broadcast %add3A_805 : f32 to vector<300x1xf32>
    %add3A_807 = arith.addf %div3A_802, %add3A_806 : vector<300x1xf32>
    %sqrt3A_808 = math.sqrt %add3A_807 : vector<300x1xf32>
    %div3A_809 = vector.broadcast %sqrt3A_808 : vector<300x1xf32> to vector<300x32xf32>
    %div3A_810 = arith.divf %sub3A_804, %div3A_809 : vector<300x32xf32>
    %dot_general3A_811 = arith.constant dense<0.000000e+00> : vector<300x384xf32>
    %dot_general3A_812 = tpu.matmul %div3A_810, %get3A_10, %dot_general3A_811 {dimension_numbers = #tpu.dot_dimension_numbers<[1], [0], [0], [1], [0, 0, 1, 1], [], []>, transpose_lhs_hint = false} : vector<300x32xf32>, vector<32x384xf32>, vector<300x384xf32> -> vector<300x384xf32>
    %slice3A_813 = vector.extract_strided_slice %dot_general3A_812 {offsets = [0, 0], sizes = [300, 128], strides = [1, 1]} : vector<300x384xf32> to vector<300x128xf32>
    %slice3A_814 = vector.extract_strided_slice %dot_general3A_812 {offsets = [0, 128], sizes = [300, 128], strides = [1, 1]} : vector<300x384xf32> to vector<300x128xf32>
    %slice3A_815 = vector.extract_strided_slice %dot_general3A_812 {offsets = [0, 256], sizes = [300, 128], strides = [1, 1]} : vector<300x384xf32> to vector<300x128xf32>
    %dot_general3A_816 = arith.constant dense<0.000000e+00> : vector<300x300xf32>
    %dot_general3A_817 = tpu.matmul %slice3A_813, %slice3A_814, %dot_general3A_816 {dimension_numbers = #tpu.dot_dimension_numbers<[1], [1], [0], [0], [0, 0, 1, 0], [], []>, transpose_lhs_hint = false} : vector<300x128xf32>, vector<300x128xf32>, vector<300x300xf32> -> vector<300x300xf32>
    %add3A_818 = arith.addf %dot_general3A_817, %select_n3A : vector<300x300xf32>
    %exp3A_819 = math.exp %add3A_818 : vector<300x300xf32>
    %dot_general3A_820 = arith.constant dense<0.000000e+00> : vector<300x128xf32>
    %dot_general3A_821 = tpu.matmul %exp3A_819, %slice3A_815, %dot_general3A_820 {dimension_numbers = #tpu.dot_dimension_numbers<[1], [0], [0], [1], [0, 0, 1, 1], [], []>, transpose_lhs_hint = false} : vector<300x300xf32>, vector<300x128xf32>, vector<300x128xf32> -> vector<300x128xf32>
    %reduce_sum3A_822 = arith.constant dense<0.000000e+00> : vector<300xf32>
    %reduce_sum3A_823 = vector.multi_reduction <add>, %exp3A_819, %reduce_sum3A_822 [1] : vector<300x300xf32> to vector<300xf32>
    %broadcast_in_dim3A_824 = vector.shape_cast %reduce_sum3A_823 : vector<300xf32> to vector<300x1xf32>
    %div3A_825 = vector.broadcast %broadcast_in_dim3A_824 : vector<300x1xf32> to vector<300x128xf32>
    %div3A_826 = arith.divf %dot_general3A_821, %div3A_825 : vector<300x128xf32>
    %dot_general3A_827 = arith.constant dense<0.000000e+00> : vector<300x128xf32>
    %dot_general3A_828 = tpu.matmul %squeeze3A_787, %get3A_16, %dot_general3A_827 {dimension_numbers = #tpu.dot_dimension_numbers<[1], [0], [0], [1], [0, 0, 1, 1], [], []>, transpose_lhs_hint = false} : vector<300x32xf32>, vector<32x128xf32>, vector<300x128xf32> -> vector<300x128xf32>
    %dot_general3A_829 = arith.constant dense<0.000000e+00> : vector<300x128xf32>
    %dot_general3A_830 = tpu.matmul %div3A_826, %get3A_13, %dot_general3A_829 {dimension_numbers = #tpu.dot_dimension_numbers<[1], [0], [0], [1], [0, 0, 1, 1], [], []>, transpose_lhs_hint = false} : vector<300x128xf32>, vector<128x128xf32>, vector<300x128xf32> -> vector<300x128xf32>
    %add3A_831 = arith.addf %dot_general3A_828, %dot_general3A_830 : vector<300x128xf32>
    %swap3A_832 = arith.constant 15 : index
    %swap3A_833 = arith.constant 0 : index
    %swap3A_834 = arith.constant 0 : index
    %swap3A_835 = vector.load %arg19[%swap3A_832, %swap3A_833, %swap3A_834] : memref<24x300x128xf32, #tpu.memory_space<vmem>>, vector<1x300x128xf32>
    %swap3A_836 = vector.shape_cast %swap3A_835 : vector<1x300x128xf32> to vector<300x128xf32>
    %swap3A_837 = vector.shape_cast %add3A_831 : vector<300x128xf32> to vector<1x300x128xf32>
    tpu.vector_store %arg19[%swap3A_832, %swap3A_833, %swap3A_834], %swap3A_837 {strides = array<i32>} : memref<24x300x128xf32, #tpu.memory_space<vmem>>, vector<1x300x128xf32>,
    %slice3A_838 = vector.extract_strided_slice %get3A_4 {offsets = [16, 0, 0], sizes = [1, 300, 32], strides = [1, 1, 1]} : vector<24x300x32xf32> to vector<1x300x32xf32>
    %squeeze3A_839 = vector.shape_cast %slice3A_838 : vector<1x300x32xf32> to vector<300x32xf32>
    %reduce_sum3A_840 = arith.constant dense<0.000000e+00> : vector<300xf32>
    %reduce_sum3A_841 = vector.multi_reduction <add>, %squeeze3A_839, %reduce_sum3A_840 [1] : vector<300x32xf32> to vector<300xf32>
    %broadcast_in_dim3A_842 = vector.shape_cast %reduce_sum3A_841 : vector<300xf32> to vector<300x1xf32>
    %div3A_843 = arith.constant 3.200000e+01 : f32
    %div3A_844 = vector.broadcast %div3A_843 : f32 to vector<300x1xf32>
    %div3A_845 = arith.divf %broadcast_in_dim3A_842, %div3A_844 : vector<300x1xf32>
    %sub3A_846 = vector.broadcast %div3A_845 : vector<300x1xf32> to vector<300x32xf32>
    %sub3A_847 = arith.subf %squeeze3A_839, %sub3A_846 : vector<300x32xf32>
    %integer_pow3A_848 = arith.mulf %sub3A_847, %sub3A_847 : vector<300x32xf32>
    %reduce_sum3A_849 = arith.constant dense<0.000000e+00> : vector<300xf32>
    %reduce_sum3A_850 = vector.multi_reduction <add>, %integer_pow3A_848, %reduce_sum3A_849 [1] : vector<300x32xf32> to vector<300xf32>
    %broadcast_in_dim3A_851 = vector.shape_cast %reduce_sum3A_850 : vector<300xf32> to vector<300x1xf32>
    %div3A_852 = arith.constant 3.200000e+01 : f32
    %div3A_853 = vector.broadcast %div3A_852 : f32 to vector<300x1xf32>
    %div3A_854 = arith.divf %broadcast_in_dim3A_851, %div3A_853 : vector<300x1xf32>
    %sub3A_855 = vector.broadcast %div3A_845 : vector<300x1xf32> to vector<300x32xf32>
    %sub3A_856 = arith.subf %squeeze3A_839, %sub3A_855 : vector<300x32xf32>
    %add3A_857 = arith.constant 9.99999974E-6 : f32
    %add3A_858 = vector.broadcast %add3A_857 : f32 to vector<300x1xf32>
    %add3A_859 = arith.addf %div3A_854, %add3A_858 : vector<300x1xf32>
    %sqrt3A_860 = math.sqrt %add3A_859 : vector<300x1xf32>
    %div3A_861 = vector.broadcast %sqrt3A_860 : vector<300x1xf32> to vector<300x32xf32>
    %div3A_862 = arith.divf %sub3A_856, %div3A_861 : vector<300x32xf32>
    %dot_general3A_863 = arith.constant dense<0.000000e+00> : vector<300x384xf32>
    %dot_general3A_864 = tpu.matmul %div3A_862, %get3A_10, %dot_general3A_863 {dimension_numbers = #tpu.dot_dimension_numbers<[1], [0], [0], [1], [0, 0, 1, 1], [], []>, transpose_lhs_hint = false} : vector<300x32xf32>, vector<32x384xf32>, vector<300x384xf32> -> vector<300x384xf32>
    %slice3A_865 = vector.extract_strided_slice %dot_general3A_864 {offsets = [0, 0], sizes = [300, 128], strides = [1, 1]} : vector<300x384xf32> to vector<300x128xf32>
    %slice3A_866 = vector.extract_strided_slice %dot_general3A_864 {offsets = [0, 128], sizes = [300, 128], strides = [1, 1]} : vector<300x384xf32> to vector<300x128xf32>
    %slice3A_867 = vector.extract_strided_slice %dot_general3A_864 {offsets = [0, 256], sizes = [300, 128], strides = [1, 1]} : vector<300x384xf32> to vector<300x128xf32>
    %dot_general3A_868 = arith.constant dense<0.000000e+00> : vector<300x300xf32>
    %dot_general3A_869 = tpu.matmul %slice3A_865, %slice3A_866, %dot_general3A_868 {dimension_numbers = #tpu.dot_dimension_numbers<[1], [1], [0], [0], [0, 0, 1, 0], [], []>, transpose_lhs_hint = false} : vector<300x128xf32>, vector<300x128xf32>, vector<300x300xf32> -> vector<300x300xf32>
    %add3A_870 = arith.addf %dot_general3A_869, %select_n3A : vector<300x300xf32>
    %exp3A_871 = math.exp %add3A_870 : vector<300x300xf32>
    %dot_general3A_872 = arith.constant dense<0.000000e+00> : vector<300x128xf32>
    %dot_general3A_873 = tpu.matmul %exp3A_871, %slice3A_867, %dot_general3A_872 {dimension_numbers = #tpu.dot_dimension_numbers<[1], [0], [0], [1], [0, 0, 1, 1], [], []>, transpose_lhs_hint = false} : vector<300x300xf32>, vector<300x128xf32>, vector<300x128xf32> -> vector<300x128xf32>
    %reduce_sum3A_874 = arith.constant dense<0.000000e+00> : vector<300xf32>
    %reduce_sum3A_875 = vector.multi_reduction <add>, %exp3A_871, %reduce_sum3A_874 [1] : vector<300x300xf32> to vector<300xf32>
    %broadcast_in_dim3A_876 = vector.shape_cast %reduce_sum3A_875 : vector<300xf32> to vector<300x1xf32>
    %div3A_877 = vector.broadcast %broadcast_in_dim3A_876 : vector<300x1xf32> to vector<300x128xf32>
    %div3A_878 = arith.divf %dot_general3A_873, %div3A_877 : vector<300x128xf32>
    %dot_general3A_879 = arith.constant dense<0.000000e+00> : vector<300x128xf32>
    %dot_general3A_880 = tpu.matmul %squeeze3A_839, %get3A_16, %dot_general3A_879 {dimension_numbers = #tpu.dot_dimension_numbers<[1], [0], [0], [1], [0, 0, 1, 1], [], []>, transpose_lhs_hint = false} : vector<300x32xf32>, vector<32x128xf32>, vector<300x128xf32> -> vector<300x128xf32>
    %dot_general3A_881 = arith.constant dense<0.000000e+00> : vector<300x128xf32>
    %dot_general3A_882 = tpu.matmul %div3A_878, %get3A_13, %dot_general3A_881 {dimension_numbers = #tpu.dot_dimension_numbers<[1], [0], [0], [1], [0, 0, 1, 1], [], []>, transpose_lhs_hint = false} : vector<300x128xf32>, vector<128x128xf32>, vector<300x128xf32> -> vector<300x128xf32>
    %add3A_883 = arith.addf %dot_general3A_880, %dot_general3A_882 : vector<300x128xf32>
    %swap3A_884 = arith.constant 16 : index
    %swap3A_885 = arith.constant 0 : index
    %swap3A_886 = arith.constant 0 : index
    %swap3A_887 = vector.load %arg19[%swap3A_884, %swap3A_885, %swap3A_886] : memref<24x300x128xf32, #tpu.memory_space<vmem>>, vector<1x300x128xf32>
    %swap3A_888 = vector.shape_cast %swap3A_887 : vector<1x300x128xf32> to vector<300x128xf32>
    %swap3A_889 = vector.shape_cast %add3A_883 : vector<300x128xf32> to vector<1x300x128xf32>
    tpu.vector_store %arg19[%swap3A_884, %swap3A_885, %swap3A_886], %swap3A_889 {strides = array<i32>} : memref<24x300x128xf32, #tpu.memory_space<vmem>>, vector<1x300x128xf32>,
    %slice3A_890 = vector.extract_strided_slice %get3A_4 {offsets = [17, 0, 0], sizes = [1, 300, 32], strides = [1, 1, 1]} : vector<24x300x32xf32> to vector<1x300x32xf32>
    %squeeze3A_891 = vector.shape_cast %slice3A_890 : vector<1x300x32xf32> to vector<300x32xf32>
    %reduce_sum3A_892 = arith.constant dense<0.000000e+00> : vector<300xf32>
    %reduce_sum3A_893 = vector.multi_reduction <add>, %squeeze3A_891, %reduce_sum3A_892 [1] : vector<300x32xf32> to vector<300xf32>
    %broadcast_in_dim3A_894 = vector.shape_cast %reduce_sum3A_893 : vector<300xf32> to vector<300x1xf32>
    %div3A_895 = arith.constant 3.200000e+01 : f32
    %div3A_896 = vector.broadcast %div3A_895 : f32 to vector<300x1xf32>
    %div3A_897 = arith.divf %broadcast_in_dim3A_894, %div3A_896 : vector<300x1xf32>
    %sub3A_898 = vector.broadcast %div3A_897 : vector<300x1xf32> to vector<300x32xf32>
    %sub3A_899 = arith.subf %squeeze3A_891, %sub3A_898 : vector<300x32xf32>
    %integer_pow3A_900 = arith.mulf %sub3A_899, %sub3A_899 : vector<300x32xf32>
    %reduce_sum3A_901 = arith.constant dense<0.000000e+00> : vector<300xf32>
    %reduce_sum3A_902 = vector.multi_reduction <add>, %integer_pow3A_900, %reduce_sum3A_901 [1] : vector<300x32xf32> to vector<300xf32>
    %broadcast_in_dim3A_903 = vector.shape_cast %reduce_sum3A_902 : vector<300xf32> to vector<300x1xf32>
    %div3A_904 = arith.constant 3.200000e+01 : f32
    %div3A_905 = vector.broadcast %div3A_904 : f32 to vector<300x1xf32>
    %div3A_906 = arith.divf %broadcast_in_dim3A_903, %div3A_905 : vector<300x1xf32>
    %sub3A_907 = vector.broadcast %div3A_897 : vector<300x1xf32> to vector<300x32xf32>
    %sub3A_908 = arith.subf %squeeze3A_891, %sub3A_907 : vector<300x32xf32>
    %add3A_909 = arith.constant 9.99999974E-6 : f32
    %add3A_910 = vector.broadcast %add3A_909 : f32 to vector<300x1xf32>
    %add3A_911 = arith.addf %div3A_906, %add3A_910 : vector<300x1xf32>
    %sqrt3A_912 = math.sqrt %add3A_911 : vector<300x1xf32>
    %div3A_913 = vector.broadcast %sqrt3A_912 : vector<300x1xf32> to vector<300x32xf32>
    %div3A_914 = arith.divf %sub3A_908, %div3A_913 : vector<300x32xf32>
    %dot_general3A_915 = arith.constant dense<0.000000e+00> : vector<300x384xf32>
    %dot_general3A_916 = tpu.matmul %div3A_914, %get3A_10, %dot_general3A_915 {dimension_numbers = #tpu.dot_dimension_numbers<[1], [0], [0], [1], [0, 0, 1, 1], [], []>, transpose_lhs_hint = false} : vector<300x32xf32>, vector<32x384xf32>, vector<300x384xf32> -> vector<300x384xf32>
    %slice3A_917 = vector.extract_strided_slice %dot_general3A_916 {offsets = [0, 0], sizes = [300, 128], strides = [1, 1]} : vector<300x384xf32> to vector<300x128xf32>
    %slice3A_918 = vector.extract_strided_slice %dot_general3A_916 {offsets = [0, 128], sizes = [300, 128], strides = [1, 1]} : vector<300x384xf32> to vector<300x128xf32>
    %slice3A_919 = vector.extract_strided_slice %dot_general3A_916 {offsets = [0, 256], sizes = [300, 128], strides = [1, 1]} : vector<300x384xf32> to vector<300x128xf32>
    %dot_general3A_920 = arith.constant dense<0.000000e+00> : vector<300x300xf32>
    %dot_general3A_921 = tpu.matmul %slice3A_917, %slice3A_918, %dot_general3A_920 {dimension_numbers = #tpu.dot_dimension_numbers<[1], [1], [0], [0], [0, 0, 1, 0], [], []>, transpose_lhs_hint = false} : vector<300x128xf32>, vector<300x128xf32>, vector<300x300xf32> -> vector<300x300xf32>
    %add3A_922 = arith.addf %dot_general3A_921, %select_n3A : vector<300x300xf32>
    %exp3A_923 = math.exp %add3A_922 : vector<300x300xf32>
    %dot_general3A_924 = arith.constant dense<0.000000e+00> : vector<300x128xf32>
    %dot_general3A_925 = tpu.matmul %exp3A_923, %slice3A_919, %dot_general3A_924 {dimension_numbers = #tpu.dot_dimension_numbers<[1], [0], [0], [1], [0, 0, 1, 1], [], []>, transpose_lhs_hint = false} : vector<300x300xf32>, vector<300x128xf32>, vector<300x128xf32> -> vector<300x128xf32>
    %reduce_sum3A_926 = arith.constant dense<0.000000e+00> : vector<300xf32>
    %reduce_sum3A_927 = vector.multi_reduction <add>, %exp3A_923, %reduce_sum3A_926 [1] : vector<300x300xf32> to vector<300xf32>
    %broadcast_in_dim3A_928 = vector.shape_cast %reduce_sum3A_927 : vector<300xf32> to vector<300x1xf32>
    %div3A_929 = vector.broadcast %broadcast_in_dim3A_928 : vector<300x1xf32> to vector<300x128xf32>
    %div3A_930 = arith.divf %dot_general3A_925, %div3A_929 : vector<300x128xf32>
    %dot_general3A_931 = arith.constant dense<0.000000e+00> : vector<300x128xf32>
    %dot_general3A_932 = tpu.matmul %squeeze3A_891, %get3A_16, %dot_general3A_931 {dimension_numbers = #tpu.dot_dimension_numbers<[1], [0], [0], [1], [0, 0, 1, 1], [], []>, transpose_lhs_hint = false} : vector<300x32xf32>, vector<32x128xf32>, vector<300x128xf32> -> vector<300x128xf32>
    %dot_general3A_933 = arith.constant dense<0.000000e+00> : vector<300x128xf32>
    %dot_general3A_934 = tpu.matmul %div3A_930, %get3A_13, %dot_general3A_933 {dimension_numbers = #tpu.dot_dimension_numbers<[1], [0], [0], [1], [0, 0, 1, 1], [], []>, transpose_lhs_hint = false} : vector<300x128xf32>, vector<128x128xf32>, vector<300x128xf32> -> vector<300x128xf32>
    %add3A_935 = arith.addf %dot_general3A_932, %dot_general3A_934 : vector<300x128xf32>
    %swap3A_936 = arith.constant 17 : index
    %swap3A_937 = arith.constant 0 : index
    %swap3A_938 = arith.constant 0 : index
    %swap3A_939 = vector.load %arg19[%swap3A_936, %swap3A_937, %swap3A_938] : memref<24x300x128xf32, #tpu.memory_space<vmem>>, vector<1x300x128xf32>
    %swap3A_940 = vector.shape_cast %swap3A_939 : vector<1x300x128xf32> to vector<300x128xf32>
    %swap3A_941 = vector.shape_cast %add3A_935 : vector<300x128xf32> to vector<1x300x128xf32>
    tpu.vector_store %arg19[%swap3A_936, %swap3A_937, %swap3A_938], %swap3A_941 {strides = array<i32>} : memref<24x300x128xf32, #tpu.memory_space<vmem>>, vector<1x300x128xf32>,
    %slice3A_942 = vector.extract_strided_slice %get3A_4 {offsets = [18, 0, 0], sizes = [1, 300, 32], strides = [1, 1, 1]} : vector<24x300x32xf32> to vector<1x300x32xf32>
    %squeeze3A_943 = vector.shape_cast %slice3A_942 : vector<1x300x32xf32> to vector<300x32xf32>
    %reduce_sum3A_944 = arith.constant dense<0.000000e+00> : vector<300xf32>
    %reduce_sum3A_945 = vector.multi_reduction <add>, %squeeze3A_943, %reduce_sum3A_944 [1] : vector<300x32xf32> to vector<300xf32>
    %broadcast_in_dim3A_946 = vector.shape_cast %reduce_sum3A_945 : vector<300xf32> to vector<300x1xf32>
    %div3A_947 = arith.constant 3.200000e+01 : f32
    %div3A_948 = vector.broadcast %div3A_947 : f32 to vector<300x1xf32>
    %div3A_949 = arith.divf %broadcast_in_dim3A_946, %div3A_948 : vector<300x1xf32>
    %sub3A_950 = vector.broadcast %div3A_949 : vector<300x1xf32> to vector<300x32xf32>
    %sub3A_951 = arith.subf %squeeze3A_943, %sub3A_950 : vector<300x32xf32>
    %integer_pow3A_952 = arith.mulf %sub3A_951, %sub3A_951 : vector<300x32xf32>
    %reduce_sum3A_953 = arith.constant dense<0.000000e+00> : vector<300xf32>
    %reduce_sum3A_954 = vector.multi_reduction <add>, %integer_pow3A_952, %reduce_sum3A_953 [1] : vector<300x32xf32> to vector<300xf32>
    %broadcast_in_dim3A_955 = vector.shape_cast %reduce_sum3A_954 : vector<300xf32> to vector<300x1xf32>
    %div3A_956 = arith.constant 3.200000e+01 : f32
    %div3A_957 = vector.broadcast %div3A_956 : f32 to vector<300x1xf32>
    %div3A_958 = arith.divf %broadcast_in_dim3A_955, %div3A_957 : vector<300x1xf32>
    %sub3A_959 = vector.broadcast %div3A_949 : vector<300x1xf32> to vector<300x32xf32>
    %sub3A_960 = arith.subf %squeeze3A_943, %sub3A_959 : vector<300x32xf32>
    %add3A_961 = arith.constant 9.99999974E-6 : f32
    %add3A_962 = vector.broadcast %add3A_961 : f32 to vector<300x1xf32>
    %add3A_963 = arith.addf %div3A_958, %add3A_962 : vector<300x1xf32>
    %sqrt3A_964 = math.sqrt %add3A_963 : vector<300x1xf32>
    %div3A_965 = vector.broadcast %sqrt3A_964 : vector<300x1xf32> to vector<300x32xf32>
    %div3A_966 = arith.divf %sub3A_960, %div3A_965 : vector<300x32xf32>
    %dot_general3A_967 = arith.constant dense<0.000000e+00> : vector<300x384xf32>
    %dot_general3A_968 = tpu.matmul %div3A_966, %get3A_10, %dot_general3A_967 {dimension_numbers = #tpu.dot_dimension_numbers<[1], [0], [0], [1], [0, 0, 1, 1], [], []>, transpose_lhs_hint = false} : vector<300x32xf32>, vector<32x384xf32>, vector<300x384xf32> -> vector<300x384xf32>
    %slice3A_969 = vector.extract_strided_slice %dot_general3A_968 {offsets = [0, 0], sizes = [300, 128], strides = [1, 1]} : vector<300x384xf32> to vector<300x128xf32>
    %slice3A_970 = vector.extract_strided_slice %dot_general3A_968 {offsets = [0, 128], sizes = [300, 128], strides = [1, 1]} : vector<300x384xf32> to vector<300x128xf32>
    %slice3A_971 = vector.extract_strided_slice %dot_general3A_968 {offsets = [0, 256], sizes = [300, 128], strides = [1, 1]} : vector<300x384xf32> to vector<300x128xf32>
    %dot_general3A_972 = arith.constant dense<0.000000e+00> : vector<300x300xf32>
    %dot_general3A_973 = tpu.matmul %slice3A_969, %slice3A_970, %dot_general3A_972 {dimension_numbers = #tpu.dot_dimension_numbers<[1], [1], [0], [0], [0, 0, 1, 0], [], []>, transpose_lhs_hint = false} : vector<300x128xf32>, vector<300x128xf32>, vector<300x300xf32> -> vector<300x300xf32>
    %add3A_974 = arith.addf %dot_general3A_973, %select_n3A : vector<300x300xf32>
    %exp3A_975 = math.exp %add3A_974 : vector<300x300xf32>
    %dot_general3A_976 = arith.constant dense<0.000000e+00> : vector<300x128xf32>
    %dot_general3A_977 = tpu.matmul %exp3A_975, %slice3A_971, %dot_general3A_976 {dimension_numbers = #tpu.dot_dimension_numbers<[1], [0], [0], [1], [0, 0, 1, 1], [], []>, transpose_lhs_hint = false} : vector<300x300xf32>, vector<300x128xf32>, vector<300x128xf32> -> vector<300x128xf32>
    %reduce_sum3A_978 = arith.constant dense<0.000000e+00> : vector<300xf32>
    %reduce_sum3A_979 = vector.multi_reduction <add>, %exp3A_975, %reduce_sum3A_978 [1] : vector<300x300xf32> to vector<300xf32>
    %broadcast_in_dim3A_980 = vector.shape_cast %reduce_sum3A_979 : vector<300xf32> to vector<300x1xf32>
    %div3A_981 = vector.broadcast %broadcast_in_dim3A_980 : vector<300x1xf32> to vector<300x128xf32>
    %div3A_982 = arith.divf %dot_general3A_977, %div3A_981 : vector<300x128xf32>
    %dot_general3A_983 = arith.constant dense<0.000000e+00> : vector<300x128xf32>
    %dot_general3A_984 = tpu.matmul %squeeze3A_943, %get3A_16, %dot_general3A_983 {dimension_numbers = #tpu.dot_dimension_numbers<[1], [0], [0], [1], [0, 0, 1, 1], [], []>, transpose_lhs_hint = false} : vector<300x32xf32>, vector<32x128xf32>, vector<300x128xf32> -> vector<300x128xf32>
    %dot_general3A_985 = arith.constant dense<0.000000e+00> : vector<300x128xf32>
    %dot_general3A_986 = tpu.matmul %div3A_982, %get3A_13, %dot_general3A_985 {dimension_numbers = #tpu.dot_dimension_numbers<[1], [0], [0], [1], [0, 0, 1, 1], [], []>, transpose_lhs_hint = false} : vector<300x128xf32>, vector<128x128xf32>, vector<300x128xf32> -> vector<300x128xf32>
    %add3A_987 = arith.addf %dot_general3A_984, %dot_general3A_986 : vector<300x128xf32>
    %swap3A_988 = arith.constant 18 : index
    %swap3A_989 = arith.constant 0 : index
    %swap3A_990 = arith.constant 0 : index
    %swap3A_991 = vector.load %arg19[%swap3A_988, %swap3A_989, %swap3A_990] : memref<24x300x128xf32, #tpu.memory_space<vmem>>, vector<1x300x128xf32>
    %swap3A_992 = vector.shape_cast %swap3A_991 : vector<1x300x128xf32> to vector<300x128xf32>
    %swap3A_993 = vector.shape_cast %add3A_987 : vector<300x128xf32> to vector<1x300x128xf32>
    tpu.vector_store %arg19[%swap3A_988, %swap3A_989, %swap3A_990], %swap3A_993 {strides = array<i32>} : memref<24x300x128xf32, #tpu.memory_space<vmem>>, vector<1x300x128xf32>,
    %slice3A_994 = vector.extract_strided_slice %get3A_4 {offsets = [19, 0, 0], sizes = [1, 300, 32], strides = [1, 1, 1]} : vector<24x300x32xf32> to vector<1x300x32xf32>
    %squeeze3A_995 = vector.shape_cast %slice3A_994 : vector<1x300x32xf32> to vector<300x32xf32>
    %reduce_sum3A_996 = arith.constant dense<0.000000e+00> : vector<300xf32>
    %reduce_sum3A_997 = vector.multi_reduction <add>, %squeeze3A_995, %reduce_sum3A_996 [1] : vector<300x32xf32> to vector<300xf32>
    %broadcast_in_dim3A_998 = vector.shape_cast %reduce_sum3A_997 : vector<300xf32> to vector<300x1xf32>
    %div3A_999 = arith.constant 3.200000e+01 : f32
    %div3A_1000 = vector.broadcast %div3A_999 : f32 to vector<300x1xf32>
    %div3A_1001 = arith.divf %broadcast_in_dim3A_998, %div3A_1000 : vector<300x1xf32>
    %sub3A_1002 = vector.broadcast %div3A_1001 : vector<300x1xf32> to vector<300x32xf32>
    %sub3A_1003 = arith.subf %squeeze3A_995, %sub3A_1002 : vector<300x32xf32>
    %integer_pow3A_1004 = arith.mulf %sub3A_1003, %sub3A_1003 : vector<300x32xf32>
    %reduce_sum3A_1005 = arith.constant dense<0.000000e+00> : vector<300xf32>
    %reduce_sum3A_1006 = vector.multi_reduction <add>, %integer_pow3A_1004, %reduce_sum3A_1005 [1] : vector<300x32xf32> to vector<300xf32>
    %broadcast_in_dim3A_1007 = vector.shape_cast %reduce_sum3A_1006 : vector<300xf32> to vector<300x1xf32>
    %div3A_1008 = arith.constant 3.200000e+01 : f32
    %div3A_1009 = vector.broadcast %div3A_1008 : f32 to vector<300x1xf32>
    %div3A_1010 = arith.divf %broadcast_in_dim3A_1007, %div3A_1009 : vector<300x1xf32>
    %sub3A_1011 = vector.broadcast %div3A_1001 : vector<300x1xf32> to vector<300x32xf32>
    %sub3A_1012 = arith.subf %squeeze3A_995, %sub3A_1011 : vector<300x32xf32>
    %add3A_1013 = arith.constant 9.99999974E-6 : f32
    %add3A_1014 = vector.broadcast %add3A_1013 : f32 to vector<300x1xf32>
    %add3A_1015 = arith.addf %div3A_1010, %add3A_1014 : vector<300x1xf32>
    %sqrt3A_1016 = math.sqrt %add3A_1015 : vector<300x1xf32>
    %div3A_1017 = vector.broadcast %sqrt3A_1016 : vector<300x1xf32> to vector<300x32xf32>
    %div3A_1018 = arith.divf %sub3A_1012, %div3A_1017 : vector<300x32xf32>
    %dot_general3A_1019 = arith.constant dense<0.000000e+00> : vector<300x384xf32>
    %dot_general3A_1020 = tpu.matmul %div3A_1018, %get3A_10, %dot_general3A_1019 {dimension_numbers = #tpu.dot_dimension_numbers<[1], [0], [0], [1], [0, 0, 1, 1], [], []>, transpose_lhs_hint = false} : vector<300x32xf32>, vector<32x384xf32>, vector<300x384xf32> -> vector<300x384xf32>
    %slice3A_1021 = vector.extract_strided_slice %dot_general3A_1020 {offsets = [0, 0], sizes = [300, 128], strides = [1, 1]} : vector<300x384xf32> to vector<300x128xf32>
    %slice3A_1022 = vector.extract_strided_slice %dot_general3A_1020 {offsets = [0, 128], sizes = [300, 128], strides = [1, 1]} : vector<300x384xf32> to vector<300x128xf32>
    %slice3A_1023 = vector.extract_strided_slice %dot_general3A_1020 {offsets = [0, 256], sizes = [300, 128], strides = [1, 1]} : vector<300x384xf32> to vector<300x128xf32>
    %dot_general3A_1024 = arith.constant dense<0.000000e+00> : vector<300x300xf32>
    %dot_general3A_1025 = tpu.matmul %slice3A_1021, %slice3A_1022, %dot_general3A_1024 {dimension_numbers = #tpu.dot_dimension_numbers<[1], [1], [0], [0], [0, 0, 1, 0], [], []>, transpose_lhs_hint = false} : vector<300x128xf32>, vector<300x128xf32>, vector<300x300xf32> -> vector<300x300xf32>
    %add3A_1026 = arith.addf %dot_general3A_1025, %select_n3A : vector<300x300xf32>
    %exp3A_1027 = math.exp %add3A_1026 : vector<300x300xf32>
    %dot_general3A_1028 = arith.constant dense<0.000000e+00> : vector<300x128xf32>
    %dot_general3A_1029 = tpu.matmul %exp3A_1027, %slice3A_1023, %dot_general3A_1028 {dimension_numbers = #tpu.dot_dimension_numbers<[1], [0], [0], [1], [0, 0, 1, 1], [], []>, transpose_lhs_hint = false} : vector<300x300xf32>, vector<300x128xf32>, vector<300x128xf32> -> vector<300x128xf32>
    %reduce_sum3A_1030 = arith.constant dense<0.000000e+00> : vector<300xf32>
    %reduce_sum3A_1031 = vector.multi_reduction <add>, %exp3A_1027, %reduce_sum3A_1030 [1] : vector<300x300xf32> to vector<300xf32>
    %broadcast_in_dim3A_1032 = vector.shape_cast %reduce_sum3A_1031 : vector<300xf32> to vector<300x1xf32>
    %div3A_1033 = vector.broadcast %broadcast_in_dim3A_1032 : vector<300x1xf32> to vector<300x128xf32>
    %div3A_1034 = arith.divf %dot_general3A_1029, %div3A_1033 : vector<300x128xf32>
    %dot_general3A_1035 = arith.constant dense<0.000000e+00> : vector<300x128xf32>
    %dot_general3A_1036 = tpu.matmul %squeeze3A_995, %get3A_16, %dot_general3A_1035 {dimension_numbers = #tpu.dot_dimension_numbers<[1], [0], [0], [1], [0, 0, 1, 1], [], []>, transpose_lhs_hint = false} : vector<300x32xf32>, vector<32x128xf32>, vector<300x128xf32> -> vector<300x128xf32>
    %dot_general3A_1037 = arith.constant dense<0.000000e+00> : vector<300x128xf32>
    %dot_general3A_1038 = tpu.matmul %div3A_1034, %get3A_13, %dot_general3A_1037 {dimension_numbers = #tpu.dot_dimension_numbers<[1], [0], [0], [1], [0, 0, 1, 1], [], []>, transpose_lhs_hint = false} : vector<300x128xf32>, vector<128x128xf32>, vector<300x128xf32> -> vector<300x128xf32>
    %add3A_1039 = arith.addf %dot_general3A_1036, %dot_general3A_1038 : vector<300x128xf32>
    %swap3A_1040 = arith.constant 19 : index
    %swap3A_1041 = arith.constant 0 : index
    %swap3A_1042 = arith.constant 0 : index
    %swap3A_1043 = vector.load %arg19[%swap3A_1040, %swap3A_1041, %swap3A_1042] : memref<24x300x128xf32, #tpu.memory_space<vmem>>, vector<1x300x128xf32>
    %swap3A_1044 = vector.shape_cast %swap3A_1043 : vector<1x300x128xf32> to vector<300x128xf32>
    %swap3A_1045 = vector.shape_cast %add3A_1039 : vector<300x128xf32> to vector<1x300x128xf32>
    tpu.vector_store %arg19[%swap3A_1040, %swap3A_1041, %swap3A_1042], %swap3A_1045 {strides = array<i32>} : memref<24x300x128xf32, #tpu.memory_space<vmem>>, vector<1x300x128xf32>,
    %slice3A_1046 = vector.extract_strided_slice %get3A_4 {offsets = [20, 0, 0], sizes = [1, 300, 32], strides = [1, 1, 1]} : vector<24x300x32xf32> to vector<1x300x32xf32>
    %squeeze3A_1047 = vector.shape_cast %slice3A_1046 : vector<1x300x32xf32> to vector<300x32xf32>
    %reduce_sum3A_1048 = arith.constant dense<0.000000e+00> : vector<300xf32>
    %reduce_sum3A_1049 = vector.multi_reduction <add>, %squeeze3A_1047, %reduce_sum3A_1048 [1] : vector<300x32xf32> to vector<300xf32>
    %broadcast_in_dim3A_1050 = vector.shape_cast %reduce_sum3A_1049 : vector<300xf32> to vector<300x1xf32>
    %div3A_1051 = arith.constant 3.200000e+01 : f32
    %div3A_1052 = vector.broadcast %div3A_1051 : f32 to vector<300x1xf32>
    %div3A_1053 = arith.divf %broadcast_in_dim3A_1050, %div3A_1052 : vector<300x1xf32>
    %sub3A_1054 = vector.broadcast %div3A_1053 : vector<300x1xf32> to vector<300x32xf32>
    %sub3A_1055 = arith.subf %squeeze3A_1047, %sub3A_1054 : vector<300x32xf32>
    %integer_pow3A_1056 = arith.mulf %sub3A_1055, %sub3A_1055 : vector<300x32xf32>
    %reduce_sum3A_1057 = arith.constant dense<0.000000e+00> : vector<300xf32>
    %reduce_sum3A_1058 = vector.multi_reduction <add>, %integer_pow3A_1056, %reduce_sum3A_1057 [1] : vector<300x32xf32> to vector<300xf32>
    %broadcast_in_dim3A_1059 = vector.shape_cast %reduce_sum3A_1058 : vector<300xf32> to vector<300x1xf32>
    %div3A_1060 = arith.constant 3.200000e+01 : f32
    %div3A_1061 = vector.broadcast %div3A_1060 : f32 to vector<300x1xf32>
    %div3A_1062 = arith.divf %broadcast_in_dim3A_1059, %div3A_1061 : vector<300x1xf32>
    %sub3A_1063 = vector.broadcast %div3A_1053 : vector<300x1xf32> to vector<300x32xf32>
    %sub3A_1064 = arith.subf %squeeze3A_1047, %sub3A_1063 : vector<300x32xf32>
    %add3A_1065 = arith.constant 9.99999974E-6 : f32
    %add3A_1066 = vector.broadcast %add3A_1065 : f32 to vector<300x1xf32>
    %add3A_1067 = arith.addf %div3A_1062, %add3A_1066 : vector<300x1xf32>
    %sqrt3A_1068 = math.sqrt %add3A_1067 : vector<300x1xf32>
    %div3A_1069 = vector.broadcast %sqrt3A_1068 : vector<300x1xf32> to vector<300x32xf32>
    %div3A_1070 = arith.divf %sub3A_1064, %div3A_1069 : vector<300x32xf32>
    %dot_general3A_1071 = arith.constant dense<0.000000e+00> : vector<300x384xf32>
    %dot_general3A_1072 = tpu.matmul %div3A_1070, %get3A_10, %dot_general3A_1071 {dimension_numbers = #tpu.dot_dimension_numbers<[1], [0], [0], [1], [0, 0, 1, 1], [], []>, transpose_lhs_hint = false} : vector<300x32xf32>, vector<32x384xf32>, vector<300x384xf32> -> vector<300x384xf32>
    %slice3A_1073 = vector.extract_strided_slice %dot_general3A_1072 {offsets = [0, 0], sizes = [300, 128], strides = [1, 1]} : vector<300x384xf32> to vector<300x128xf32>
    %slice3A_1074 = vector.extract_strided_slice %dot_general3A_1072 {offsets = [0, 128], sizes = [300, 128], strides = [1, 1]} : vector<300x384xf32> to vector<300x128xf32>
    %slice3A_1075 = vector.extract_strided_slice %dot_general3A_1072 {offsets = [0, 256], sizes = [300, 128], strides = [1, 1]} : vector<300x384xf32> to vector<300x128xf32>
    %dot_general3A_1076 = arith.constant dense<0.000000e+00> : vector<300x300xf32>
    %dot_general3A_1077 = tpu.matmul %slice3A_1073, %slice3A_1074, %dot_general3A_1076 {dimension_numbers = #tpu.dot_dimension_numbers<[1], [1], [0], [0], [0, 0, 1, 0], [], []>, transpose_lhs_hint = false} : vector<300x128xf32>, vector<300x128xf32>, vector<300x300xf32> -> vector<300x300xf32>
    %add3A_1078 = arith.addf %dot_general3A_1077, %select_n3A : vector<300x300xf32>
    %exp3A_1079 = math.exp %add3A_1078 : vector<300x300xf32>
    %dot_general3A_1080 = arith.constant dense<0.000000e+00> : vector<300x128xf32>
    %dot_general3A_1081 = tpu.matmul %exp3A_1079, %slice3A_1075, %dot_general3A_1080 {dimension_numbers = #tpu.dot_dimension_numbers<[1], [0], [0], [1], [0, 0, 1, 1], [], []>, transpose_lhs_hint = false} : vector<300x300xf32>, vector<300x128xf32>, vector<300x128xf32> -> vector<300x128xf32>
    %reduce_sum3A_1082 = arith.constant dense<0.000000e+00> : vector<300xf32>
    %reduce_sum3A_1083 = vector.multi_reduction <add>, %exp3A_1079, %reduce_sum3A_1082 [1] : vector<300x300xf32> to vector<300xf32>
    %broadcast_in_dim3A_1084 = vector.shape_cast %reduce_sum3A_1083 : vector<300xf32> to vector<300x1xf32>
    %div3A_1085 = vector.broadcast %broadcast_in_dim3A_1084 : vector<300x1xf32> to vector<300x128xf32>
    %div3A_1086 = arith.divf %dot_general3A_1081, %div3A_1085 : vector<300x128xf32>
    %dot_general3A_1087 = arith.constant dense<0.000000e+00> : vector<300x128xf32>
    %dot_general3A_1088 = tpu.matmul %squeeze3A_1047, %get3A_16, %dot_general3A_1087 {dimension_numbers = #tpu.dot_dimension_numbers<[1], [0], [0], [1], [0, 0, 1, 1], [], []>, transpose_lhs_hint = false} : vector<300x32xf32>, vector<32x128xf32>, vector<300x128xf32> -> vector<300x128xf32>
    %dot_general3A_1089 = arith.constant dense<0.000000e+00> : vector<300x128xf32>
    %dot_general3A_1090 = tpu.matmul %div3A_1086, %get3A_13, %dot_general3A_1089 {dimension_numbers = #tpu.dot_dimension_numbers<[1], [0], [0], [1], [0, 0, 1, 1], [], []>, transpose_lhs_hint = false} : vector<300x128xf32>, vector<128x128xf32>, vector<300x128xf32> -> vector<300x128xf32>
    %add3A_1091 = arith.addf %dot_general3A_1088, %dot_general3A_1090 : vector<300x128xf32>
    %swap3A_1092 = arith.constant 20 : index
    %swap3A_1093 = arith.constant 0 : index
    %swap3A_1094 = arith.constant 0 : index
    %swap3A_1095 = vector.load %arg19[%swap3A_1092, %swap3A_1093, %swap3A_1094] : memref<24x300x128xf32, #tpu.memory_space<vmem>>, vector<1x300x128xf32>
    %swap3A_1096 = vector.shape_cast %swap3A_1095 : vector<1x300x128xf32> to vector<300x128xf32>
    %swap3A_1097 = vector.shape_cast %add3A_1091 : vector<300x128xf32> to vector<1x300x128xf32>
    tpu.vector_store %arg19[%swap3A_1092, %swap3A_1093, %swap3A_1094], %swap3A_1097 {strides = array<i32>} : memref<24x300x128xf32, #tpu.memory_space<vmem>>, vector<1x300x128xf32>,
    %slice3A_1098 = vector.extract_strided_slice %get3A_4 {offsets = [21, 0, 0], sizes = [1, 300, 32], strides = [1, 1, 1]} : vector<24x300x32xf32> to vector<1x300x32xf32>
    %squeeze3A_1099 = vector.shape_cast %slice3A_1098 : vector<1x300x32xf32> to vector<300x32xf32>
    %reduce_sum3A_1100 = arith.constant dense<0.000000e+00> : vector<300xf32>
    %reduce_sum3A_1101 = vector.multi_reduction <add>, %squeeze3A_1099, %reduce_sum3A_1100 [1] : vector<300x32xf32> to vector<300xf32>
    %broadcast_in_dim3A_1102 = vector.shape_cast %reduce_sum3A_1101 : vector<300xf32> to vector<300x1xf32>
    %div3A_1103 = arith.constant 3.200000e+01 : f32
    %div3A_1104 = vector.broadcast %div3A_1103 : f32 to vector<300x1xf32>
    %div3A_1105 = arith.divf %broadcast_in_dim3A_1102, %div3A_1104 : vector<300x1xf32>
    %sub3A_1106 = vector.broadcast %div3A_1105 : vector<300x1xf32> to vector<300x32xf32>
    %sub3A_1107 = arith.subf %squeeze3A_1099, %sub3A_1106 : vector<300x32xf32>
    %integer_pow3A_1108 = arith.mulf %sub3A_1107, %sub3A_1107 : vector<300x32xf32>
    %reduce_sum3A_1109 = arith.constant dense<0.000000e+00> : vector<300xf32>
    %reduce_sum3A_1110 = vector.multi_reduction <add>, %integer_pow3A_1108, %reduce_sum3A_1109 [1] : vector<300x32xf32> to vector<300xf32>
    %broadcast_in_dim3A_1111 = vector.shape_cast %reduce_sum3A_1110 : vector<300xf32> to vector<300x1xf32>
    %div3A_1112 = arith.constant 3.200000e+01 : f32
    %div3A_1113 = vector.broadcast %div3A_1112 : f32 to vector<300x1xf32>
    %div3A_1114 = arith.divf %broadcast_in_dim3A_1111, %div3A_1113 : vector<300x1xf32>
    %sub3A_1115 = vector.broadcast %div3A_1105 : vector<300x1xf32> to vector<300x32xf32>
    %sub3A_1116 = arith.subf %squeeze3A_1099, %sub3A_1115 : vector<300x32xf32>
    %add3A_1117 = arith.constant 9.99999974E-6 : f32
    %add3A_1118 = vector.broadcast %add3A_1117 : f32 to vector<300x1xf32>
    %add3A_1119 = arith.addf %div3A_1114, %add3A_1118 : vector<300x1xf32>
    %sqrt3A_1120 = math.sqrt %add3A_1119 : vector<300x1xf32>
    %div3A_1121 = vector.broadcast %sqrt3A_1120 : vector<300x1xf32> to vector<300x32xf32>
    %div3A_1122 = arith.divf %sub3A_1116, %div3A_1121 : vector<300x32xf32>
    %dot_general3A_1123 = arith.constant dense<0.000000e+00> : vector<300x384xf32>
    %dot_general3A_1124 = tpu.matmul %div3A_1122, %get3A_10, %dot_general3A_1123 {dimension_numbers = #tpu.dot_dimension_numbers<[1], [0], [0], [1], [0, 0, 1, 1], [], []>, transpose_lhs_hint = false} : vector<300x32xf32>, vector<32x384xf32>, vector<300x384xf32> -> vector<300x384xf32>
    %slice3A_1125 = vector.extract_strided_slice %dot_general3A_1124 {offsets = [0, 0], sizes = [300, 128], strides = [1, 1]} : vector<300x384xf32> to vector<300x128xf32>
    %slice3A_1126 = vector.extract_strided_slice %dot_general3A_1124 {offsets = [0, 128], sizes = [300, 128], strides = [1, 1]} : vector<300x384xf32> to vector<300x128xf32>
    %slice3A_1127 = vector.extract_strided_slice %dot_general3A_1124 {offsets = [0, 256], sizes = [300, 128], strides = [1, 1]} : vector<300x384xf32> to vector<300x128xf32>
    %dot_general3A_1128 = arith.constant dense<0.000000e+00> : vector<300x300xf32>
    %dot_general3A_1129 = tpu.matmul %slice3A_1125, %slice3A_1126, %dot_general3A_1128 {dimension_numbers = #tpu.dot_dimension_numbers<[1], [1], [0], [0], [0, 0, 1, 0], [], []>, transpose_lhs_hint = false} : vector<300x128xf32>, vector<300x128xf32>, vector<300x300xf32> -> vector<300x300xf32>
    %add3A_1130 = arith.addf %dot_general3A_1129, %select_n3A : vector<300x300xf32>
    %exp3A_1131 = math.exp %add3A_1130 : vector<300x300xf32>
    %dot_general3A_1132 = arith.constant dense<0.000000e+00> : vector<300x128xf32>
    %dot_general3A_1133 = tpu.matmul %exp3A_1131, %slice3A_1127, %dot_general3A_1132 {dimension_numbers = #tpu.dot_dimension_numbers<[1], [0], [0], [1], [0, 0, 1, 1], [], []>, transpose_lhs_hint = false} : vector<300x300xf32>, vector<300x128xf32>, vector<300x128xf32> -> vector<300x128xf32>
    %reduce_sum3A_1134 = arith.constant dense<0.000000e+00> : vector<300xf32>
    %reduce_sum3A_1135 = vector.multi_reduction <add>, %exp3A_1131, %reduce_sum3A_1134 [1] : vector<300x300xf32> to vector<300xf32>
    %broadcast_in_dim3A_1136 = vector.shape_cast %reduce_sum3A_1135 : vector<300xf32> to vector<300x1xf32>
    %div3A_1137 = vector.broadcast %broadcast_in_dim3A_1136 : vector<300x1xf32> to vector<300x128xf32>
    %div3A_1138 = arith.divf %dot_general3A_1133, %div3A_1137 : vector<300x128xf32>
    %dot_general3A_1139 = arith.constant dense<0.000000e+00> : vector<300x128xf32>
    %dot_general3A_1140 = tpu.matmul %squeeze3A_1099, %get3A_16, %dot_general3A_1139 {dimension_numbers = #tpu.dot_dimension_numbers<[1], [0], [0], [1], [0, 0, 1, 1], [], []>, transpose_lhs_hint = false} : vector<300x32xf32>, vector<32x128xf32>, vector<300x128xf32> -> vector<300x128xf32>
    %dot_general3A_1141 = arith.constant dense<0.000000e+00> : vector<300x128xf32>
    %dot_general3A_1142 = tpu.matmul %div3A_1138, %get3A_13, %dot_general3A_1141 {dimension_numbers = #tpu.dot_dimension_numbers<[1], [0], [0], [1], [0, 0, 1, 1], [], []>, transpose_lhs_hint = false} : vector<300x128xf32>, vector<128x128xf32>, vector<300x128xf32> -> vector<300x128xf32>
    %add3A_1143 = arith.addf %dot_general3A_1140, %dot_general3A_1142 : vector<300x128xf32>
    %swap3A_1144 = arith.constant 21 : index
    %swap3A_1145 = arith.constant 0 : index
    %swap3A_1146 = arith.constant 0 : index
    %swap3A_1147 = vector.load %arg19[%swap3A_1144, %swap3A_1145, %swap3A_1146] : memref<24x300x128xf32, #tpu.memory_space<vmem>>, vector<1x300x128xf32>
    %swap3A_1148 = vector.shape_cast %swap3A_1147 : vector<1x300x128xf32> to vector<300x128xf32>
    %swap3A_1149 = vector.shape_cast %add3A_1143 : vector<300x128xf32> to vector<1x300x128xf32>
    tpu.vector_store %arg19[%swap3A_1144, %swap3A_1145, %swap3A_1146], %swap3A_1149 {strides = array<i32>} : memref<24x300x128xf32, #tpu.memory_space<vmem>>, vector<1x300x128xf32>,
    %slice3A_1150 = vector.extract_strided_slice %get3A_4 {offsets = [22, 0, 0], sizes = [1, 300, 32], strides = [1, 1, 1]} : vector<24x300x32xf32> to vector<1x300x32xf32>
    %squeeze3A_1151 = vector.shape_cast %slice3A_1150 : vector<1x300x32xf32> to vector<300x32xf32>
    %reduce_sum3A_1152 = arith.constant dense<0.000000e+00> : vector<300xf32>
    %reduce_sum3A_1153 = vector.multi_reduction <add>, %squeeze3A_1151, %reduce_sum3A_1152 [1] : vector<300x32xf32> to vector<300xf32>
    %broadcast_in_dim3A_1154 = vector.shape_cast %reduce_sum3A_1153 : vector<300xf32> to vector<300x1xf32>
    %div3A_1155 = arith.constant 3.200000e+01 : f32
    %div3A_1156 = vector.broadcast %div3A_1155 : f32 to vector<300x1xf32>
    %div3A_1157 = arith.divf %broadcast_in_dim3A_1154, %div3A_1156 : vector<300x1xf32>
    %sub3A_1158 = vector.broadcast %div3A_1157 : vector<300x1xf32> to vector<300x32xf32>
    %sub3A_1159 = arith.subf %squeeze3A_1151, %sub3A_1158 : vector<300x32xf32>
    %integer_pow3A_1160 = arith.mulf %sub3A_1159, %sub3A_1159 : vector<300x32xf32>
    %reduce_sum3A_1161 = arith.constant dense<0.000000e+00> : vector<300xf32>
    %reduce_sum3A_1162 = vector.multi_reduction <add>, %integer_pow3A_1160, %reduce_sum3A_1161 [1] : vector<300x32xf32> to vector<300xf32>
    %broadcast_in_dim3A_1163 = vector.shape_cast %reduce_sum3A_1162 : vector<300xf32> to vector<300x1xf32>
    %div3A_1164 = arith.constant 3.200000e+01 : f32
    %div3A_1165 = vector.broadcast %div3A_1164 : f32 to vector<300x1xf32>
    %div3A_1166 = arith.divf %broadcast_in_dim3A_1163, %div3A_1165 : vector<300x1xf32>
    %sub3A_1167 = vector.broadcast %div3A_1157 : vector<300x1xf32> to vector<300x32xf32>
    %sub3A_1168 = arith.subf %squeeze3A_1151, %sub3A_1167 : vector<300x32xf32>
    %add3A_1169 = arith.constant 9.99999974E-6 : f32
    %add3A_1170 = vector.broadcast %add3A_1169 : f32 to vector<300x1xf32>
    %add3A_1171 = arith.addf %div3A_1166, %add3A_1170 : vector<300x1xf32>
    %sqrt3A_1172 = math.sqrt %add3A_1171 : vector<300x1xf32>
    %div3A_1173 = vector.broadcast %sqrt3A_1172 : vector<300x1xf32> to vector<300x32xf32>
    %div3A_1174 = arith.divf %sub3A_1168, %div3A_1173 : vector<300x32xf32>
    %dot_general3A_1175 = arith.constant dense<0.000000e+00> : vector<300x384xf32>
    %dot_general3A_1176 = tpu.matmul %div3A_1174, %get3A_10, %dot_general3A_1175 {dimension_numbers = #tpu.dot_dimension_numbers<[1], [0], [0], [1], [0, 0, 1, 1], [], []>, transpose_lhs_hint = false} : vector<300x32xf32>, vector<32x384xf32>, vector<300x384xf32> -> vector<300x384xf32>
    %slice3A_1177 = vector.extract_strided_slice %dot_general3A_1176 {offsets = [0, 0], sizes = [300, 128], strides = [1, 1]} : vector<300x384xf32> to vector<300x128xf32>
    %slice3A_1178 = vector.extract_strided_slice %dot_general3A_1176 {offsets = [0, 128], sizes = [300, 128], strides = [1, 1]} : vector<300x384xf32> to vector<300x128xf32>
    %slice3A_1179 = vector.extract_strided_slice %dot_general3A_1176 {offsets = [0, 256], sizes = [300, 128], strides = [1, 1]} : vector<300x384xf32> to vector<300x128xf32>
    %dot_general3A_1180 = arith.constant dense<0.000000e+00> : vector<300x300xf32>
    %dot_general3A_1181 = tpu.matmul %slice3A_1177, %slice3A_1178, %dot_general3A_1180 {dimension_numbers = #tpu.dot_dimension_numbers<[1], [1], [0], [0], [0, 0, 1, 0], [], []>, transpose_lhs_hint = false} : vector<300x128xf32>, vector<300x128xf32>, vector<300x300xf32> -> vector<300x300xf32>
    %add3A_1182 = arith.addf %dot_general3A_1181, %select_n3A : vector<300x300xf32>
    %exp3A_1183 = math.exp %add3A_1182 : vector<300x300xf32>
    %dot_general3A_1184 = arith.constant dense<0.000000e+00> : vector<300x128xf32>
    %dot_general3A_1185 = tpu.matmul %exp3A_1183, %slice3A_1179, %dot_general3A_1184 {dimension_numbers = #tpu.dot_dimension_numbers<[1], [0], [0], [1], [0, 0, 1, 1], [], []>, transpose_lhs_hint = false} : vector<300x300xf32>, vector<300x128xf32>, vector<300x128xf32> -> vector<300x128xf32>
    %reduce_sum3A_1186 = arith.constant dense<0.000000e+00> : vector<300xf32>
    %reduce_sum3A_1187 = vector.multi_reduction <add>, %exp3A_1183, %reduce_sum3A_1186 [1] : vector<300x300xf32> to vector<300xf32>
    %broadcast_in_dim3A_1188 = vector.shape_cast %reduce_sum3A_1187 : vector<300xf32> to vector<300x1xf32>
    %div3A_1189 = vector.broadcast %broadcast_in_dim3A_1188 : vector<300x1xf32> to vector<300x128xf32>
    %div3A_1190 = arith.divf %dot_general3A_1185, %div3A_1189 : vector<300x128xf32>
    %dot_general3A_1191 = arith.constant dense<0.000000e+00> : vector<300x128xf32>
    %dot_general3A_1192 = tpu.matmul %squeeze3A_1151, %get3A_16, %dot_general3A_1191 {dimension_numbers = #tpu.dot_dimension_numbers<[1], [0], [0], [1], [0, 0, 1, 1], [], []>, transpose_lhs_hint = false} : vector<300x32xf32>, vector<32x128xf32>, vector<300x128xf32> -> vector<300x128xf32>
    %dot_general3A_1193 = arith.constant dense<0.000000e+00> : vector<300x128xf32>
    %dot_general3A_1194 = tpu.matmul %div3A_1190, %get3A_13, %dot_general3A_1193 {dimension_numbers = #tpu.dot_dimension_numbers<[1], [0], [0], [1], [0, 0, 1, 1], [], []>, transpose_lhs_hint = false} : vector<300x128xf32>, vector<128x128xf32>, vector<300x128xf32> -> vector<300x128xf32>
    %add3A_1195 = arith.addf %dot_general3A_1192, %dot_general3A_1194 : vector<300x128xf32>
    %swap3A_1196 = arith.constant 22 : index
    %swap3A_1197 = arith.constant 0 : index
    %swap3A_1198 = arith.constant 0 : index
    %swap3A_1199 = vector.load %arg19[%swap3A_1196, %swap3A_1197, %swap3A_1198] : memref<24x300x128xf32, #tpu.memory_space<vmem>>, vector<1x300x128xf32>
    %swap3A_1200 = vector.shape_cast %swap3A_1199 : vector<1x300x128xf32> to vector<300x128xf32>
    %swap3A_1201 = vector.shape_cast %add3A_1195 : vector<300x128xf32> to vector<1x300x128xf32>
    tpu.vector_store %arg19[%swap3A_1196, %swap3A_1197, %swap3A_1198], %swap3A_1201 {strides = array<i32>} : memref<24x300x128xf32, #tpu.memory_space<vmem>>, vector<1x300x128xf32>,
    %slice3A_1202 = vector.extract_strided_slice %get3A_4 {offsets = [23, 0, 0], sizes = [1, 300, 32], strides = [1, 1, 1]} : vector<24x300x32xf32> to vector<1x300x32xf32>
    %squeeze3A_1203 = vector.shape_cast %slice3A_1202 : vector<1x300x32xf32> to vector<300x32xf32>
    %reduce_sum3A_1204 = arith.constant dense<0.000000e+00> : vector<300xf32>
    %reduce_sum3A_1205 = vector.multi_reduction <add>, %squeeze3A_1203, %reduce_sum3A_1204 [1] : vector<300x32xf32> to vector<300xf32>
    %broadcast_in_dim3A_1206 = vector.shape_cast %reduce_sum3A_1205 : vector<300xf32> to vector<300x1xf32>
    %div3A_1207 = arith.constant 3.200000e+01 : f32
    %div3A_1208 = vector.broadcast %div3A_1207 : f32 to vector<300x1xf32>
    %div3A_1209 = arith.divf %broadcast_in_dim3A_1206, %div3A_1208 : vector<300x1xf32>
    %sub3A_1210 = vector.broadcast %div3A_1209 : vector<300x1xf32> to vector<300x32xf32>
    %sub3A_1211 = arith.subf %squeeze3A_1203, %sub3A_1210 : vector<300x32xf32>
    %integer_pow3A_1212 = arith.mulf %sub3A_1211, %sub3A_1211 : vector<300x32xf32>
    %reduce_sum3A_1213 = arith.constant dense<0.000000e+00> : vector<300xf32>
    %reduce_sum3A_1214 = vector.multi_reduction <add>, %integer_pow3A_1212, %reduce_sum3A_1213 [1] : vector<300x32xf32> to vector<300xf32>
    %broadcast_in_dim3A_1215 = vector.shape_cast %reduce_sum3A_1214 : vector<300xf32> to vector<300x1xf32>
    %div3A_1216 = arith.constant 3.200000e+01 : f32
    %div3A_1217 = vector.broadcast %div3A_1216 : f32 to vector<300x1xf32>
    %div3A_1218 = arith.divf %broadcast_in_dim3A_1215, %div3A_1217 : vector<300x1xf32>
    %sub3A_1219 = vector.broadcast %div3A_1209 : vector<300x1xf32> to vector<300x32xf32>
    %sub3A_1220 = arith.subf %squeeze3A_1203, %sub3A_1219 : vector<300x32xf32>
    %add3A_1221 = arith.constant 9.99999974E-6 : f32
    %add3A_1222 = vector.broadcast %add3A_1221 : f32 to vector<300x1xf32>
    %add3A_1223 = arith.addf %div3A_1218, %add3A_1222 : vector<300x1xf32>
    %sqrt3A_1224 = math.sqrt %add3A_1223 : vector<300x1xf32>
    %div3A_1225 = vector.broadcast %sqrt3A_1224 : vector<300x1xf32> to vector<300x32xf32>
    %div3A_1226 = arith.divf %sub3A_1220, %div3A_1225 : vector<300x32xf32>
    %dot_general3A_1227 = arith.constant dense<0.000000e+00> : vector<300x384xf32>
    %dot_general3A_1228 = tpu.matmul %div3A_1226, %get3A_10, %dot_general3A_1227 {dimension_numbers = #tpu.dot_dimension_numbers<[1], [0], [0], [1], [0, 0, 1, 1], [], []>, transpose_lhs_hint = false} : vector<300x32xf32>, vector<32x384xf32>, vector<300x384xf32> -> vector<300x384xf32>
    %slice3A_1229 = vector.extract_strided_slice %dot_general3A_1228 {offsets = [0, 0], sizes = [300, 128], strides = [1, 1]} : vector<300x384xf32> to vector<300x128xf32>
    %slice3A_1230 = vector.extract_strided_slice %dot_general3A_1228 {offsets = [0, 128], sizes = [300, 128], strides = [1, 1]} : vector<300x384xf32> to vector<300x128xf32>
    %slice3A_1231 = vector.extract_strided_slice %dot_general3A_1228 {offsets = [0, 256], sizes = [300, 128], strides = [1, 1]} : vector<300x384xf32> to vector<300x128xf32>
    %dot_general3A_1232 = arith.constant dense<0.000000e+00> : vector<300x300xf32>
    %dot_general3A_1233 = tpu.matmul %slice3A_1229, %slice3A_1230, %dot_general3A_1232 {dimension_numbers = #tpu.dot_dimension_numbers<[1], [1], [0], [0], [0, 0, 1, 0], [], []>, transpose_lhs_hint = false} : vector<300x128xf32>, vector<300x128xf32>, vector<300x300xf32> -> vector<300x300xf32>
    %add3A_1234 = arith.addf %dot_general3A_1233, %select_n3A : vector<300x300xf32>
    %exp3A_1235 = math.exp %add3A_1234 : vector<300x300xf32>
    %dot_general3A_1236 = arith.constant dense<0.000000e+00> : vector<300x128xf32>
    %dot_general3A_1237 = tpu.matmul %exp3A_1235, %slice3A_1231, %dot_general3A_1236 {dimension_numbers = #tpu.dot_dimension_numbers<[1], [0], [0], [1], [0, 0, 1, 1], [], []>, transpose_lhs_hint = false} : vector<300x300xf32>, vector<300x128xf32>, vector<300x128xf32> -> vector<300x128xf32>
    %reduce_sum3A_1238 = arith.constant dense<0.000000e+00> : vector<300xf32>
    %reduce_sum3A_1239 = vector.multi_reduction <add>, %exp3A_1235, %reduce_sum3A_1238 [1] : vector<300x300xf32> to vector<300xf32>
    %broadcast_in_dim3A_1240 = vector.shape_cast %reduce_sum3A_1239 : vector<300xf32> to vector<300x1xf32>
    %div3A_1241 = vector.broadcast %broadcast_in_dim3A_1240 : vector<300x1xf32> to vector<300x128xf32>
    %div3A_1242 = arith.divf %dot_general3A_1237, %div3A_1241 : vector<300x128xf32>
    %dot_general3A_1243 = arith.constant dense<0.000000e+00> : vector<300x128xf32>
    %dot_general3A_1244 = tpu.matmul %squeeze3A_1203, %get3A_16, %dot_general3A_1243 {dimension_numbers = #tpu.dot_dimension_numbers<[1], [0], [0], [1], [0, 0, 1, 1], [], []>, transpose_lhs_hint = false} : vector<300x32xf32>, vector<32x128xf32>, vector<300x128xf32> -> vector<300x128xf32>
    %dot_general3A_1245 = arith.constant dense<0.000000e+00> : vector<300x128xf32>
    %dot_general3A_1246 = tpu.matmul %div3A_1242, %get3A_13, %dot_general3A_1245 {dimension_numbers = #tpu.dot_dimension_numbers<[1], [0], [0], [1], [0, 0, 1, 1], [], []>, transpose_lhs_hint = false} : vector<300x128xf32>, vector<128x128xf32>, vector<300x128xf32> -> vector<300x128xf32>
    %add3A_1247 = arith.addf %dot_general3A_1244, %dot_general3A_1246 : vector<300x128xf32>
    %swap3A_1248 = arith.constant 23 : index
    %swap3A_1249 = arith.constant 0 : index
    %swap3A_1250 = arith.constant 0 : index
    %swap3A_1251 = vector.load %arg19[%swap3A_1248, %swap3A_1249, %swap3A_1250] : memref<24x300x128xf32, #tpu.memory_space<vmem>>, vector<1x300x128xf32>
    %swap3A_1252 = vector.shape_cast %swap3A_1251 : vector<1x300x128xf32> to vector<300x128xf32>
    %swap3A_1253 = vector.shape_cast %add3A_1247 : vector<300x128xf32> to vector<1x300x128xf32>
    tpu.vector_store %arg19[%swap3A_1248, %swap3A_1249, %swap3A_1250], %swap3A_1253 {strides = array<i32>} : memref<24x300x128xf32, #tpu.memory_space<vmem>>, vector<1x300x128xf32>,
    %get3A_1254 = arith.constant 0 : index
    %get3A_1255 = arith.constant 0 : index
    %get3A_1256 = vector.load %arg7[%get3A_1254, %get3A_1255] : memref<128x256xf32, #tpu.memory_space<vmem>>, vector<128x256xf32>
    %get3A_1257 = arith.constant 23 : index
    %get3A_1258 = arith.constant 0 : index
    %get3A_1259 = arith.constant 0 : index
    %get3A_1260 = vector.load %arg19[%get3A_1257, %get3A_1258, %get3A_1259] : memref<24x300x128xf32, #tpu.memory_space<vmem>>, vector<1x300x128xf32>
    %get3A_1261 = vector.shape_cast %get3A_1260 : vector<1x300x128xf32> to vector<300x128xf32>
    %reduce_sum3A_1262 = arith.constant dense<0.000000e+00> : vector<300xf32>
    %reduce_sum3A_1263 = vector.multi_reduction <add>, %get3A_1261, %reduce_sum3A_1262 [1] : vector<300x128xf32> to vector<300xf32>
    %broadcast_in_dim3A_1264 = vector.shape_cast %reduce_sum3A_1263 : vector<300xf32> to vector<300x1xf32>
    %div3A_1265 = arith.constant 1.280000e+02 : f32
    %div3A_1266 = vector.broadcast %div3A_1265 : f32 to vector<300x1xf32>
    %div3A_1267 = arith.divf %broadcast_in_dim3A_1264, %div3A_1266 : vector<300x1xf32>
    %sub3A_1268 = vector.broadcast %div3A_1267 : vector<300x1xf32> to vector<300x128xf32>
    %sub3A_1269 = arith.subf %get3A_1261, %sub3A_1268 : vector<300x128xf32>
    %integer_pow3A_1270 = arith.mulf %sub3A_1269, %sub3A_1269 : vector<300x128xf32>
    %reduce_sum3A_1271 = arith.constant dense<0.000000e+00> : vector<300xf32>
    %reduce_sum3A_1272 = vector.multi_reduction <add>, %integer_pow3A_1270, %reduce_sum3A_1271 [1] : vector<300x128xf32> to vector<300xf32>
    %broadcast_in_dim3A_1273 = vector.shape_cast %reduce_sum3A_1272 : vector<300xf32> to vector<300x1xf32>
    %div3A_1274 = arith.constant 1.280000e+02 : f32
    %div3A_1275 = vector.broadcast %div3A_1274 : f32 to vector<300x1xf32>
    %div3A_1276 = arith.divf %broadcast_in_dim3A_1273, %div3A_1275 : vector<300x1xf32>
    %sub3A_1277 = vector.broadcast %div3A_1267 : vector<300x1xf32> to vector<300x128xf32>
    %sub3A_1278 = arith.subf %get3A_1261, %sub3A_1277 : vector<300x128xf32>
    %add3A_1279 = arith.constant 9.99999974E-6 : f32
    %add3A_1280 = vector.broadcast %add3A_1279 : f32 to vector<300x1xf32>
    %add3A_1281 = arith.addf %div3A_1276, %add3A_1280 : vector<300x1xf32>
    %sqrt3A_1282 = math.sqrt %add3A_1281 : vector<300x1xf32>
    %div3A_1283 = vector.broadcast %sqrt3A_1282 : vector<300x1xf32> to vector<300x128xf32>
    %div3A_1284 = arith.divf %sub3A_1278, %div3A_1283 : vector<300x128xf32>
    %get3A_1285 = arith.constant 0 : index
    %get3A_1286 = arith.constant 0 : index
    %get3A_1287 = vector.load %arg6[%get3A_1285, %get3A_1286] : memref<128x128xf32, #tpu.memory_space<vmem>>, vector<128x128xf32>
    %dot_general3A_1288 = arith.constant dense<0.000000e+00> : vector<300x128xf32>
    %dot_general3A_1289 = tpu.matmul %div3A_1284, %get3A_1287, %dot_general3A_1288 {dimension_numbers = #tpu.dot_dimension_numbers<[1], [0], [0], [1], [0, 0, 1, 1], [], []>, transpose_lhs_hint = false} : vector<300x128xf32>, vector<128x128xf32>, vector<300x128xf32> -> vector<300x128xf32>
    %broadcast_in_dim3A_1290 = arith.constant 0.000000e+00 : f32
    %broadcast_in_dim3A_1291 = vector.broadcast %broadcast_in_dim3A_1290 : f32 to vector<300x1xf32>
    %broadcast_in_dim3A_1292 = arith.constant 0.000000e+00 : f32
    %broadcast_in_dim3A_1293 = vector.broadcast %broadcast_in_dim3A_1292 : f32 to vector<300x128xf32>
    %get3A_1294 = arith.constant 0 : index
    %get3A_1295 = arith.constant 0 : index
    %get3A_1296 = arith.constant 0 : index
    %get3A_1297 = vector.load %arg19[%get3A_1294, %get3A_1295, %get3A_1296] : memref<24x300x128xf32, #tpu.memory_space<vmem>>, vector<1x300x128xf32>
    %get3A_1298 = vector.shape_cast %get3A_1297 : vector<1x300x128xf32> to vector<300x128xf32>
    %reduce_sum3A_1299 = arith.constant dense<0.000000e+00> : vector<300xf32>
    %reduce_sum3A_1300 = vector.multi_reduction <add>, %get3A_1298, %reduce_sum3A_1299 [1] : vector<300x128xf32> to vector<300xf32>
    %broadcast_in_dim3A_1301 = vector.shape_cast %reduce_sum3A_1300 : vector<300xf32> to vector<300x1xf32>
    %div3A_1302 = arith.constant 1.280000e+02 : f32
    %div3A_1303 = vector.broadcast %div3A_1302 : f32 to vector<300x1xf32>
    %div3A_1304 = arith.divf %broadcast_in_dim3A_1301, %div3A_1303 : vector<300x1xf32>
    %sub3A_1305 = vector.broadcast %div3A_1304 : vector<300x1xf32> to vector<300x128xf32>
    %sub3A_1306 = arith.subf %get3A_1298, %sub3A_1305 : vector<300x128xf32>
    %integer_pow3A_1307 = arith.mulf %sub3A_1306, %sub3A_1306 : vector<300x128xf32>
    %reduce_sum3A_1308 = arith.constant dense<0.000000e+00> : vector<300xf32>
    %reduce_sum3A_1309 = vector.multi_reduction <add>, %integer_pow3A_1307, %reduce_sum3A_1308 [1] : vector<300x128xf32> to vector<300xf32>
    %broadcast_in_dim3A_1310 = vector.shape_cast %reduce_sum3A_1309 : vector<300xf32> to vector<300x1xf32>
    %div3A_1311 = arith.constant 1.280000e+02 : f32
    %div3A_1312 = vector.broadcast %div3A_1311 : f32 to vector<300x1xf32>
    %div3A_1313 = arith.divf %broadcast_in_dim3A_1310, %div3A_1312 : vector<300x1xf32>
    %sub3A_1314 = vector.broadcast %div3A_1304 : vector<300x1xf32> to vector<300x128xf32>
    %sub3A_1315 = arith.subf %get3A_1298, %sub3A_1314 : vector<300x128xf32>
    %add3A_1316 = arith.constant 9.99999974E-6 : f32
    %add3A_1317 = vector.broadcast %add3A_1316 : f32 to vector<300x1xf32>
    %add3A_1318 = arith.addf %div3A_1313, %add3A_1317 : vector<300x1xf32>
    %sqrt3A_1319 = math.sqrt %add3A_1318 : vector<300x1xf32>
    %div3A_1320 = vector.broadcast %sqrt3A_1319 : vector<300x1xf32> to vector<300x128xf32>
    %div3A_1321 = arith.divf %sub3A_1315, %div3A_1320 : vector<300x128xf32>
    %dot_general3A_1322 = arith.constant dense<0.000000e+00> : vector<300x256xf32>
    %dot_general3A_1323 = tpu.matmul %div3A_1321, %get3A_1256, %dot_general3A_1322 {dimension_numbers = #tpu.dot_dimension_numbers<[1], [0], [0], [1], [0, 0, 1, 1], [], []>, transpose_lhs_hint = false} : vector<300x128xf32>, vector<128x256xf32>, vector<300x256xf32> -> vector<300x256xf32>
    %slice3A_1324 = vector.extract_strided_slice %dot_general3A_1323 {offsets = [0, 0], sizes = [300, 128], strides = [1, 1]} : vector<300x256xf32> to vector<300x128xf32>
    %slice3A_1325 = vector.extract_strided_slice %dot_general3A_1323 {offsets = [0, 128], sizes = [300, 128], strides = [1, 1]} : vector<300x256xf32> to vector<300x128xf32>
    %mul3A = arith.mulf %dot_general3A_1289, %slice3A_1324 : vector<300x128xf32>
    %reduce_sum3A_1326 = arith.constant dense<0.000000e+00> : vector<300xf32>
    %reduce_sum3A_1327 = vector.multi_reduction <add>, %mul3A, %reduce_sum3A_1326 [1] : vector<300x128xf32> to vector<300xf32>
    %broadcast_in_dim3A_1328 = vector.shape_cast %reduce_sum3A_1327 : vector<300xf32> to vector<300x1xf32>
    %exp3A_1329 = math.exp %broadcast_in_dim3A_1328 : vector<300x1xf32>
    %add3A_1330 = arith.addf %broadcast_in_dim3A_1291, %exp3A_1329 : vector<300x1xf32>
    %mul3A_1331 = vector.broadcast %exp3A_1329 : vector<300x1xf32> to vector<300x128xf32>
    %mul3A_1332 = arith.mulf %mul3A_1331, %slice3A_1325 : vector<300x128xf32>
    %add3A_1333 = arith.addf %broadcast_in_dim3A_1293, %mul3A_1332 : vector<300x128xf32>
    %get3A_1334 = arith.constant 1 : index
    %get3A_1335 = arith.constant 0 : index
    %get3A_1336 = arith.constant 0 : index
    %get3A_1337 = vector.load %arg19[%get3A_1334, %get3A_1335, %get3A_1336] : memref<24x300x128xf32, #tpu.memory_space<vmem>>, vector<1x300x128xf32>
    %get3A_1338 = vector.shape_cast %get3A_1337 : vector<1x300x128xf32> to vector<300x128xf32>
    %reduce_sum3A_1339 = arith.constant dense<0.000000e+00> : vector<300xf32>
    %reduce_sum3A_1340 = vector.multi_reduction <add>, %get3A_1338, %reduce_sum3A_1339 [1] : vector<300x128xf32> to vector<300xf32>
    %broadcast_in_dim3A_1341 = vector.shape_cast %reduce_sum3A_1340 : vector<300xf32> to vector<300x1xf32>
    %div3A_1342 = arith.constant 1.280000e+02 : f32
    %div3A_1343 = vector.broadcast %div3A_1342 : f32 to vector<300x1xf32>
    %div3A_1344 = arith.divf %broadcast_in_dim3A_1341, %div3A_1343 : vector<300x1xf32>
    %sub3A_1345 = vector.broadcast %div3A_1344 : vector<300x1xf32> to vector<300x128xf32>
    %sub3A_1346 = arith.subf %get3A_1338, %sub3A_1345 : vector<300x128xf32>
    %integer_pow3A_1347 = arith.mulf %sub3A_1346, %sub3A_1346 : vector<300x128xf32>
    %reduce_sum3A_1348 = arith.constant dense<0.000000e+00> : vector<300xf32>
    %reduce_sum3A_1349 = vector.multi_reduction <add>, %integer_pow3A_1347, %reduce_sum3A_1348 [1] : vector<300x128xf32> to vector<300xf32>
    %broadcast_in_dim3A_1350 = vector.shape_cast %reduce_sum3A_1349 : vector<300xf32> to vector<300x1xf32>
    %div3A_1351 = arith.constant 1.280000e+02 : f32
    %div3A_1352 = vector.broadcast %div3A_1351 : f32 to vector<300x1xf32>
    %div3A_1353 = arith.divf %broadcast_in_dim3A_1350, %div3A_1352 : vector<300x1xf32>
    %sub3A_1354 = vector.broadcast %div3A_1344 : vector<300x1xf32> to vector<300x128xf32>
    %sub3A_1355 = arith.subf %get3A_1338, %sub3A_1354 : vector<300x128xf32>
    %add3A_1356 = arith.constant 9.99999974E-6 : f32
    %add3A_1357 = vector.broadcast %add3A_1356 : f32 to vector<300x1xf32>
    %add3A_1358 = arith.addf %div3A_1353, %add3A_1357 : vector<300x1xf32>
    %sqrt3A_1359 = math.sqrt %add3A_1358 : vector<300x1xf32>
    %div3A_1360 = vector.broadcast %sqrt3A_1359 : vector<300x1xf32> to vector<300x128xf32>
    %div3A_1361 = arith.divf %sub3A_1355, %div3A_1360 : vector<300x128xf32>
    %dot_general3A_1362 = arith.constant dense<0.000000e+00> : vector<300x256xf32>
    %dot_general3A_1363 = tpu.matmul %div3A_1361, %get3A_1256, %dot_general3A_1362 {dimension_numbers = #tpu.dot_dimension_numbers<[1], [0], [0], [1], [0, 0, 1, 1], [], []>, transpose_lhs_hint = false} : vector<300x128xf32>, vector<128x256xf32>, vector<300x256xf32> -> vector<300x256xf32>
    %slice3A_1364 = vector.extract_strided_slice %dot_general3A_1363 {offsets = [0, 0], sizes = [300, 128], strides = [1, 1]} : vector<300x256xf32> to vector<300x128xf32>
    %slice3A_1365 = vector.extract_strided_slice %dot_general3A_1363 {offsets = [0, 128], sizes = [300, 128], strides = [1, 1]} : vector<300x256xf32> to vector<300x128xf32>
    %mul3A_1366 = arith.mulf %dot_general3A_1289, %slice3A_1364 : vector<300x128xf32>
    %reduce_sum3A_1367 = arith.constant dense<0.000000e+00> : vector<300xf32>
    %reduce_sum3A_1368 = vector.multi_reduction <add>, %mul3A_1366, %reduce_sum3A_1367 [1] : vector<300x128xf32> to vector<300xf32>
    %broadcast_in_dim3A_1369 = vector.shape_cast %reduce_sum3A_1368 : vector<300xf32> to vector<300x1xf32>
    %exp3A_1370 = math.exp %broadcast_in_dim3A_1369 : vector<300x1xf32>
    %add3A_1371 = arith.addf %add3A_1330, %exp3A_1370 : vector<300x1xf32>
    %mul3A_1372 = vector.broadcast %exp3A_1370 : vector<300x1xf32> to vector<300x128xf32>
    %mul3A_1373 = arith.mulf %mul3A_1372, %slice3A_1365 : vector<300x128xf32>
    %add3A_1374 = arith.addf %add3A_1333, %mul3A_1373 : vector<300x128xf32>
    %get3A_1375 = arith.constant 2 : index
    %get3A_1376 = arith.constant 0 : index
    %get3A_1377 = arith.constant 0 : index
    %get3A_1378 = vector.load %arg19[%get3A_1375, %get3A_1376, %get3A_1377] : memref<24x300x128xf32, #tpu.memory_space<vmem>>, vector<1x300x128xf32>
    %get3A_1379 = vector.shape_cast %get3A_1378 : vector<1x300x128xf32> to vector<300x128xf32>
    %reduce_sum3A_1380 = arith.constant dense<0.000000e+00> : vector<300xf32>
    %reduce_sum3A_1381 = vector.multi_reduction <add>, %get3A_1379, %reduce_sum3A_1380 [1] : vector<300x128xf32> to vector<300xf32>
    %broadcast_in_dim3A_1382 = vector.shape_cast %reduce_sum3A_1381 : vector<300xf32> to vector<300x1xf32>
    %div3A_1383 = arith.constant 1.280000e+02 : f32
    %div3A_1384 = vector.broadcast %div3A_1383 : f32 to vector<300x1xf32>
    %div3A_1385 = arith.divf %broadcast_in_dim3A_1382, %div3A_1384 : vector<300x1xf32>
    %sub3A_1386 = vector.broadcast %div3A_1385 : vector<300x1xf32> to vector<300x128xf32>
    %sub3A_1387 = arith.subf %get3A_1379, %sub3A_1386 : vector<300x128xf32>
    %integer_pow3A_1388 = arith.mulf %sub3A_1387, %sub3A_1387 : vector<300x128xf32>
    %reduce_sum3A_1389 = arith.constant dense<0.000000e+00> : vector<300xf32>
    %reduce_sum3A_1390 = vector.multi_reduction <add>, %integer_pow3A_1388, %reduce_sum3A_1389 [1] : vector<300x128xf32> to vector<300xf32>
    %broadcast_in_dim3A_1391 = vector.shape_cast %reduce_sum3A_1390 : vector<300xf32> to vector<300x1xf32>
    %div3A_1392 = arith.constant 1.280000e+02 : f32
    %div3A_1393 = vector.broadcast %div3A_1392 : f32 to vector<300x1xf32>
    %div3A_1394 = arith.divf %broadcast_in_dim3A_1391, %div3A_1393 : vector<300x1xf32>
    %sub3A_1395 = vector.broadcast %div3A_1385 : vector<300x1xf32> to vector<300x128xf32>
    %sub3A_1396 = arith.subf %get3A_1379, %sub3A_1395 : vector<300x128xf32>
    %add3A_1397 = arith.constant 9.99999974E-6 : f32
    %add3A_1398 = vector.broadcast %add3A_1397 : f32 to vector<300x1xf32>
    %add3A_1399 = arith.addf %div3A_1394, %add3A_1398 : vector<300x1xf32>
    %sqrt3A_1400 = math.sqrt %add3A_1399 : vector<300x1xf32>
    %div3A_1401 = vector.broadcast %sqrt3A_1400 : vector<300x1xf32> to vector<300x128xf32>
    %div3A_1402 = arith.divf %sub3A_1396, %div3A_1401 : vector<300x128xf32>
    %dot_general3A_1403 = arith.constant dense<0.000000e+00> : vector<300x256xf32>
    %dot_general3A_1404 = tpu.matmul %div3A_1402, %get3A_1256, %dot_general3A_1403 {dimension_numbers = #tpu.dot_dimension_numbers<[1], [0], [0], [1], [0, 0, 1, 1], [], []>, transpose_lhs_hint = false} : vector<300x128xf32>, vector<128x256xf32>, vector<300x256xf32> -> vector<300x256xf32>
    %slice3A_1405 = vector.extract_strided_slice %dot_general3A_1404 {offsets = [0, 0], sizes = [300, 128], strides = [1, 1]} : vector<300x256xf32> to vector<300x128xf32>
    %slice3A_1406 = vector.extract_strided_slice %dot_general3A_1404 {offsets = [0, 128], sizes = [300, 128], strides = [1, 1]} : vector<300x256xf32> to vector<300x128xf32>
    %mul3A_1407 = arith.mulf %dot_general3A_1289, %slice3A_1405 : vector<300x128xf32>
    %reduce_sum3A_1408 = arith.constant dense<0.000000e+00> : vector<300xf32>
    %reduce_sum3A_1409 = vector.multi_reduction <add>, %mul3A_1407, %reduce_sum3A_1408 [1] : vector<300x128xf32> to vector<300xf32>
    %broadcast_in_dim3A_1410 = vector.shape_cast %reduce_sum3A_1409 : vector<300xf32> to vector<300x1xf32>
    %exp3A_1411 = math.exp %broadcast_in_dim3A_1410 : vector<300x1xf32>
    %add3A_1412 = arith.addf %add3A_1371, %exp3A_1411 : vector<300x1xf32>
    %mul3A_1413 = vector.broadcast %exp3A_1411 : vector<300x1xf32> to vector<300x128xf32>
    %mul3A_1414 = arith.mulf %mul3A_1413, %slice3A_1406 : vector<300x128xf32>
    %add3A_1415 = arith.addf %add3A_1374, %mul3A_1414 : vector<300x128xf32>
    %get3A_1416 = arith.constant 3 : index
    %get3A_1417 = arith.constant 0 : index
    %get3A_1418 = arith.constant 0 : index
    %get3A_1419 = vector.load %arg19[%get3A_1416, %get3A_1417, %get3A_1418] : memref<24x300x128xf32, #tpu.memory_space<vmem>>, vector<1x300x128xf32>
    %get3A_1420 = vector.shape_cast %get3A_1419 : vector<1x300x128xf32> to vector<300x128xf32>
    %reduce_sum3A_1421 = arith.constant dense<0.000000e+00> : vector<300xf32>
    %reduce_sum3A_1422 = vector.multi_reduction <add>, %get3A_1420, %reduce_sum3A_1421 [1] : vector<300x128xf32> to vector<300xf32>
    %broadcast_in_dim3A_1423 = vector.shape_cast %reduce_sum3A_1422 : vector<300xf32> to vector<300x1xf32>
    %div3A_1424 = arith.constant 1.280000e+02 : f32
    %div3A_1425 = vector.broadcast %div3A_1424 : f32 to vector<300x1xf32>
    %div3A_1426 = arith.divf %broadcast_in_dim3A_1423, %div3A_1425 : vector<300x1xf32>
    %sub3A_1427 = vector.broadcast %div3A_1426 : vector<300x1xf32> to vector<300x128xf32>
    %sub3A_1428 = arith.subf %get3A_1420, %sub3A_1427 : vector<300x128xf32>
    %integer_pow3A_1429 = arith.mulf %sub3A_1428, %sub3A_1428 : vector<300x128xf32>
    %reduce_sum3A_1430 = arith.constant dense<0.000000e+00> : vector<300xf32>
    %reduce_sum3A_1431 = vector.multi_reduction <add>, %integer_pow3A_1429, %reduce_sum3A_1430 [1] : vector<300x128xf32> to vector<300xf32>
    %broadcast_in_dim3A_1432 = vector.shape_cast %reduce_sum3A_1431 : vector<300xf32> to vector<300x1xf32>
    %div3A_1433 = arith.constant 1.280000e+02 : f32
    %div3A_1434 = vector.broadcast %div3A_1433 : f32 to vector<300x1xf32>
    %div3A_1435 = arith.divf %broadcast_in_dim3A_1432, %div3A_1434 : vector<300x1xf32>
    %sub3A_1436 = vector.broadcast %div3A_1426 : vector<300x1xf32> to vector<300x128xf32>
    %sub3A_1437 = arith.subf %get3A_1420, %sub3A_1436 : vector<300x128xf32>
    %add3A_1438 = arith.constant 9.99999974E-6 : f32
    %add3A_1439 = vector.broadcast %add3A_1438 : f32 to vector<300x1xf32>
    %add3A_1440 = arith.addf %div3A_1435, %add3A_1439 : vector<300x1xf32>
    %sqrt3A_1441 = math.sqrt %add3A_1440 : vector<300x1xf32>
    %div3A_1442 = vector.broadcast %sqrt3A_1441 : vector<300x1xf32> to vector<300x128xf32>
    %div3A_1443 = arith.divf %sub3A_1437, %div3A_1442 : vector<300x128xf32>
    %dot_general3A_1444 = arith.constant dense<0.000000e+00> : vector<300x256xf32>
    %dot_general3A_1445 = tpu.matmul %div3A_1443, %get3A_1256, %dot_general3A_1444 {dimension_numbers = #tpu.dot_dimension_numbers<[1], [0], [0], [1], [0, 0, 1, 1], [], []>, transpose_lhs_hint = false} : vector<300x128xf32>, vector<128x256xf32>, vector<300x256xf32> -> vector<300x256xf32>
    %slice3A_1446 = vector.extract_strided_slice %dot_general3A_1445 {offsets = [0, 0], sizes = [300, 128], strides = [1, 1]} : vector<300x256xf32> to vector<300x128xf32>
    %slice3A_1447 = vector.extract_strided_slice %dot_general3A_1445 {offsets = [0, 128], sizes = [300, 128], strides = [1, 1]} : vector<300x256xf32> to vector<300x128xf32>
    %mul3A_1448 = arith.mulf %dot_general3A_1289, %slice3A_1446 : vector<300x128xf32>
    %reduce_sum3A_1449 = arith.constant dense<0.000000e+00> : vector<300xf32>
    %reduce_sum3A_1450 = vector.multi_reduction <add>, %mul3A_1448, %reduce_sum3A_1449 [1] : vector<300x128xf32> to vector<300xf32>
    %broadcast_in_dim3A_1451 = vector.shape_cast %reduce_sum3A_1450 : vector<300xf32> to vector<300x1xf32>
    %exp3A_1452 = math.exp %broadcast_in_dim3A_1451 : vector<300x1xf32>
    %add3A_1453 = arith.addf %add3A_1412, %exp3A_1452 : vector<300x1xf32>
    %mul3A_1454 = vector.broadcast %exp3A_1452 : vector<300x1xf32> to vector<300x128xf32>
    %mul3A_1455 = arith.mulf %mul3A_1454, %slice3A_1447 : vector<300x128xf32>
    %add3A_1456 = arith.addf %add3A_1415, %mul3A_1455 : vector<300x128xf32>
    %get3A_1457 = arith.constant 4 : index
    %get3A_1458 = arith.constant 0 : index
    %get3A_1459 = arith.constant 0 : index
    %get3A_1460 = vector.load %arg19[%get3A_1457, %get3A_1458, %get3A_1459] : memref<24x300x128xf32, #tpu.memory_space<vmem>>, vector<1x300x128xf32>
    %get3A_1461 = vector.shape_cast %get3A_1460 : vector<1x300x128xf32> to vector<300x128xf32>
    %reduce_sum3A_1462 = arith.constant dense<0.000000e+00> : vector<300xf32>
    %reduce_sum3A_1463 = vector.multi_reduction <add>, %get3A_1461, %reduce_sum3A_1462 [1] : vector<300x128xf32> to vector<300xf32>
    %broadcast_in_dim3A_1464 = vector.shape_cast %reduce_sum3A_1463 : vector<300xf32> to vector<300x1xf32>
    %div3A_1465 = arith.constant 1.280000e+02 : f32
    %div3A_1466 = vector.broadcast %div3A_1465 : f32 to vector<300x1xf32>
    %div3A_1467 = arith.divf %broadcast_in_dim3A_1464, %div3A_1466 : vector<300x1xf32>
    %sub3A_1468 = vector.broadcast %div3A_1467 : vector<300x1xf32> to vector<300x128xf32>
    %sub3A_1469 = arith.subf %get3A_1461, %sub3A_1468 : vector<300x128xf32>
    %integer_pow3A_1470 = arith.mulf %sub3A_1469, %sub3A_1469 : vector<300x128xf32>
    %reduce_sum3A_1471 = arith.constant dense<0.000000e+00> : vector<300xf32>
    %reduce_sum3A_1472 = vector.multi_reduction <add>, %integer_pow3A_1470, %reduce_sum3A_1471 [1] : vector<300x128xf32> to vector<300xf32>
    %broadcast_in_dim3A_1473 = vector.shape_cast %reduce_sum3A_1472 : vector<300xf32> to vector<300x1xf32>
    %div3A_1474 = arith.constant 1.280000e+02 : f32
    %div3A_1475 = vector.broadcast %div3A_1474 : f32 to vector<300x1xf32>
    %div3A_1476 = arith.divf %broadcast_in_dim3A_1473, %div3A_1475 : vector<300x1xf32>
    %sub3A_1477 = vector.broadcast %div3A_1467 : vector<300x1xf32> to vector<300x128xf32>
    %sub3A_1478 = arith.subf %get3A_1461, %sub3A_1477 : vector<300x128xf32>
    %add3A_1479 = arith.constant 9.99999974E-6 : f32
    %add3A_1480 = vector.broadcast %add3A_1479 : f32 to vector<300x1xf32>
    %add3A_1481 = arith.addf %div3A_1476, %add3A_1480 : vector<300x1xf32>
    %sqrt3A_1482 = math.sqrt %add3A_1481 : vector<300x1xf32>
    %div3A_1483 = vector.broadcast %sqrt3A_1482 : vector<300x1xf32> to vector<300x128xf32>
    %div3A_1484 = arith.divf %sub3A_1478, %div3A_1483 : vector<300x128xf32>
    %dot_general3A_1485 = arith.constant dense<0.000000e+00> : vector<300x256xf32>
    %dot_general3A_1486 = tpu.matmul %div3A_1484, %get3A_1256, %dot_general3A_1485 {dimension_numbers = #tpu.dot_dimension_numbers<[1], [0], [0], [1], [0, 0, 1, 1], [], []>, transpose_lhs_hint = false} : vector<300x128xf32>, vector<128x256xf32>, vector<300x256xf32> -> vector<300x256xf32>
    %slice3A_1487 = vector.extract_strided_slice %dot_general3A_1486 {offsets = [0, 0], sizes = [300, 128], strides = [1, 1]} : vector<300x256xf32> to vector<300x128xf32>
    %slice3A_1488 = vector.extract_strided_slice %dot_general3A_1486 {offsets = [0, 128], sizes = [300, 128], strides = [1, 1]} : vector<300x256xf32> to vector<300x128xf32>
    %mul3A_1489 = arith.mulf %dot_general3A_1289, %slice3A_1487 : vector<300x128xf32>
    %reduce_sum3A_1490 = arith.constant dense<0.000000e+00> : vector<300xf32>
    %reduce_sum3A_1491 = vector.multi_reduction <add>, %mul3A_1489, %reduce_sum3A_1490 [1] : vector<300x128xf32> to vector<300xf32>
    %broadcast_in_dim3A_1492 = vector.shape_cast %reduce_sum3A_1491 : vector<300xf32> to vector<300x1xf32>
    %exp3A_1493 = math.exp %broadcast_in_dim3A_1492 : vector<300x1xf32>
    %add3A_1494 = arith.addf %add3A_1453, %exp3A_1493 : vector<300x1xf32>
    %mul3A_1495 = vector.broadcast %exp3A_1493 : vector<300x1xf32> to vector<300x128xf32>
    %mul3A_1496 = arith.mulf %mul3A_1495, %slice3A_1488 : vector<300x128xf32>
    %add3A_1497 = arith.addf %add3A_1456, %mul3A_1496 : vector<300x128xf32>
    %get3A_1498 = arith.constant 5 : index
    %get3A_1499 = arith.constant 0 : index
    %get3A_1500 = arith.constant 0 : index
    %get3A_1501 = vector.load %arg19[%get3A_1498, %get3A_1499, %get3A_1500] : memref<24x300x128xf32, #tpu.memory_space<vmem>>, vector<1x300x128xf32>
    %get3A_1502 = vector.shape_cast %get3A_1501 : vector<1x300x128xf32> to vector<300x128xf32>
    %reduce_sum3A_1503 = arith.constant dense<0.000000e+00> : vector<300xf32>
    %reduce_sum3A_1504 = vector.multi_reduction <add>, %get3A_1502, %reduce_sum3A_1503 [1] : vector<300x128xf32> to vector<300xf32>
    %broadcast_in_dim3A_1505 = vector.shape_cast %reduce_sum3A_1504 : vector<300xf32> to vector<300x1xf32>
    %div3A_1506 = arith.constant 1.280000e+02 : f32
    %div3A_1507 = vector.broadcast %div3A_1506 : f32 to vector<300x1xf32>
    %div3A_1508 = arith.divf %broadcast_in_dim3A_1505, %div3A_1507 : vector<300x1xf32>
    %sub3A_1509 = vector.broadcast %div3A_1508 : vector<300x1xf32> to vector<300x128xf32>
    %sub3A_1510 = arith.subf %get3A_1502, %sub3A_1509 : vector<300x128xf32>
    %integer_pow3A_1511 = arith.mulf %sub3A_1510, %sub3A_1510 : vector<300x128xf32>
    %reduce_sum3A_1512 = arith.constant dense<0.000000e+00> : vector<300xf32>
    %reduce_sum3A_1513 = vector.multi_reduction <add>, %integer_pow3A_1511, %reduce_sum3A_1512 [1] : vector<300x128xf32> to vector<300xf32>
    %broadcast_in_dim3A_1514 = vector.shape_cast %reduce_sum3A_1513 : vector<300xf32> to vector<300x1xf32>
    %div3A_1515 = arith.constant 1.280000e+02 : f32
    %div3A_1516 = vector.broadcast %div3A_1515 : f32 to vector<300x1xf32>
    %div3A_1517 = arith.divf %broadcast_in_dim3A_1514, %div3A_1516 : vector<300x1xf32>
    %sub3A_1518 = vector.broadcast %div3A_1508 : vector<300x1xf32> to vector<300x128xf32>
    %sub3A_1519 = arith.subf %get3A_1502, %sub3A_1518 : vector<300x128xf32>
    %add3A_1520 = arith.constant 9.99999974E-6 : f32
    %add3A_1521 = vector.broadcast %add3A_1520 : f32 to vector<300x1xf32>
    %add3A_1522 = arith.addf %div3A_1517, %add3A_1521 : vector<300x1xf32>
    %sqrt3A_1523 = math.sqrt %add3A_1522 : vector<300x1xf32>
    %div3A_1524 = vector.broadcast %sqrt3A_1523 : vector<300x1xf32> to vector<300x128xf32>
    %div3A_1525 = arith.divf %sub3A_1519, %div3A_1524 : vector<300x128xf32>
    %dot_general3A_1526 = arith.constant dense<0.000000e+00> : vector<300x256xf32>
    %dot_general3A_1527 = tpu.matmul %div3A_1525, %get3A_1256, %dot_general3A_1526 {dimension_numbers = #tpu.dot_dimension_numbers<[1], [0], [0], [1], [0, 0, 1, 1], [], []>, transpose_lhs_hint = false} : vector<300x128xf32>, vector<128x256xf32>, vector<300x256xf32> -> vector<300x256xf32>
    %slice3A_1528 = vector.extract_strided_slice %dot_general3A_1527 {offsets = [0, 0], sizes = [300, 128], strides = [1, 1]} : vector<300x256xf32> to vector<300x128xf32>
    %slice3A_1529 = vector.extract_strided_slice %dot_general3A_1527 {offsets = [0, 128], sizes = [300, 128], strides = [1, 1]} : vector<300x256xf32> to vector<300x128xf32>
    %mul3A_1530 = arith.mulf %dot_general3A_1289, %slice3A_1528 : vector<300x128xf32>
    %reduce_sum3A_1531 = arith.constant dense<0.000000e+00> : vector<300xf32>
    %reduce_sum3A_1532 = vector.multi_reduction <add>, %mul3A_1530, %reduce_sum3A_1531 [1] : vector<300x128xf32> to vector<300xf32>
    %broadcast_in_dim3A_1533 = vector.shape_cast %reduce_sum3A_1532 : vector<300xf32> to vector<300x1xf32>
    %exp3A_1534 = math.exp %broadcast_in_dim3A_1533 : vector<300x1xf32>
    %add3A_1535 = arith.addf %add3A_1494, %exp3A_1534 : vector<300x1xf32>
    %mul3A_1536 = vector.broadcast %exp3A_1534 : vector<300x1xf32> to vector<300x128xf32>
    %mul3A_1537 = arith.mulf %mul3A_1536, %slice3A_1529 : vector<300x128xf32>
    %add3A_1538 = arith.addf %add3A_1497, %mul3A_1537 : vector<300x128xf32>
    %get3A_1539 = arith.constant 6 : index
    %get3A_1540 = arith.constant 0 : index
    %get3A_1541 = arith.constant 0 : index
    %get3A_1542 = vector.load %arg19[%get3A_1539, %get3A_1540, %get3A_1541] : memref<24x300x128xf32, #tpu.memory_space<vmem>>, vector<1x300x128xf32>
    %get3A_1543 = vector.shape_cast %get3A_1542 : vector<1x300x128xf32> to vector<300x128xf32>
    %reduce_sum3A_1544 = arith.constant dense<0.000000e+00> : vector<300xf32>
    %reduce_sum3A_1545 = vector.multi_reduction <add>, %get3A_1543, %reduce_sum3A_1544 [1] : vector<300x128xf32> to vector<300xf32>
    %broadcast_in_dim3A_1546 = vector.shape_cast %reduce_sum3A_1545 : vector<300xf32> to vector<300x1xf32>
    %div3A_1547 = arith.constant 1.280000e+02 : f32
    %div3A_1548 = vector.broadcast %div3A_1547 : f32 to vector<300x1xf32>
    %div3A_1549 = arith.divf %broadcast_in_dim3A_1546, %div3A_1548 : vector<300x1xf32>
    %sub3A_1550 = vector.broadcast %div3A_1549 : vector<300x1xf32> to vector<300x128xf32>
    %sub3A_1551 = arith.subf %get3A_1543, %sub3A_1550 : vector<300x128xf32>
    %integer_pow3A_1552 = arith.mulf %sub3A_1551, %sub3A_1551 : vector<300x128xf32>
    %reduce_sum3A_1553 = arith.constant dense<0.000000e+00> : vector<300xf32>
    %reduce_sum3A_1554 = vector.multi_reduction <add>, %integer_pow3A_1552, %reduce_sum3A_1553 [1] : vector<300x128xf32> to vector<300xf32>
    %broadcast_in_dim3A_1555 = vector.shape_cast %reduce_sum3A_1554 : vector<300xf32> to vector<300x1xf32>
    %div3A_1556 = arith.constant 1.280000e+02 : f32
    %div3A_1557 = vector.broadcast %div3A_1556 : f32 to vector<300x1xf32>
    %div3A_1558 = arith.divf %broadcast_in_dim3A_1555, %div3A_1557 : vector<300x1xf32>
    %sub3A_1559 = vector.broadcast %div3A_1549 : vector<300x1xf32> to vector<300x128xf32>
    %sub3A_1560 = arith.subf %get3A_1543, %sub3A_1559 : vector<300x128xf32>
    %add3A_1561 = arith.constant 9.99999974E-6 : f32
    %add3A_1562 = vector.broadcast %add3A_1561 : f32 to vector<300x1xf32>
    %add3A_1563 = arith.addf %div3A_1558, %add3A_1562 : vector<300x1xf32>
    %sqrt3A_1564 = math.sqrt %add3A_1563 : vector<300x1xf32>
    %div3A_1565 = vector.broadcast %sqrt3A_1564 : vector<300x1xf32> to vector<300x128xf32>
    %div3A_1566 = arith.divf %sub3A_1560, %div3A_1565 : vector<300x128xf32>
    %dot_general3A_1567 = arith.constant dense<0.000000e+00> : vector<300x256xf32>
    %dot_general3A_1568 = tpu.matmul %div3A_1566, %get3A_1256, %dot_general3A_1567 {dimension_numbers = #tpu.dot_dimension_numbers<[1], [0], [0], [1], [0, 0, 1, 1], [], []>, transpose_lhs_hint = false} : vector<300x128xf32>, vector<128x256xf32>, vector<300x256xf32> -> vector<300x256xf32>
    %slice3A_1569 = vector.extract_strided_slice %dot_general3A_1568 {offsets = [0, 0], sizes = [300, 128], strides = [1, 1]} : vector<300x256xf32> to vector<300x128xf32>
    %slice3A_1570 = vector.extract_strided_slice %dot_general3A_1568 {offsets = [0, 128], sizes = [300, 128], strides = [1, 1]} : vector<300x256xf32> to vector<300x128xf32>
    %mul3A_1571 = arith.mulf %dot_general3A_1289, %slice3A_1569 : vector<300x128xf32>
    %reduce_sum3A_1572 = arith.constant dense<0.000000e+00> : vector<300xf32>
    %reduce_sum3A_1573 = vector.multi_reduction <add>, %mul3A_1571, %reduce_sum3A_1572 [1] : vector<300x128xf32> to vector<300xf32>
    %broadcast_in_dim3A_1574 = vector.shape_cast %reduce_sum3A_1573 : vector<300xf32> to vector<300x1xf32>
    %exp3A_1575 = math.exp %broadcast_in_dim3A_1574 : vector<300x1xf32>
    %add3A_1576 = arith.addf %add3A_1535, %exp3A_1575 : vector<300x1xf32>
    %mul3A_1577 = vector.broadcast %exp3A_1575 : vector<300x1xf32> to vector<300x128xf32>
    %mul3A_1578 = arith.mulf %mul3A_1577, %slice3A_1570 : vector<300x128xf32>
    %add3A_1579 = arith.addf %add3A_1538, %mul3A_1578 : vector<300x128xf32>
    %get3A_1580 = arith.constant 7 : index
    %get3A_1581 = arith.constant 0 : index
    %get3A_1582 = arith.constant 0 : index
    %get3A_1583 = vector.load %arg19[%get3A_1580, %get3A_1581, %get3A_1582] : memref<24x300x128xf32, #tpu.memory_space<vmem>>, vector<1x300x128xf32>
    %get3A_1584 = vector.shape_cast %get3A_1583 : vector<1x300x128xf32> to vector<300x128xf32>
    %reduce_sum3A_1585 = arith.constant dense<0.000000e+00> : vector<300xf32>
    %reduce_sum3A_1586 = vector.multi_reduction <add>, %get3A_1584, %reduce_sum3A_1585 [1] : vector<300x128xf32> to vector<300xf32>
    %broadcast_in_dim3A_1587 = vector.shape_cast %reduce_sum3A_1586 : vector<300xf32> to vector<300x1xf32>
    %div3A_1588 = arith.constant 1.280000e+02 : f32
    %div3A_1589 = vector.broadcast %div3A_1588 : f32 to vector<300x1xf32>
    %div3A_1590 = arith.divf %broadcast_in_dim3A_1587, %div3A_1589 : vector<300x1xf32>
    %sub3A_1591 = vector.broadcast %div3A_1590 : vector<300x1xf32> to vector<300x128xf32>
    %sub3A_1592 = arith.subf %get3A_1584, %sub3A_1591 : vector<300x128xf32>
    %integer_pow3A_1593 = arith.mulf %sub3A_1592, %sub3A_1592 : vector<300x128xf32>
    %reduce_sum3A_1594 = arith.constant dense<0.000000e+00> : vector<300xf32>
    %reduce_sum3A_1595 = vector.multi_reduction <add>, %integer_pow3A_1593, %reduce_sum3A_1594 [1] : vector<300x128xf32> to vector<300xf32>
    %broadcast_in_dim3A_1596 = vector.shape_cast %reduce_sum3A_1595 : vector<300xf32> to vector<300x1xf32>
    %div3A_1597 = arith.constant 1.280000e+02 : f32
    %div3A_1598 = vector.broadcast %div3A_1597 : f32 to vector<300x1xf32>
    %div3A_1599 = arith.divf %broadcast_in_dim3A_1596, %div3A_1598 : vector<300x1xf32>
    %sub3A_1600 = vector.broadcast %div3A_1590 : vector<300x1xf32> to vector<300x128xf32>
    %sub3A_1601 = arith.subf %get3A_1584, %sub3A_1600 : vector<300x128xf32>
    %add3A_1602 = arith.constant 9.99999974E-6 : f32
    %add3A_1603 = vector.broadcast %add3A_1602 : f32 to vector<300x1xf32>
    %add3A_1604 = arith.addf %div3A_1599, %add3A_1603 : vector<300x1xf32>
    %sqrt3A_1605 = math.sqrt %add3A_1604 : vector<300x1xf32>
    %div3A_1606 = vector.broadcast %sqrt3A_1605 : vector<300x1xf32> to vector<300x128xf32>
    %div3A_1607 = arith.divf %sub3A_1601, %div3A_1606 : vector<300x128xf32>
    %dot_general3A_1608 = arith.constant dense<0.000000e+00> : vector<300x256xf32>
    %dot_general3A_1609 = tpu.matmul %div3A_1607, %get3A_1256, %dot_general3A_1608 {dimension_numbers = #tpu.dot_dimension_numbers<[1], [0], [0], [1], [0, 0, 1, 1], [], []>, transpose_lhs_hint = false} : vector<300x128xf32>, vector<128x256xf32>, vector<300x256xf32> -> vector<300x256xf32>
    %slice3A_1610 = vector.extract_strided_slice %dot_general3A_1609 {offsets = [0, 0], sizes = [300, 128], strides = [1, 1]} : vector<300x256xf32> to vector<300x128xf32>
    %slice3A_1611 = vector.extract_strided_slice %dot_general3A_1609 {offsets = [0, 128], sizes = [300, 128], strides = [1, 1]} : vector<300x256xf32> to vector<300x128xf32>
    %mul3A_1612 = arith.mulf %dot_general3A_1289, %slice3A_1610 : vector<300x128xf32>
    %reduce_sum3A_1613 = arith.constant dense<0.000000e+00> : vector<300xf32>
    %reduce_sum3A_1614 = vector.multi_reduction <add>, %mul3A_1612, %reduce_sum3A_1613 [1] : vector<300x128xf32> to vector<300xf32>
    %broadcast_in_dim3A_1615 = vector.shape_cast %reduce_sum3A_1614 : vector<300xf32> to vector<300x1xf32>
    %exp3A_1616 = math.exp %broadcast_in_dim3A_1615 : vector<300x1xf32>
    %add3A_1617 = arith.addf %add3A_1576, %exp3A_1616 : vector<300x1xf32>
    %mul3A_1618 = vector.broadcast %exp3A_1616 : vector<300x1xf32> to vector<300x128xf32>
    %mul3A_1619 = arith.mulf %mul3A_1618, %slice3A_1611 : vector<300x128xf32>
    %add3A_1620 = arith.addf %add3A_1579, %mul3A_1619 : vector<300x128xf32>
    %get3A_1621 = arith.constant 8 : index
    %get3A_1622 = arith.constant 0 : index
    %get3A_1623 = arith.constant 0 : index
    %get3A_1624 = vector.load %arg19[%get3A_1621, %get3A_1622, %get3A_1623] : memref<24x300x128xf32, #tpu.memory_space<vmem>>, vector<1x300x128xf32>
    %get3A_1625 = vector.shape_cast %get3A_1624 : vector<1x300x128xf32> to vector<300x128xf32>
    %reduce_sum3A_1626 = arith.constant dense<0.000000e+00> : vector<300xf32>
    %reduce_sum3A_1627 = vector.multi_reduction <add>, %get3A_1625, %reduce_sum3A_1626 [1] : vector<300x128xf32> to vector<300xf32>
    %broadcast_in_dim3A_1628 = vector.shape_cast %reduce_sum3A_1627 : vector<300xf32> to vector<300x1xf32>
    %div3A_1629 = arith.constant 1.280000e+02 : f32
    %div3A_1630 = vector.broadcast %div3A_1629 : f32 to vector<300x1xf32>
    %div3A_1631 = arith.divf %broadcast_in_dim3A_1628, %div3A_1630 : vector<300x1xf32>
    %sub3A_1632 = vector.broadcast %div3A_1631 : vector<300x1xf32> to vector<300x128xf32>
    %sub3A_1633 = arith.subf %get3A_1625, %sub3A_1632 : vector<300x128xf32>
    %integer_pow3A_1634 = arith.mulf %sub3A_1633, %sub3A_1633 : vector<300x128xf32>
    %reduce_sum3A_1635 = arith.constant dense<0.000000e+00> : vector<300xf32>
    %reduce_sum3A_1636 = vector.multi_reduction <add>, %integer_pow3A_1634, %reduce_sum3A_1635 [1] : vector<300x128xf32> to vector<300xf32>
    %broadcast_in_dim3A_1637 = vector.shape_cast %reduce_sum3A_1636 : vector<300xf32> to vector<300x1xf32>
    %div3A_1638 = arith.constant 1.280000e+02 : f32
    %div3A_1639 = vector.broadcast %div3A_1638 : f32 to vector<300x1xf32>
    %div3A_1640 = arith.divf %broadcast_in_dim3A_1637, %div3A_1639 : vector<300x1xf32>
    %sub3A_1641 = vector.broadcast %div3A_1631 : vector<300x1xf32> to vector<300x128xf32>
    %sub3A_1642 = arith.subf %get3A_1625, %sub3A_1641 : vector<300x128xf32>
    %add3A_1643 = arith.constant 9.99999974E-6 : f32
    %add3A_1644 = vector.broadcast %add3A_1643 : f32 to vector<300x1xf32>
    %add3A_1645 = arith.addf %div3A_1640, %add3A_1644 : vector<300x1xf32>
    %sqrt3A_1646 = math.sqrt %add3A_1645 : vector<300x1xf32>
    %div3A_1647 = vector.broadcast %sqrt3A_1646 : vector<300x1xf32> to vector<300x128xf32>
    %div3A_1648 = arith.divf %sub3A_1642, %div3A_1647 : vector<300x128xf32>
    %dot_general3A_1649 = arith.constant dense<0.000000e+00> : vector<300x256xf32>
    %dot_general3A_1650 = tpu.matmul %div3A_1648, %get3A_1256, %dot_general3A_1649 {dimension_numbers = #tpu.dot_dimension_numbers<[1], [0], [0], [1], [0, 0, 1, 1], [], []>, transpose_lhs_hint = false} : vector<300x128xf32>, vector<128x256xf32>, vector<300x256xf32> -> vector<300x256xf32>
    %slice3A_1651 = vector.extract_strided_slice %dot_general3A_1650 {offsets = [0, 0], sizes = [300, 128], strides = [1, 1]} : vector<300x256xf32> to vector<300x128xf32>
    %slice3A_1652 = vector.extract_strided_slice %dot_general3A_1650 {offsets = [0, 128], sizes = [300, 128], strides = [1, 1]} : vector<300x256xf32> to vector<300x128xf32>
    %mul3A_1653 = arith.mulf %dot_general3A_1289, %slice3A_1651 : vector<300x128xf32>
    %reduce_sum3A_1654 = arith.constant dense<0.000000e+00> : vector<300xf32>
    %reduce_sum3A_1655 = vector.multi_reduction <add>, %mul3A_1653, %reduce_sum3A_1654 [1] : vector<300x128xf32> to vector<300xf32>
    %broadcast_in_dim3A_1656 = vector.shape_cast %reduce_sum3A_1655 : vector<300xf32> to vector<300x1xf32>
    %exp3A_1657 = math.exp %broadcast_in_dim3A_1656 : vector<300x1xf32>
    %add3A_1658 = arith.addf %add3A_1617, %exp3A_1657 : vector<300x1xf32>
    %mul3A_1659 = vector.broadcast %exp3A_1657 : vector<300x1xf32> to vector<300x128xf32>
    %mul3A_1660 = arith.mulf %mul3A_1659, %slice3A_1652 : vector<300x128xf32>
    %add3A_1661 = arith.addf %add3A_1620, %mul3A_1660 : vector<300x128xf32>
    %get3A_1662 = arith.constant 9 : index
    %get3A_1663 = arith.constant 0 : index
    %get3A_1664 = arith.constant 0 : index
    %get3A_1665 = vector.load %arg19[%get3A_1662, %get3A_1663, %get3A_1664] : memref<24x300x128xf32, #tpu.memory_space<vmem>>, vector<1x300x128xf32>
    %get3A_1666 = vector.shape_cast %get3A_1665 : vector<1x300x128xf32> to vector<300x128xf32>
    %reduce_sum3A_1667 = arith.constant dense<0.000000e+00> : vector<300xf32>
    %reduce_sum3A_1668 = vector.multi_reduction <add>, %get3A_1666, %reduce_sum3A_1667 [1] : vector<300x128xf32> to vector<300xf32>
    %broadcast_in_dim3A_1669 = vector.shape_cast %reduce_sum3A_1668 : vector<300xf32> to vector<300x1xf32>
    %div3A_1670 = arith.constant 1.280000e+02 : f32
    %div3A_1671 = vector.broadcast %div3A_1670 : f32 to vector<300x1xf32>
    %div3A_1672 = arith.divf %broadcast_in_dim3A_1669, %div3A_1671 : vector<300x1xf32>
    %sub3A_1673 = vector.broadcast %div3A_1672 : vector<300x1xf32> to vector<300x128xf32>
    %sub3A_1674 = arith.subf %get3A_1666, %sub3A_1673 : vector<300x128xf32>
    %integer_pow3A_1675 = arith.mulf %sub3A_1674, %sub3A_1674 : vector<300x128xf32>
    %reduce_sum3A_1676 = arith.constant dense<0.000000e+00> : vector<300xf32>
    %reduce_sum3A_1677 = vector.multi_reduction <add>, %integer_pow3A_1675, %reduce_sum3A_1676 [1] : vector<300x128xf32> to vector<300xf32>
    %broadcast_in_dim3A_1678 = vector.shape_cast %reduce_sum3A_1677 : vector<300xf32> to vector<300x1xf32>
    %div3A_1679 = arith.constant 1.280000e+02 : f32
    %div3A_1680 = vector.broadcast %div3A_1679 : f32 to vector<300x1xf32>
    %div3A_1681 = arith.divf %broadcast_in_dim3A_1678, %div3A_1680 : vector<300x1xf32>
    %sub3A_1682 = vector.broadcast %div3A_1672 : vector<300x1xf32> to vector<300x128xf32>
    %sub3A_1683 = arith.subf %get3A_1666, %sub3A_1682 : vector<300x128xf32>
    %add3A_1684 = arith.constant 9.99999974E-6 : f32
    %add3A_1685 = vector.broadcast %add3A_1684 : f32 to vector<300x1xf32>
    %add3A_1686 = arith.addf %div3A_1681, %add3A_1685 : vector<300x1xf32>
    %sqrt3A_1687 = math.sqrt %add3A_1686 : vector<300x1xf32>
    %div3A_1688 = vector.broadcast %sqrt3A_1687 : vector<300x1xf32> to vector<300x128xf32>
    %div3A_1689 = arith.divf %sub3A_1683, %div3A_1688 : vector<300x128xf32>
    %dot_general3A_1690 = arith.constant dense<0.000000e+00> : vector<300x256xf32>
    %dot_general3A_1691 = tpu.matmul %div3A_1689, %get3A_1256, %dot_general3A_1690 {dimension_numbers = #tpu.dot_dimension_numbers<[1], [0], [0], [1], [0, 0, 1, 1], [], []>, transpose_lhs_hint = false} : vector<300x128xf32>, vector<128x256xf32>, vector<300x256xf32> -> vector<300x256xf32>
    %slice3A_1692 = vector.extract_strided_slice %dot_general3A_1691 {offsets = [0, 0], sizes = [300, 128], strides = [1, 1]} : vector<300x256xf32> to vector<300x128xf32>
    %slice3A_1693 = vector.extract_strided_slice %dot_general3A_1691 {offsets = [0, 128], sizes = [300, 128], strides = [1, 1]} : vector<300x256xf32> to vector<300x128xf32>
    %mul3A_1694 = arith.mulf %dot_general3A_1289, %slice3A_1692 : vector<300x128xf32>
    %reduce_sum3A_1695 = arith.constant dense<0.000000e+00> : vector<300xf32>
    %reduce_sum3A_1696 = vector.multi_reduction <add>, %mul3A_1694, %reduce_sum3A_1695 [1] : vector<300x128xf32> to vector<300xf32>
    %broadcast_in_dim3A_1697 = vector.shape_cast %reduce_sum3A_1696 : vector<300xf32> to vector<300x1xf32>
    %exp3A_1698 = math.exp %broadcast_in_dim3A_1697 : vector<300x1xf32>
    %add3A_1699 = arith.addf %add3A_1658, %exp3A_1698 : vector<300x1xf32>
    %mul3A_1700 = vector.broadcast %exp3A_1698 : vector<300x1xf32> to vector<300x128xf32>
    %mul3A_1701 = arith.mulf %mul3A_1700, %slice3A_1693 : vector<300x128xf32>
    %add3A_1702 = arith.addf %add3A_1661, %mul3A_1701 : vector<300x128xf32>
    %get3A_1703 = arith.constant 10 : index
    %get3A_1704 = arith.constant 0 : index
    %get3A_1705 = arith.constant 0 : index
    %get3A_1706 = vector.load %arg19[%get3A_1703, %get3A_1704, %get3A_1705] : memref<24x300x128xf32, #tpu.memory_space<vmem>>, vector<1x300x128xf32>
    %get3A_1707 = vector.shape_cast %get3A_1706 : vector<1x300x128xf32> to vector<300x128xf32>
    %reduce_sum3A_1708 = arith.constant dense<0.000000e+00> : vector<300xf32>
    %reduce_sum3A_1709 = vector.multi_reduction <add>, %get3A_1707, %reduce_sum3A_1708 [1] : vector<300x128xf32> to vector<300xf32>
    %broadcast_in_dim3A_1710 = vector.shape_cast %reduce_sum3A_1709 : vector<300xf32> to vector<300x1xf32>
    %div3A_1711 = arith.constant 1.280000e+02 : f32
    %div3A_1712 = vector.broadcast %div3A_1711 : f32 to vector<300x1xf32>
    %div3A_1713 = arith.divf %broadcast_in_dim3A_1710, %div3A_1712 : vector<300x1xf32>
    %sub3A_1714 = vector.broadcast %div3A_1713 : vector<300x1xf32> to vector<300x128xf32>
    %sub3A_1715 = arith.subf %get3A_1707, %sub3A_1714 : vector<300x128xf32>
    %integer_pow3A_1716 = arith.mulf %sub3A_1715, %sub3A_1715 : vector<300x128xf32>
    %reduce_sum3A_1717 = arith.constant dense<0.000000e+00> : vector<300xf32>
    %reduce_sum3A_1718 = vector.multi_reduction <add>, %integer_pow3A_1716, %reduce_sum3A_1717 [1] : vector<300x128xf32> to vector<300xf32>
    %broadcast_in_dim3A_1719 = vector.shape_cast %reduce_sum3A_1718 : vector<300xf32> to vector<300x1xf32>
    %div3A_1720 = arith.constant 1.280000e+02 : f32
    %div3A_1721 = vector.broadcast %div3A_1720 : f32 to vector<300x1xf32>
    %div3A_1722 = arith.divf %broadcast_in_dim3A_1719, %div3A_1721 : vector<300x1xf32>
    %sub3A_1723 = vector.broadcast %div3A_1713 : vector<300x1xf32> to vector<300x128xf32>
    %sub3A_1724 = arith.subf %get3A_1707, %sub3A_1723 : vector<300x128xf32>
    %add3A_1725 = arith.constant 9.99999974E-6 : f32
    %add3A_1726 = vector.broadcast %add3A_1725 : f32 to vector<300x1xf32>
    %add3A_1727 = arith.addf %div3A_1722, %add3A_1726 : vector<300x1xf32>
    %sqrt3A_1728 = math.sqrt %add3A_1727 : vector<300x1xf32>
    %div3A_1729 = vector.broadcast %sqrt3A_1728 : vector<300x1xf32> to vector<300x128xf32>
    %div3A_1730 = arith.divf %sub3A_1724, %div3A_1729 : vector<300x128xf32>
    %dot_general3A_1731 = arith.constant dense<0.000000e+00> : vector<300x256xf32>
    %dot_general3A_1732 = tpu.matmul %div3A_1730, %get3A_1256, %dot_general3A_1731 {dimension_numbers = #tpu.dot_dimension_numbers<[1], [0], [0], [1], [0, 0, 1, 1], [], []>, transpose_lhs_hint = false} : vector<300x128xf32>, vector<128x256xf32>, vector<300x256xf32> -> vector<300x256xf32>
    %slice3A_1733 = vector.extract_strided_slice %dot_general3A_1732 {offsets = [0, 0], sizes = [300, 128], strides = [1, 1]} : vector<300x256xf32> to vector<300x128xf32>
    %slice3A_1734 = vector.extract_strided_slice %dot_general3A_1732 {offsets = [0, 128], sizes = [300, 128], strides = [1, 1]} : vector<300x256xf32> to vector<300x128xf32>
    %mul3A_1735 = arith.mulf %dot_general3A_1289, %slice3A_1733 : vector<300x128xf32>
    %reduce_sum3A_1736 = arith.constant dense<0.000000e+00> : vector<300xf32>
    %reduce_sum3A_1737 = vector.multi_reduction <add>, %mul3A_1735, %reduce_sum3A_1736 [1] : vector<300x128xf32> to vector<300xf32>
    %broadcast_in_dim3A_1738 = vector.shape_cast %reduce_sum3A_1737 : vector<300xf32> to vector<300x1xf32>
    %exp3A_1739 = math.exp %broadcast_in_dim3A_1738 : vector<300x1xf32>
    %add3A_1740 = arith.addf %add3A_1699, %exp3A_1739 : vector<300x1xf32>
    %mul3A_1741 = vector.broadcast %exp3A_1739 : vector<300x1xf32> to vector<300x128xf32>
    %mul3A_1742 = arith.mulf %mul3A_1741, %slice3A_1734 : vector<300x128xf32>
    %add3A_1743 = arith.addf %add3A_1702, %mul3A_1742 : vector<300x128xf32>
    %get3A_1744 = arith.constant 11 : index
    %get3A_1745 = arith.constant 0 : index
    %get3A_1746 = arith.constant 0 : index
    %get3A_1747 = vector.load %arg19[%get3A_1744, %get3A_1745, %get3A_1746] : memref<24x300x128xf32, #tpu.memory_space<vmem>>, vector<1x300x128xf32>
    %get3A_1748 = vector.shape_cast %get3A_1747 : vector<1x300x128xf32> to vector<300x128xf32>
    %reduce_sum3A_1749 = arith.constant dense<0.000000e+00> : vector<300xf32>
    %reduce_sum3A_1750 = vector.multi_reduction <add>, %get3A_1748, %reduce_sum3A_1749 [1] : vector<300x128xf32> to vector<300xf32>
    %broadcast_in_dim3A_1751 = vector.shape_cast %reduce_sum3A_1750 : vector<300xf32> to vector<300x1xf32>
    %div3A_1752 = arith.constant 1.280000e+02 : f32
    %div3A_1753 = vector.broadcast %div3A_1752 : f32 to vector<300x1xf32>
    %div3A_1754 = arith.divf %broadcast_in_dim3A_1751, %div3A_1753 : vector<300x1xf32>
    %sub3A_1755 = vector.broadcast %div3A_1754 : vector<300x1xf32> to vector<300x128xf32>
    %sub3A_1756 = arith.subf %get3A_1748, %sub3A_1755 : vector<300x128xf32>
    %integer_pow3A_1757 = arith.mulf %sub3A_1756, %sub3A_1756 : vector<300x128xf32>
    %reduce_sum3A_1758 = arith.constant dense<0.000000e+00> : vector<300xf32>
    %reduce_sum3A_1759 = vector.multi_reduction <add>, %integer_pow3A_1757, %reduce_sum3A_1758 [1] : vector<300x128xf32> to vector<300xf32>
    %broadcast_in_dim3A_1760 = vector.shape_cast %reduce_sum3A_1759 : vector<300xf32> to vector<300x1xf32>
    %div3A_1761 = arith.constant 1.280000e+02 : f32
    %div3A_1762 = vector.broadcast %div3A_1761 : f32 to vector<300x1xf32>
    %div3A_1763 = arith.divf %broadcast_in_dim3A_1760, %div3A_1762 : vector<300x1xf32>
    %sub3A_1764 = vector.broadcast %div3A_1754 : vector<300x1xf32> to vector<300x128xf32>
    %sub3A_1765 = arith.subf %get3A_1748, %sub3A_1764 : vector<300x128xf32>
    %add3A_1766 = arith.constant 9.99999974E-6 : f32
    %add3A_1767 = vector.broadcast %add3A_1766 : f32 to vector<300x1xf32>
    %add3A_1768 = arith.addf %div3A_1763, %add3A_1767 : vector<300x1xf32>
    %sqrt3A_1769 = math.sqrt %add3A_1768 : vector<300x1xf32>
    %div3A_1770 = vector.broadcast %sqrt3A_1769 : vector<300x1xf32> to vector<300x128xf32>
    %div3A_1771 = arith.divf %sub3A_1765, %div3A_1770 : vector<300x128xf32>
    %dot_general3A_1772 = arith.constant dense<0.000000e+00> : vector<300x256xf32>
    %dot_general3A_1773 = tpu.matmul %div3A_1771, %get3A_1256, %dot_general3A_1772 {dimension_numbers = #tpu.dot_dimension_numbers<[1], [0], [0], [1], [0, 0, 1, 1], [], []>, transpose_lhs_hint = false} : vector<300x128xf32>, vector<128x256xf32>, vector<300x256xf32> -> vector<300x256xf32>
    %slice3A_1774 = vector.extract_strided_slice %dot_general3A_1773 {offsets = [0, 0], sizes = [300, 128], strides = [1, 1]} : vector<300x256xf32> to vector<300x128xf32>
    %slice3A_1775 = vector.extract_strided_slice %dot_general3A_1773 {offsets = [0, 128], sizes = [300, 128], strides = [1, 1]} : vector<300x256xf32> to vector<300x128xf32>
    %mul3A_1776 = arith.mulf %dot_general3A_1289, %slice3A_1774 : vector<300x128xf32>
    %reduce_sum3A_1777 = arith.constant dense<0.000000e+00> : vector<300xf32>
    %reduce_sum3A_1778 = vector.multi_reduction <add>, %mul3A_1776, %reduce_sum3A_1777 [1] : vector<300x128xf32> to vector<300xf32>
    %broadcast_in_dim3A_1779 = vector.shape_cast %reduce_sum3A_1778 : vector<300xf32> to vector<300x1xf32>
    %exp3A_1780 = math.exp %broadcast_in_dim3A_1779 : vector<300x1xf32>
    %add3A_1781 = arith.addf %add3A_1740, %exp3A_1780 : vector<300x1xf32>
    %mul3A_1782 = vector.broadcast %exp3A_1780 : vector<300x1xf32> to vector<300x128xf32>
    %mul3A_1783 = arith.mulf %mul3A_1782, %slice3A_1775 : vector<300x128xf32>
    %add3A_1784 = arith.addf %add3A_1743, %mul3A_1783 : vector<300x128xf32>
    %get3A_1785 = arith.constant 12 : index
    %get3A_1786 = arith.constant 0 : index
    %get3A_1787 = arith.constant 0 : index
    %get3A_1788 = vector.load %arg19[%get3A_1785, %get3A_1786, %get3A_1787] : memref<24x300x128xf32, #tpu.memory_space<vmem>>, vector<1x300x128xf32>
    %get3A_1789 = vector.shape_cast %get3A_1788 : vector<1x300x128xf32> to vector<300x128xf32>
    %reduce_sum3A_1790 = arith.constant dense<0.000000e+00> : vector<300xf32>
    %reduce_sum3A_1791 = vector.multi_reduction <add>, %get3A_1789, %reduce_sum3A_1790 [1] : vector<300x128xf32> to vector<300xf32>
    %broadcast_in_dim3A_1792 = vector.shape_cast %reduce_sum3A_1791 : vector<300xf32> to vector<300x1xf32>
    %div3A_1793 = arith.constant 1.280000e+02 : f32
    %div3A_1794 = vector.broadcast %div3A_1793 : f32 to vector<300x1xf32>
    %div3A_1795 = arith.divf %broadcast_in_dim3A_1792, %div3A_1794 : vector<300x1xf32>
    %sub3A_1796 = vector.broadcast %div3A_1795 : vector<300x1xf32> to vector<300x128xf32>
    %sub3A_1797 = arith.subf %get3A_1789, %sub3A_1796 : vector<300x128xf32>
    %integer_pow3A_1798 = arith.mulf %sub3A_1797, %sub3A_1797 : vector<300x128xf32>
    %reduce_sum3A_1799 = arith.constant dense<0.000000e+00> : vector<300xf32>
    %reduce_sum3A_1800 = vector.multi_reduction <add>, %integer_pow3A_1798, %reduce_sum3A_1799 [1] : vector<300x128xf32> to vector<300xf32>
    %broadcast_in_dim3A_1801 = vector.shape_cast %reduce_sum3A_1800 : vector<300xf32> to vector<300x1xf32>
    %div3A_1802 = arith.constant 1.280000e+02 : f32
    %div3A_1803 = vector.broadcast %div3A_1802 : f32 to vector<300x1xf32>
    %div3A_1804 = arith.divf %broadcast_in_dim3A_1801, %div3A_1803 : vector<300x1xf32>
    %sub3A_1805 = vector.broadcast %div3A_1795 : vector<300x1xf32> to vector<300x128xf32>
    %sub3A_1806 = arith.subf %get3A_1789, %sub3A_1805 : vector<300x128xf32>
    %add3A_1807 = arith.constant 9.99999974E-6 : f32
    %add3A_1808 = vector.broadcast %add3A_1807 : f32 to vector<300x1xf32>
    %add3A_1809 = arith.addf %div3A_1804, %add3A_1808 : vector<300x1xf32>
    %sqrt3A_1810 = math.sqrt %add3A_1809 : vector<300x1xf32>
    %div3A_1811 = vector.broadcast %sqrt3A_1810 : vector<300x1xf32> to vector<300x128xf32>
    %div3A_1812 = arith.divf %sub3A_1806, %div3A_1811 : vector<300x128xf32>
    %dot_general3A_1813 = arith.constant dense<0.000000e+00> : vector<300x256xf32>
    %dot_general3A_1814 = tpu.matmul %div3A_1812, %get3A_1256, %dot_general3A_1813 {dimension_numbers = #tpu.dot_dimension_numbers<[1], [0], [0], [1], [0, 0, 1, 1], [], []>, transpose_lhs_hint = false} : vector<300x128xf32>, vector<128x256xf32>, vector<300x256xf32> -> vector<300x256xf32>
    %slice3A_1815 = vector.extract_strided_slice %dot_general3A_1814 {offsets = [0, 0], sizes = [300, 128], strides = [1, 1]} : vector<300x256xf32> to vector<300x128xf32>
    %slice3A_1816 = vector.extract_strided_slice %dot_general3A_1814 {offsets = [0, 128], sizes = [300, 128], strides = [1, 1]} : vector<300x256xf32> to vector<300x128xf32>
    %mul3A_1817 = arith.mulf %dot_general3A_1289, %slice3A_1815 : vector<300x128xf32>
    %reduce_sum3A_1818 = arith.constant dense<0.000000e+00> : vector<300xf32>
    %reduce_sum3A_1819 = vector.multi_reduction <add>, %mul3A_1817, %reduce_sum3A_1818 [1] : vector<300x128xf32> to vector<300xf32>
    %broadcast_in_dim3A_1820 = vector.shape_cast %reduce_sum3A_1819 : vector<300xf32> to vector<300x1xf32>
    %exp3A_1821 = math.exp %broadcast_in_dim3A_1820 : vector<300x1xf32>
    %add3A_1822 = arith.addf %add3A_1781, %exp3A_1821 : vector<300x1xf32>
    %mul3A_1823 = vector.broadcast %exp3A_1821 : vector<300x1xf32> to vector<300x128xf32>
    %mul3A_1824 = arith.mulf %mul3A_1823, %slice3A_1816 : vector<300x128xf32>
    %add3A_1825 = arith.addf %add3A_1784, %mul3A_1824 : vector<300x128xf32>
    %get3A_1826 = arith.constant 13 : index
    %get3A_1827 = arith.constant 0 : index
    %get3A_1828 = arith.constant 0 : index
    %get3A_1829 = vector.load %arg19[%get3A_1826, %get3A_1827, %get3A_1828] : memref<24x300x128xf32, #tpu.memory_space<vmem>>, vector<1x300x128xf32>
    %get3A_1830 = vector.shape_cast %get3A_1829 : vector<1x300x128xf32> to vector<300x128xf32>
    %reduce_sum3A_1831 = arith.constant dense<0.000000e+00> : vector<300xf32>
    %reduce_sum3A_1832 = vector.multi_reduction <add>, %get3A_1830, %reduce_sum3A_1831 [1] : vector<300x128xf32> to vector<300xf32>
    %broadcast_in_dim3A_1833 = vector.shape_cast %reduce_sum3A_1832 : vector<300xf32> to vector<300x1xf32>
    %div3A_1834 = arith.constant 1.280000e+02 : f32
    %div3A_1835 = vector.broadcast %div3A_1834 : f32 to vector<300x1xf32>
    %div3A_1836 = arith.divf %broadcast_in_dim3A_1833, %div3A_1835 : vector<300x1xf32>
    %sub3A_1837 = vector.broadcast %div3A_1836 : vector<300x1xf32> to vector<300x128xf32>
    %sub3A_1838 = arith.subf %get3A_1830, %sub3A_1837 : vector<300x128xf32>
    %integer_pow3A_1839 = arith.mulf %sub3A_1838, %sub3A_1838 : vector<300x128xf32>
    %reduce_sum3A_1840 = arith.constant dense<0.000000e+00> : vector<300xf32>
    %reduce_sum3A_1841 = vector.multi_reduction <add>, %integer_pow3A_1839, %reduce_sum3A_1840 [1] : vector<300x128xf32> to vector<300xf32>
    %broadcast_in_dim3A_1842 = vector.shape_cast %reduce_sum3A_1841 : vector<300xf32> to vector<300x1xf32>
    %div3A_1843 = arith.constant 1.280000e+02 : f32
    %div3A_1844 = vector.broadcast %div3A_1843 : f32 to vector<300x1xf32>
    %div3A_1845 = arith.divf %broadcast_in_dim3A_1842, %div3A_1844 : vector<300x1xf32>
    %sub3A_1846 = vector.broadcast %div3A_1836 : vector<300x1xf32> to vector<300x128xf32>
    %sub3A_1847 = arith.subf %get3A_1830, %sub3A_1846 : vector<300x128xf32>
    %add3A_1848 = arith.constant 9.99999974E-6 : f32
    %add3A_1849 = vector.broadcast %add3A_1848 : f32 to vector<300x1xf32>
    %add3A_1850 = arith.addf %div3A_1845, %add3A_1849 : vector<300x1xf32>
    %sqrt3A_1851 = math.sqrt %add3A_1850 : vector<300x1xf32>
    %div3A_1852 = vector.broadcast %sqrt3A_1851 : vector<300x1xf32> to vector<300x128xf32>
    %div3A_1853 = arith.divf %sub3A_1847, %div3A_1852 : vector<300x128xf32>
    %dot_general3A_1854 = arith.constant dense<0.000000e+00> : vector<300x256xf32>
    %dot_general3A_1855 = tpu.matmul %div3A_1853, %get3A_1256, %dot_general3A_1854 {dimension_numbers = #tpu.dot_dimension_numbers<[1], [0], [0], [1], [0, 0, 1, 1], [], []>, transpose_lhs_hint = false} : vector<300x128xf32>, vector<128x256xf32>, vector<300x256xf32> -> vector<300x256xf32>
    %slice3A_1856 = vector.extract_strided_slice %dot_general3A_1855 {offsets = [0, 0], sizes = [300, 128], strides = [1, 1]} : vector<300x256xf32> to vector<300x128xf32>
    %slice3A_1857 = vector.extract_strided_slice %dot_general3A_1855 {offsets = [0, 128], sizes = [300, 128], strides = [1, 1]} : vector<300x256xf32> to vector<300x128xf32>
    %mul3A_1858 = arith.mulf %dot_general3A_1289, %slice3A_1856 : vector<300x128xf32>
    %reduce_sum3A_1859 = arith.constant dense<0.000000e+00> : vector<300xf32>
    %reduce_sum3A_1860 = vector.multi_reduction <add>, %mul3A_1858, %reduce_sum3A_1859 [1] : vector<300x128xf32> to vector<300xf32>
    %broadcast_in_dim3A_1861 = vector.shape_cast %reduce_sum3A_1860 : vector<300xf32> to vector<300x1xf32>
    %exp3A_1862 = math.exp %broadcast_in_dim3A_1861 : vector<300x1xf32>
    %add3A_1863 = arith.addf %add3A_1822, %exp3A_1862 : vector<300x1xf32>
    %mul3A_1864 = vector.broadcast %exp3A_1862 : vector<300x1xf32> to vector<300x128xf32>
    %mul3A_1865 = arith.mulf %mul3A_1864, %slice3A_1857 : vector<300x128xf32>
    %add3A_1866 = arith.addf %add3A_1825, %mul3A_1865 : vector<300x128xf32>
    %get3A_1867 = arith.constant 14 : index
    %get3A_1868 = arith.constant 0 : index
    %get3A_1869 = arith.constant 0 : index
    %get3A_1870 = vector.load %arg19[%get3A_1867, %get3A_1868, %get3A_1869] : memref<24x300x128xf32, #tpu.memory_space<vmem>>, vector<1x300x128xf32>
    %get3A_1871 = vector.shape_cast %get3A_1870 : vector<1x300x128xf32> to vector<300x128xf32>
    %reduce_sum3A_1872 = arith.constant dense<0.000000e+00> : vector<300xf32>
    %reduce_sum3A_1873 = vector.multi_reduction <add>, %get3A_1871, %reduce_sum3A_1872 [1] : vector<300x128xf32> to vector<300xf32>
    %broadcast_in_dim3A_1874 = vector.shape_cast %reduce_sum3A_1873 : vector<300xf32> to vector<300x1xf32>
    %div3A_1875 = arith.constant 1.280000e+02 : f32
    %div3A_1876 = vector.broadcast %div3A_1875 : f32 to vector<300x1xf32>
    %div3A_1877 = arith.divf %broadcast_in_dim3A_1874, %div3A_1876 : vector<300x1xf32>
    %sub3A_1878 = vector.broadcast %div3A_1877 : vector<300x1xf32> to vector<300x128xf32>
    %sub3A_1879 = arith.subf %get3A_1871, %sub3A_1878 : vector<300x128xf32>
    %integer_pow3A_1880 = arith.mulf %sub3A_1879, %sub3A_1879 : vector<300x128xf32>
    %reduce_sum3A_1881 = arith.constant dense<0.000000e+00> : vector<300xf32>
    %reduce_sum3A_1882 = vector.multi_reduction <add>, %integer_pow3A_1880, %reduce_sum3A_1881 [1] : vector<300x128xf32> to vector<300xf32>
    %broadcast_in_dim3A_1883 = vector.shape_cast %reduce_sum3A_1882 : vector<300xf32> to vector<300x1xf32>
    %div3A_1884 = arith.constant 1.280000e+02 : f32
    %div3A_1885 = vector.broadcast %div3A_1884 : f32 to vector<300x1xf32>
    %div3A_1886 = arith.divf %broadcast_in_dim3A_1883, %div3A_1885 : vector<300x1xf32>
    %sub3A_1887 = vector.broadcast %div3A_1877 : vector<300x1xf32> to vector<300x128xf32>
    %sub3A_1888 = arith.subf %get3A_1871, %sub3A_1887 : vector<300x128xf32>
    %add3A_1889 = arith.constant 9.99999974E-6 : f32
    %add3A_1890 = vector.broadcast %add3A_1889 : f32 to vector<300x1xf32>
    %add3A_1891 = arith.addf %div3A_1886, %add3A_1890 : vector<300x1xf32>
    %sqrt3A_1892 = math.sqrt %add3A_1891 : vector<300x1xf32>
    %div3A_1893 = vector.broadcast %sqrt3A_1892 : vector<300x1xf32> to vector<300x128xf32>
    %div3A_1894 = arith.divf %sub3A_1888, %div3A_1893 : vector<300x128xf32>
    %dot_general3A_1895 = arith.constant dense<0.000000e+00> : vector<300x256xf32>
    %dot_general3A_1896 = tpu.matmul %div3A_1894, %get3A_1256, %dot_general3A_1895 {dimension_numbers = #tpu.dot_dimension_numbers<[1], [0], [0], [1], [0, 0, 1, 1], [], []>, transpose_lhs_hint = false} : vector<300x128xf32>, vector<128x256xf32>, vector<300x256xf32> -> vector<300x256xf32>
    %slice3A_1897 = vector.extract_strided_slice %dot_general3A_1896 {offsets = [0, 0], sizes = [300, 128], strides = [1, 1]} : vector<300x256xf32> to vector<300x128xf32>
    %slice3A_1898 = vector.extract_strided_slice %dot_general3A_1896 {offsets = [0, 128], sizes = [300, 128], strides = [1, 1]} : vector<300x256xf32> to vector<300x128xf32>
    %mul3A_1899 = arith.mulf %dot_general3A_1289, %slice3A_1897 : vector<300x128xf32>
    %reduce_sum3A_1900 = arith.constant dense<0.000000e+00> : vector<300xf32>
    %reduce_sum3A_1901 = vector.multi_reduction <add>, %mul3A_1899, %reduce_sum3A_1900 [1] : vector<300x128xf32> to vector<300xf32>
    %broadcast_in_dim3A_1902 = vector.shape_cast %reduce_sum3A_1901 : vector<300xf32> to vector<300x1xf32>
    %exp3A_1903 = math.exp %broadcast_in_dim3A_1902 : vector<300x1xf32>
    %add3A_1904 = arith.addf %add3A_1863, %exp3A_1903 : vector<300x1xf32>
    %mul3A_1905 = vector.broadcast %exp3A_1903 : vector<300x1xf32> to vector<300x128xf32>
    %mul3A_1906 = arith.mulf %mul3A_1905, %slice3A_1898 : vector<300x128xf32>
    %add3A_1907 = arith.addf %add3A_1866, %mul3A_1906 : vector<300x128xf32>
    %get3A_1908 = arith.constant 15 : index
    %get3A_1909 = arith.constant 0 : index
    %get3A_1910 = arith.constant 0 : index
    %get3A_1911 = vector.load %arg19[%get3A_1908, %get3A_1909, %get3A_1910] : memref<24x300x128xf32, #tpu.memory_space<vmem>>, vector<1x300x128xf32>
    %get3A_1912 = vector.shape_cast %get3A_1911 : vector<1x300x128xf32> to vector<300x128xf32>
    %reduce_sum3A_1913 = arith.constant dense<0.000000e+00> : vector<300xf32>
    %reduce_sum3A_1914 = vector.multi_reduction <add>, %get3A_1912, %reduce_sum3A_1913 [1] : vector<300x128xf32> to vector<300xf32>
    %broadcast_in_dim3A_1915 = vector.shape_cast %reduce_sum3A_1914 : vector<300xf32> to vector<300x1xf32>
    %div3A_1916 = arith.constant 1.280000e+02 : f32
    %div3A_1917 = vector.broadcast %div3A_1916 : f32 to vector<300x1xf32>
    %div3A_1918 = arith.divf %broadcast_in_dim3A_1915, %div3A_1917 : vector<300x1xf32>
    %sub3A_1919 = vector.broadcast %div3A_1918 : vector<300x1xf32> to vector<300x128xf32>
    %sub3A_1920 = arith.subf %get3A_1912, %sub3A_1919 : vector<300x128xf32>
    %integer_pow3A_1921 = arith.mulf %sub3A_1920, %sub3A_1920 : vector<300x128xf32>
    %reduce_sum3A_1922 = arith.constant dense<0.000000e+00> : vector<300xf32>
    %reduce_sum3A_1923 = vector.multi_reduction <add>, %integer_pow3A_1921, %reduce_sum3A_1922 [1] : vector<300x128xf32> to vector<300xf32>
    %broadcast_in_dim3A_1924 = vector.shape_cast %reduce_sum3A_1923 : vector<300xf32> to vector<300x1xf32>
    %div3A_1925 = arith.constant 1.280000e+02 : f32
    %div3A_1926 = vector.broadcast %div3A_1925 : f32 to vector<300x1xf32>
    %div3A_1927 = arith.divf %broadcast_in_dim3A_1924, %div3A_1926 : vector<300x1xf32>
    %sub3A_1928 = vector.broadcast %div3A_1918 : vector<300x1xf32> to vector<300x128xf32>
    %sub3A_1929 = arith.subf %get3A_1912, %sub3A_1928 : vector<300x128xf32>
    %add3A_1930 = arith.constant 9.99999974E-6 : f32
    %add3A_1931 = vector.broadcast %add3A_1930 : f32 to vector<300x1xf32>
    %add3A_1932 = arith.addf %div3A_1927, %add3A_1931 : vector<300x1xf32>
    %sqrt3A_1933 = math.sqrt %add3A_1932 : vector<300x1xf32>
    %div3A_1934 = vector.broadcast %sqrt3A_1933 : vector<300x1xf32> to vector<300x128xf32>
    %div3A_1935 = arith.divf %sub3A_1929, %div3A_1934 : vector<300x128xf32>
    %dot_general3A_1936 = arith.constant dense<0.000000e+00> : vector<300x256xf32>
    %dot_general3A_1937 = tpu.matmul %div3A_1935, %get3A_1256, %dot_general3A_1936 {dimension_numbers = #tpu.dot_dimension_numbers<[1], [0], [0], [1], [0, 0, 1, 1], [], []>, transpose_lhs_hint = false} : vector<300x128xf32>, vector<128x256xf32>, vector<300x256xf32> -> vector<300x256xf32>
    %slice3A_1938 = vector.extract_strided_slice %dot_general3A_1937 {offsets = [0, 0], sizes = [300, 128], strides = [1, 1]} : vector<300x256xf32> to vector<300x128xf32>
    %slice3A_1939 = vector.extract_strided_slice %dot_general3A_1937 {offsets = [0, 128], sizes = [300, 128], strides = [1, 1]} : vector<300x256xf32> to vector<300x128xf32>
    %mul3A_1940 = arith.mulf %dot_general3A_1289, %slice3A_1938 : vector<300x128xf32>
    %reduce_sum3A_1941 = arith.constant dense<0.000000e+00> : vector<300xf32>
    %reduce_sum3A_1942 = vector.multi_reduction <add>, %mul3A_1940, %reduce_sum3A_1941 [1] : vector<300x128xf32> to vector<300xf32>
    %broadcast_in_dim3A_1943 = vector.shape_cast %reduce_sum3A_1942 : vector<300xf32> to vector<300x1xf32>
    %exp3A_1944 = math.exp %broadcast_in_dim3A_1943 : vector<300x1xf32>
    %add3A_1945 = arith.addf %add3A_1904, %exp3A_1944 : vector<300x1xf32>
    %mul3A_1946 = vector.broadcast %exp3A_1944 : vector<300x1xf32> to vector<300x128xf32>
    %mul3A_1947 = arith.mulf %mul3A_1946, %slice3A_1939 : vector<300x128xf32>
    %add3A_1948 = arith.addf %add3A_1907, %mul3A_1947 : vector<300x128xf32>
    %get3A_1949 = arith.constant 16 : index
    %get3A_1950 = arith.constant 0 : index
    %get3A_1951 = arith.constant 0 : index
    %get3A_1952 = vector.load %arg19[%get3A_1949, %get3A_1950, %get3A_1951] : memref<24x300x128xf32, #tpu.memory_space<vmem>>, vector<1x300x128xf32>
    %get3A_1953 = vector.shape_cast %get3A_1952 : vector<1x300x128xf32> to vector<300x128xf32>
    %reduce_sum3A_1954 = arith.constant dense<0.000000e+00> : vector<300xf32>
    %reduce_sum3A_1955 = vector.multi_reduction <add>, %get3A_1953, %reduce_sum3A_1954 [1] : vector<300x128xf32> to vector<300xf32>
    %broadcast_in_dim3A_1956 = vector.shape_cast %reduce_sum3A_1955 : vector<300xf32> to vector<300x1xf32>
    %div3A_1957 = arith.constant 1.280000e+02 : f32
    %div3A_1958 = vector.broadcast %div3A_1957 : f32 to vector<300x1xf32>
    %div3A_1959 = arith.divf %broadcast_in_dim3A_1956, %div3A_1958 : vector<300x1xf32>
    %sub3A_1960 = vector.broadcast %div3A_1959 : vector<300x1xf32> to vector<300x128xf32>
    %sub3A_1961 = arith.subf %get3A_1953, %sub3A_1960 : vector<300x128xf32>
    %integer_pow3A_1962 = arith.mulf %sub3A_1961, %sub3A_1961 : vector<300x128xf32>
    %reduce_sum3A_1963 = arith.constant dense<0.000000e+00> : vector<300xf32>
    %reduce_sum3A_1964 = vector.multi_reduction <add>, %integer_pow3A_1962, %reduce_sum3A_1963 [1] : vector<300x128xf32> to vector<300xf32>
    %broadcast_in_dim3A_1965 = vector.shape_cast %reduce_sum3A_1964 : vector<300xf32> to vector<300x1xf32>
    %div3A_1966 = arith.constant 1.280000e+02 : f32
    %div3A_1967 = vector.broadcast %div3A_1966 : f32 to vector<300x1xf32>
    %div3A_1968 = arith.divf %broadcast_in_dim3A_1965, %div3A_1967 : vector<300x1xf32>
    %sub3A_1969 = vector.broadcast %div3A_1959 : vector<300x1xf32> to vector<300x128xf32>
    %sub3A_1970 = arith.subf %get3A_1953, %sub3A_1969 : vector<300x128xf32>
    %add3A_1971 = arith.constant 9.99999974E-6 : f32
    %add3A_1972 = vector.broadcast %add3A_1971 : f32 to vector<300x1xf32>
    %add3A_1973 = arith.addf %div3A_1968, %add3A_1972 : vector<300x1xf32>
    %sqrt3A_1974 = math.sqrt %add3A_1973 : vector<300x1xf32>
    %div3A_1975 = vector.broadcast %sqrt3A_1974 : vector<300x1xf32> to vector<300x128xf32>
    %div3A_1976 = arith.divf %sub3A_1970, %div3A_1975 : vector<300x128xf32>
    %dot_general3A_1977 = arith.constant dense<0.000000e+00> : vector<300x256xf32>
    %dot_general3A_1978 = tpu.matmul %div3A_1976, %get3A_1256, %dot_general3A_1977 {dimension_numbers = #tpu.dot_dimension_numbers<[1], [0], [0], [1], [0, 0, 1, 1], [], []>, transpose_lhs_hint = false} : vector<300x128xf32>, vector<128x256xf32>, vector<300x256xf32> -> vector<300x256xf32>
    %slice3A_1979 = vector.extract_strided_slice %dot_general3A_1978 {offsets = [0, 0], sizes = [300, 128], strides = [1, 1]} : vector<300x256xf32> to vector<300x128xf32>
    %slice3A_1980 = vector.extract_strided_slice %dot_general3A_1978 {offsets = [0, 128], sizes = [300, 128], strides = [1, 1]} : vector<300x256xf32> to vector<300x128xf32>
    %mul3A_1981 = arith.mulf %dot_general3A_1289, %slice3A_1979 : vector<300x128xf32>
    %reduce_sum3A_1982 = arith.constant dense<0.000000e+00> : vector<300xf32>
    %reduce_sum3A_1983 = vector.multi_reduction <add>, %mul3A_1981, %reduce_sum3A_1982 [1] : vector<300x128xf32> to vector<300xf32>
    %broadcast_in_dim3A_1984 = vector.shape_cast %reduce_sum3A_1983 : vector<300xf32> to vector<300x1xf32>
    %exp3A_1985 = math.exp %broadcast_in_dim3A_1984 : vector<300x1xf32>
    %add3A_1986 = arith.addf %add3A_1945, %exp3A_1985 : vector<300x1xf32>
    %mul3A_1987 = vector.broadcast %exp3A_1985 : vector<300x1xf32> to vector<300x128xf32>
    %mul3A_1988 = arith.mulf %mul3A_1987, %slice3A_1980 : vector<300x128xf32>
    %add3A_1989 = arith.addf %add3A_1948, %mul3A_1988 : vector<300x128xf32>
    %get3A_1990 = arith.constant 17 : index
    %get3A_1991 = arith.constant 0 : index
    %get3A_1992 = arith.constant 0 : index
    %get3A_1993 = vector.load %arg19[%get3A_1990, %get3A_1991, %get3A_1992] : memref<24x300x128xf32, #tpu.memory_space<vmem>>, vector<1x300x128xf32>
    %get3A_1994 = vector.shape_cast %get3A_1993 : vector<1x300x128xf32> to vector<300x128xf32>
    %reduce_sum3A_1995 = arith.constant dense<0.000000e+00> : vector<300xf32>
    %reduce_sum3A_1996 = vector.multi_reduction <add>, %get3A_1994, %reduce_sum3A_1995 [1] : vector<300x128xf32> to vector<300xf32>
    %broadcast_in_dim3A_1997 = vector.shape_cast %reduce_sum3A_1996 : vector<300xf32> to vector<300x1xf32>
    %div3A_1998 = arith.constant 1.280000e+02 : f32
    %div3A_1999 = vector.broadcast %div3A_1998 : f32 to vector<300x1xf32>
    %div3A_2000 = arith.divf %broadcast_in_dim3A_1997, %div3A_1999 : vector<300x1xf32>
    %sub3A_2001 = vector.broadcast %div3A_2000 : vector<300x1xf32> to vector<300x128xf32>
    %sub3A_2002 = arith.subf %get3A_1994, %sub3A_2001 : vector<300x128xf32>
    %integer_pow3A_2003 = arith.mulf %sub3A_2002, %sub3A_2002 : vector<300x128xf32>
    %reduce_sum3A_2004 = arith.constant dense<0.000000e+00> : vector<300xf32>
    %reduce_sum3A_2005 = vector.multi_reduction <add>, %integer_pow3A_2003, %reduce_sum3A_2004 [1] : vector<300x128xf32> to vector<300xf32>
    %broadcast_in_dim3A_2006 = vector.shape_cast %reduce_sum3A_2005 : vector<300xf32> to vector<300x1xf32>
    %div3A_2007 = arith.constant 1.280000e+02 : f32
    %div3A_2008 = vector.broadcast %div3A_2007 : f32 to vector<300x1xf32>
    %div3A_2009 = arith.divf %broadcast_in_dim3A_2006, %div3A_2008 : vector<300x1xf32>
    %sub3A_2010 = vector.broadcast %div3A_2000 : vector<300x1xf32> to vector<300x128xf32>
    %sub3A_2011 = arith.subf %get3A_1994, %sub3A_2010 : vector<300x128xf32>
    %add3A_2012 = arith.constant 9.99999974E-6 : f32
    %add3A_2013 = vector.broadcast %add3A_2012 : f32 to vector<300x1xf32>
    %add3A_2014 = arith.addf %div3A_2009, %add3A_2013 : vector<300x1xf32>
    %sqrt3A_2015 = math.sqrt %add3A_2014 : vector<300x1xf32>
    %div3A_2016 = vector.broadcast %sqrt3A_2015 : vector<300x1xf32> to vector<300x128xf32>
    %div3A_2017 = arith.divf %sub3A_2011, %div3A_2016 : vector<300x128xf32>
    %dot_general3A_2018 = arith.constant dense<0.000000e+00> : vector<300x256xf32>
    %dot_general3A_2019 = tpu.matmul %div3A_2017, %get3A_1256, %dot_general3A_2018 {dimension_numbers = #tpu.dot_dimension_numbers<[1], [0], [0], [1], [0, 0, 1, 1], [], []>, transpose_lhs_hint = false} : vector<300x128xf32>, vector<128x256xf32>, vector<300x256xf32> -> vector<300x256xf32>
    %slice3A_2020 = vector.extract_strided_slice %dot_general3A_2019 {offsets = [0, 0], sizes = [300, 128], strides = [1, 1]} : vector<300x256xf32> to vector<300x128xf32>
    %slice3A_2021 = vector.extract_strided_slice %dot_general3A_2019 {offsets = [0, 128], sizes = [300, 128], strides = [1, 1]} : vector<300x256xf32> to vector<300x128xf32>
    %mul3A_2022 = arith.mulf %dot_general3A_1289, %slice3A_2020 : vector<300x128xf32>
    %reduce_sum3A_2023 = arith.constant dense<0.000000e+00> : vector<300xf32>
    %reduce_sum3A_2024 = vector.multi_reduction <add>, %mul3A_2022, %reduce_sum3A_2023 [1] : vector<300x128xf32> to vector<300xf32>
    %broadcast_in_dim3A_2025 = vector.shape_cast %reduce_sum3A_2024 : vector<300xf32> to vector<300x1xf32>
    %exp3A_2026 = math.exp %broadcast_in_dim3A_2025 : vector<300x1xf32>
    %add3A_2027 = arith.addf %add3A_1986, %exp3A_2026 : vector<300x1xf32>
    %mul3A_2028 = vector.broadcast %exp3A_2026 : vector<300x1xf32> to vector<300x128xf32>
    %mul3A_2029 = arith.mulf %mul3A_2028, %slice3A_2021 : vector<300x128xf32>
    %add3A_2030 = arith.addf %add3A_1989, %mul3A_2029 : vector<300x128xf32>
    %get3A_2031 = arith.constant 18 : index
    %get3A_2032 = arith.constant 0 : index
    %get3A_2033 = arith.constant 0 : index
    %get3A_2034 = vector.load %arg19[%get3A_2031, %get3A_2032, %get3A_2033] : memref<24x300x128xf32, #tpu.memory_space<vmem>>, vector<1x300x128xf32>
    %get3A_2035 = vector.shape_cast %get3A_2034 : vector<1x300x128xf32> to vector<300x128xf32>
    %reduce_sum3A_2036 = arith.constant dense<0.000000e+00> : vector<300xf32>
    %reduce_sum3A_2037 = vector.multi_reduction <add>, %get3A_2035, %reduce_sum3A_2036 [1] : vector<300x128xf32> to vector<300xf32>
    %broadcast_in_dim3A_2038 = vector.shape_cast %reduce_sum3A_2037 : vector<300xf32> to vector<300x1xf32>
    %div3A_2039 = arith.constant 1.280000e+02 : f32
    %div3A_2040 = vector.broadcast %div3A_2039 : f32 to vector<300x1xf32>
    %div3A_2041 = arith.divf %broadcast_in_dim3A_2038, %div3A_2040 : vector<300x1xf32>
    %sub3A_2042 = vector.broadcast %div3A_2041 : vector<300x1xf32> to vector<300x128xf32>
    %sub3A_2043 = arith.subf %get3A_2035, %sub3A_2042 : vector<300x128xf32>
    %integer_pow3A_2044 = arith.mulf %sub3A_2043, %sub3A_2043 : vector<300x128xf32>
    %reduce_sum3A_2045 = arith.constant dense<0.000000e+00> : vector<300xf32>
    %reduce_sum3A_2046 = vector.multi_reduction <add>, %integer_pow3A_2044, %reduce_sum3A_2045 [1] : vector<300x128xf32> to vector<300xf32>
    %broadcast_in_dim3A_2047 = vector.shape_cast %reduce_sum3A_2046 : vector<300xf32> to vector<300x1xf32>
    %div3A_2048 = arith.constant 1.280000e+02 : f32
    %div3A_2049 = vector.broadcast %div3A_2048 : f32 to vector<300x1xf32>
    %div3A_2050 = arith.divf %broadcast_in_dim3A_2047, %div3A_2049 : vector<300x1xf32>
    %sub3A_2051 = vector.broadcast %div3A_2041 : vector<300x1xf32> to vector<300x128xf32>
    %sub3A_2052 = arith.subf %get3A_2035, %sub3A_2051 : vector<300x128xf32>
    %add3A_2053 = arith.constant 9.99999974E-6 : f32
    %add3A_2054 = vector.broadcast %add3A_2053 : f32 to vector<300x1xf32>
    %add3A_2055 = arith.addf %div3A_2050, %add3A_2054 : vector<300x1xf32>
    %sqrt3A_2056 = math.sqrt %add3A_2055 : vector<300x1xf32>
    %div3A_2057 = vector.broadcast %sqrt3A_2056 : vector<300x1xf32> to vector<300x128xf32>
    %div3A_2058 = arith.divf %sub3A_2052, %div3A_2057 : vector<300x128xf32>
    %dot_general3A_2059 = arith.constant dense<0.000000e+00> : vector<300x256xf32>
    %dot_general3A_2060 = tpu.matmul %div3A_2058, %get3A_1256, %dot_general3A_2059 {dimension_numbers = #tpu.dot_dimension_numbers<[1], [0], [0], [1], [0, 0, 1, 1], [], []>, transpose_lhs_hint = false} : vector<300x128xf32>, vector<128x256xf32>, vector<300x256xf32> -> vector<300x256xf32>
    %slice3A_2061 = vector.extract_strided_slice %dot_general3A_2060 {offsets = [0, 0], sizes = [300, 128], strides = [1, 1]} : vector<300x256xf32> to vector<300x128xf32>
    %slice3A_2062 = vector.extract_strided_slice %dot_general3A_2060 {offsets = [0, 128], sizes = [300, 128], strides = [1, 1]} : vector<300x256xf32> to vector<300x128xf32>
    %mul3A_2063 = arith.mulf %dot_general3A_1289, %slice3A_2061 : vector<300x128xf32>
    %reduce_sum3A_2064 = arith.constant dense<0.000000e+00> : vector<300xf32>
    %reduce_sum3A_2065 = vector.multi_reduction <add>, %mul3A_2063, %reduce_sum3A_2064 [1] : vector<300x128xf32> to vector<300xf32>
    %broadcast_in_dim3A_2066 = vector.shape_cast %reduce_sum3A_2065 : vector<300xf32> to vector<300x1xf32>
    %exp3A_2067 = math.exp %broadcast_in_dim3A_2066 : vector<300x1xf32>
    %add3A_2068 = arith.addf %add3A_2027, %exp3A_2067 : vector<300x1xf32>
    %mul3A_2069 = vector.broadcast %exp3A_2067 : vector<300x1xf32> to vector<300x128xf32>
    %mul3A_2070 = arith.mulf %mul3A_2069, %slice3A_2062 : vector<300x128xf32>
    %add3A_2071 = arith.addf %add3A_2030, %mul3A_2070 : vector<300x128xf32>
    %get3A_2072 = arith.constant 19 : index
    %get3A_2073 = arith.constant 0 : index
    %get3A_2074 = arith.constant 0 : index
    %get3A_2075 = vector.load %arg19[%get3A_2072, %get3A_2073, %get3A_2074] : memref<24x300x128xf32, #tpu.memory_space<vmem>>, vector<1x300x128xf32>
    %get3A_2076 = vector.shape_cast %get3A_2075 : vector<1x300x128xf32> to vector<300x128xf32>
    %reduce_sum3A_2077 = arith.constant dense<0.000000e+00> : vector<300xf32>
    %reduce_sum3A_2078 = vector.multi_reduction <add>, %get3A_2076, %reduce_sum3A_2077 [1] : vector<300x128xf32> to vector<300xf32>
    %broadcast_in_dim3A_2079 = vector.shape_cast %reduce_sum3A_2078 : vector<300xf32> to vector<300x1xf32>
    %div3A_2080 = arith.constant 1.280000e+02 : f32
    %div3A_2081 = vector.broadcast %div3A_2080 : f32 to vector<300x1xf32>
    %div3A_2082 = arith.divf %broadcast_in_dim3A_2079, %div3A_2081 : vector<300x1xf32>
    %sub3A_2083 = vector.broadcast %div3A_2082 : vector<300x1xf32> to vector<300x128xf32>
    %sub3A_2084 = arith.subf %get3A_2076, %sub3A_2083 : vector<300x128xf32>
    %integer_pow3A_2085 = arith.mulf %sub3A_2084, %sub3A_2084 : vector<300x128xf32>
    %reduce_sum3A_2086 = arith.constant dense<0.000000e+00> : vector<300xf32>
    %reduce_sum3A_2087 = vector.multi_reduction <add>, %integer_pow3A_2085, %reduce_sum3A_2086 [1] : vector<300x128xf32> to vector<300xf32>
    %broadcast_in_dim3A_2088 = vector.shape_cast %reduce_sum3A_2087 : vector<300xf32> to vector<300x1xf32>
    %div3A_2089 = arith.constant 1.280000e+02 : f32
    %div3A_2090 = vector.broadcast %div3A_2089 : f32 to vector<300x1xf32>
    %div3A_2091 = arith.divf %broadcast_in_dim3A_2088, %div3A_2090 : vector<300x1xf32>
    %sub3A_2092 = vector.broadcast %div3A_2082 : vector<300x1xf32> to vector<300x128xf32>
    %sub3A_2093 = arith.subf %get3A_2076, %sub3A_2092 : vector<300x128xf32>
    %add3A_2094 = arith.constant 9.99999974E-6 : f32
    %add3A_2095 = vector.broadcast %add3A_2094 : f32 to vector<300x1xf32>
    %add3A_2096 = arith.addf %div3A_2091, %add3A_2095 : vector<300x1xf32>
    %sqrt3A_2097 = math.sqrt %add3A_2096 : vector<300x1xf32>
    %div3A_2098 = vector.broadcast %sqrt3A_2097 : vector<300x1xf32> to vector<300x128xf32>
    %div3A_2099 = arith.divf %sub3A_2093, %div3A_2098 : vector<300x128xf32>
    %dot_general3A_2100 = arith.constant dense<0.000000e+00> : vector<300x256xf32>
    %dot_general3A_2101 = tpu.matmul %div3A_2099, %get3A_1256, %dot_general3A_2100 {dimension_numbers = #tpu.dot_dimension_numbers<[1], [0], [0], [1], [0, 0, 1, 1], [], []>, transpose_lhs_hint = false} : vector<300x128xf32>, vector<128x256xf32>, vector<300x256xf32> -> vector<300x256xf32>
    %slice3A_2102 = vector.extract_strided_slice %dot_general3A_2101 {offsets = [0, 0], sizes = [300, 128], strides = [1, 1]} : vector<300x256xf32> to vector<300x128xf32>
    %slice3A_2103 = vector.extract_strided_slice %dot_general3A_2101 {offsets = [0, 128], sizes = [300, 128], strides = [1, 1]} : vector<300x256xf32> to vector<300x128xf32>
    %mul3A_2104 = arith.mulf %dot_general3A_1289, %slice3A_2102 : vector<300x128xf32>
    %reduce_sum3A_2105 = arith.constant dense<0.000000e+00> : vector<300xf32>
    %reduce_sum3A_2106 = vector.multi_reduction <add>, %mul3A_2104, %reduce_sum3A_2105 [1] : vector<300x128xf32> to vector<300xf32>
    %broadcast_in_dim3A_2107 = vector.shape_cast %reduce_sum3A_2106 : vector<300xf32> to vector<300x1xf32>
    %exp3A_2108 = math.exp %broadcast_in_dim3A_2107 : vector<300x1xf32>
    %add3A_2109 = arith.addf %add3A_2068, %exp3A_2108 : vector<300x1xf32>
    %mul3A_2110 = vector.broadcast %exp3A_2108 : vector<300x1xf32> to vector<300x128xf32>
    %mul3A_2111 = arith.mulf %mul3A_2110, %slice3A_2103 : vector<300x128xf32>
    %add3A_2112 = arith.addf %add3A_2071, %mul3A_2111 : vector<300x128xf32>
    %get3A_2113 = arith.constant 20 : index
    %get3A_2114 = arith.constant 0 : index
    %get3A_2115 = arith.constant 0 : index
    %get3A_2116 = vector.load %arg19[%get3A_2113, %get3A_2114, %get3A_2115] : memref<24x300x128xf32, #tpu.memory_space<vmem>>, vector<1x300x128xf32>
    %get3A_2117 = vector.shape_cast %get3A_2116 : vector<1x300x128xf32> to vector<300x128xf32>
    %reduce_sum3A_2118 = arith.constant dense<0.000000e+00> : vector<300xf32>
    %reduce_sum3A_2119 = vector.multi_reduction <add>, %get3A_2117, %reduce_sum3A_2118 [1] : vector<300x128xf32> to vector<300xf32>
    %broadcast_in_dim3A_2120 = vector.shape_cast %reduce_sum3A_2119 : vector<300xf32> to vector<300x1xf32>
    %div3A_2121 = arith.constant 1.280000e+02 : f32
    %div3A_2122 = vector.broadcast %div3A_2121 : f32 to vector<300x1xf32>
    %div3A_2123 = arith.divf %broadcast_in_dim3A_2120, %div3A_2122 : vector<300x1xf32>
    %sub3A_2124 = vector.broadcast %div3A_2123 : vector<300x1xf32> to vector<300x128xf32>
    %sub3A_2125 = arith.subf %get3A_2117, %sub3A_2124 : vector<300x128xf32>
    %integer_pow3A_2126 = arith.mulf %sub3A_2125, %sub3A_2125 : vector<300x128xf32>
    %reduce_sum3A_2127 = arith.constant dense<0.000000e+00> : vector<300xf32>
    %reduce_sum3A_2128 = vector.multi_reduction <add>, %integer_pow3A_2126, %reduce_sum3A_2127 [1] : vector<300x128xf32> to vector<300xf32>
    %broadcast_in_dim3A_2129 = vector.shape_cast %reduce_sum3A_2128 : vector<300xf32> to vector<300x1xf32>
    %div3A_2130 = arith.constant 1.280000e+02 : f32
    %div3A_2131 = vector.broadcast %div3A_2130 : f32 to vector<300x1xf32>
    %div3A_2132 = arith.divf %broadcast_in_dim3A_2129, %div3A_2131 : vector<300x1xf32>
    %sub3A_2133 = vector.broadcast %div3A_2123 : vector<300x1xf32> to vector<300x128xf32>
    %sub3A_2134 = arith.subf %get3A_2117, %sub3A_2133 : vector<300x128xf32>
    %add3A_2135 = arith.constant 9.99999974E-6 : f32
    %add3A_2136 = vector.broadcast %add3A_2135 : f32 to vector<300x1xf32>
    %add3A_2137 = arith.addf %div3A_2132, %add3A_2136 : vector<300x1xf32>
    %sqrt3A_2138 = math.sqrt %add3A_2137 : vector<300x1xf32>
    %div3A_2139 = vector.broadcast %sqrt3A_2138 : vector<300x1xf32> to vector<300x128xf32>
    %div3A_2140 = arith.divf %sub3A_2134, %div3A_2139 : vector<300x128xf32>
    %dot_general3A_2141 = arith.constant dense<0.000000e+00> : vector<300x256xf32>
    %dot_general3A_2142 = tpu.matmul %div3A_2140, %get3A_1256, %dot_general3A_2141 {dimension_numbers = #tpu.dot_dimension_numbers<[1], [0], [0], [1], [0, 0, 1, 1], [], []>, transpose_lhs_hint = false} : vector<300x128xf32>, vector<128x256xf32>, vector<300x256xf32> -> vector<300x256xf32>
    %slice3A_2143 = vector.extract_strided_slice %dot_general3A_2142 {offsets = [0, 0], sizes = [300, 128], strides = [1, 1]} : vector<300x256xf32> to vector<300x128xf32>
    %slice3A_2144 = vector.extract_strided_slice %dot_general3A_2142 {offsets = [0, 128], sizes = [300, 128], strides = [1, 1]} : vector<300x256xf32> to vector<300x128xf32>
    %mul3A_2145 = arith.mulf %dot_general3A_1289, %slice3A_2143 : vector<300x128xf32>
    %reduce_sum3A_2146 = arith.constant dense<0.000000e+00> : vector<300xf32>
    %reduce_sum3A_2147 = vector.multi_reduction <add>, %mul3A_2145, %reduce_sum3A_2146 [1] : vector<300x128xf32> to vector<300xf32>
    %broadcast_in_dim3A_2148 = vector.shape_cast %reduce_sum3A_2147 : vector<300xf32> to vector<300x1xf32>
    %exp3A_2149 = math.exp %broadcast_in_dim3A_2148 : vector<300x1xf32>
    %add3A_2150 = arith.addf %add3A_2109, %exp3A_2149 : vector<300x1xf32>
    %mul3A_2151 = vector.broadcast %exp3A_2149 : vector<300x1xf32> to vector<300x128xf32>
    %mul3A_2152 = arith.mulf %mul3A_2151, %slice3A_2144 : vector<300x128xf32>
    %add3A_2153 = arith.addf %add3A_2112, %mul3A_2152 : vector<300x128xf32>
    %get3A_2154 = arith.constant 21 : index
    %get3A_2155 = arith.constant 0 : index
    %get3A_2156 = arith.constant 0 : index
    %get3A_2157 = vector.load %arg19[%get3A_2154, %get3A_2155, %get3A_2156] : memref<24x300x128xf32, #tpu.memory_space<vmem>>, vector<1x300x128xf32>
    %get3A_2158 = vector.shape_cast %get3A_2157 : vector<1x300x128xf32> to vector<300x128xf32>
    %reduce_sum3A_2159 = arith.constant dense<0.000000e+00> : vector<300xf32>
    %reduce_sum3A_2160 = vector.multi_reduction <add>, %get3A_2158, %reduce_sum3A_2159 [1] : vector<300x128xf32> to vector<300xf32>
    %broadcast_in_dim3A_2161 = vector.shape_cast %reduce_sum3A_2160 : vector<300xf32> to vector<300x1xf32>
    %div3A_2162 = arith.constant 1.280000e+02 : f32
    %div3A_2163 = vector.broadcast %div3A_2162 : f32 to vector<300x1xf32>
    %div3A_2164 = arith.divf %broadcast_in_dim3A_2161, %div3A_2163 : vector<300x1xf32>
    %sub3A_2165 = vector.broadcast %div3A_2164 : vector<300x1xf32> to vector<300x128xf32>
    %sub3A_2166 = arith.subf %get3A_2158, %sub3A_2165 : vector<300x128xf32>
    %integer_pow3A_2167 = arith.mulf %sub3A_2166, %sub3A_2166 : vector<300x128xf32>
    %reduce_sum3A_2168 = arith.constant dense<0.000000e+00> : vector<300xf32>
    %reduce_sum3A_2169 = vector.multi_reduction <add>, %integer_pow3A_2167, %reduce_sum3A_2168 [1] : vector<300x128xf32> to vector<300xf32>
    %broadcast_in_dim3A_2170 = vector.shape_cast %reduce_sum3A_2169 : vector<300xf32> to vector<300x1xf32>
    %div3A_2171 = arith.constant 1.280000e+02 : f32
    %div3A_2172 = vector.broadcast %div3A_2171 : f32 to vector<300x1xf32>
    %div3A_2173 = arith.divf %broadcast_in_dim3A_2170, %div3A_2172 : vector<300x1xf32>
    %sub3A_2174 = vector.broadcast %div3A_2164 : vector<300x1xf32> to vector<300x128xf32>
    %sub3A_2175 = arith.subf %get3A_2158, %sub3A_2174 : vector<300x128xf32>
    %add3A_2176 = arith.constant 9.99999974E-6 : f32
    %add3A_2177 = vector.broadcast %add3A_2176 : f32 to vector<300x1xf32>
    %add3A_2178 = arith.addf %div3A_2173, %add3A_2177 : vector<300x1xf32>
    %sqrt3A_2179 = math.sqrt %add3A_2178 : vector<300x1xf32>
    %div3A_2180 = vector.broadcast %sqrt3A_2179 : vector<300x1xf32> to vector<300x128xf32>
    %div3A_2181 = arith.divf %sub3A_2175, %div3A_2180 : vector<300x128xf32>
    %dot_general3A_2182 = arith.constant dense<0.000000e+00> : vector<300x256xf32>
    %dot_general3A_2183 = tpu.matmul %div3A_2181, %get3A_1256, %dot_general3A_2182 {dimension_numbers = #tpu.dot_dimension_numbers<[1], [0], [0], [1], [0, 0, 1, 1], [], []>, transpose_lhs_hint = false} : vector<300x128xf32>, vector<128x256xf32>, vector<300x256xf32> -> vector<300x256xf32>
    %slice3A_2184 = vector.extract_strided_slice %dot_general3A_2183 {offsets = [0, 0], sizes = [300, 128], strides = [1, 1]} : vector<300x256xf32> to vector<300x128xf32>
    %slice3A_2185 = vector.extract_strided_slice %dot_general3A_2183 {offsets = [0, 128], sizes = [300, 128], strides = [1, 1]} : vector<300x256xf32> to vector<300x128xf32>
    %mul3A_2186 = arith.mulf %dot_general3A_1289, %slice3A_2184 : vector<300x128xf32>
    %reduce_sum3A_2187 = arith.constant dense<0.000000e+00> : vector<300xf32>
    %reduce_sum3A_2188 = vector.multi_reduction <add>, %mul3A_2186, %reduce_sum3A_2187 [1] : vector<300x128xf32> to vector<300xf32>
    %broadcast_in_dim3A_2189 = vector.shape_cast %reduce_sum3A_2188 : vector<300xf32> to vector<300x1xf32>
    %exp3A_2190 = math.exp %broadcast_in_dim3A_2189 : vector<300x1xf32>
    %add3A_2191 = arith.addf %add3A_2150, %exp3A_2190 : vector<300x1xf32>
    %mul3A_2192 = vector.broadcast %exp3A_2190 : vector<300x1xf32> to vector<300x128xf32>
    %mul3A_2193 = arith.mulf %mul3A_2192, %slice3A_2185 : vector<300x128xf32>
    %add3A_2194 = arith.addf %add3A_2153, %mul3A_2193 : vector<300x128xf32>
    %get3A_2195 = arith.constant 22 : index
    %get3A_2196 = arith.constant 0 : index
    %get3A_2197 = arith.constant 0 : index
    %get3A_2198 = vector.load %arg19[%get3A_2195, %get3A_2196, %get3A_2197] : memref<24x300x128xf32, #tpu.memory_space<vmem>>, vector<1x300x128xf32>
    %get3A_2199 = vector.shape_cast %get3A_2198 : vector<1x300x128xf32> to vector<300x128xf32>
    %reduce_sum3A_2200 = arith.constant dense<0.000000e+00> : vector<300xf32>
    %reduce_sum3A_2201 = vector.multi_reduction <add>, %get3A_2199, %reduce_sum3A_2200 [1] : vector<300x128xf32> to vector<300xf32>
    %broadcast_in_dim3A_2202 = vector.shape_cast %reduce_sum3A_2201 : vector<300xf32> to vector<300x1xf32>
    %div3A_2203 = arith.constant 1.280000e+02 : f32
    %div3A_2204 = vector.broadcast %div3A_2203 : f32 to vector<300x1xf32>
    %div3A_2205 = arith.divf %broadcast_in_dim3A_2202, %div3A_2204 : vector<300x1xf32>
    %sub3A_2206 = vector.broadcast %div3A_2205 : vector<300x1xf32> to vector<300x128xf32>
    %sub3A_2207 = arith.subf %get3A_2199, %sub3A_2206 : vector<300x128xf32>
    %integer_pow3A_2208 = arith.mulf %sub3A_2207, %sub3A_2207 : vector<300x128xf32>
    %reduce_sum3A_2209 = arith.constant dense<0.000000e+00> : vector<300xf32>
    %reduce_sum3A_2210 = vector.multi_reduction <add>, %integer_pow3A_2208, %reduce_sum3A_2209 [1] : vector<300x128xf32> to vector<300xf32>
    %broadcast_in_dim3A_2211 = vector.shape_cast %reduce_sum3A_2210 : vector<300xf32> to vector<300x1xf32>
    %div3A_2212 = arith.constant 1.280000e+02 : f32
    %div3A_2213 = vector.broadcast %div3A_2212 : f32 to vector<300x1xf32>
    %div3A_2214 = arith.divf %broadcast_in_dim3A_2211, %div3A_2213 : vector<300x1xf32>
    %sub3A_2215 = vector.broadcast %div3A_2205 : vector<300x1xf32> to vector<300x128xf32>
    %sub3A_2216 = arith.subf %get3A_2199, %sub3A_2215 : vector<300x128xf32>
    %add3A_2217 = arith.constant 9.99999974E-6 : f32
    %add3A_2218 = vector.broadcast %add3A_2217 : f32 to vector<300x1xf32>
    %add3A_2219 = arith.addf %div3A_2214, %add3A_2218 : vector<300x1xf32>
    %sqrt3A_2220 = math.sqrt %add3A_2219 : vector<300x1xf32>
    %div3A_2221 = vector.broadcast %sqrt3A_2220 : vector<300x1xf32> to vector<300x128xf32>
    %div3A_2222 = arith.divf %sub3A_2216, %div3A_2221 : vector<300x128xf32>
    %dot_general3A_2223 = arith.constant dense<0.000000e+00> : vector<300x256xf32>
    %dot_general3A_2224 = tpu.matmul %div3A_2222, %get3A_1256, %dot_general3A_2223 {dimension_numbers = #tpu.dot_dimension_numbers<[1], [0], [0], [1], [0, 0, 1, 1], [], []>, transpose_lhs_hint = false} : vector<300x128xf32>, vector<128x256xf32>, vector<300x256xf32> -> vector<300x256xf32>
    %slice3A_2225 = vector.extract_strided_slice %dot_general3A_2224 {offsets = [0, 0], sizes = [300, 128], strides = [1, 1]} : vector<300x256xf32> to vector<300x128xf32>
    %slice3A_2226 = vector.extract_strided_slice %dot_general3A_2224 {offsets = [0, 128], sizes = [300, 128], strides = [1, 1]} : vector<300x256xf32> to vector<300x128xf32>
    %mul3A_2227 = arith.mulf %dot_general3A_1289, %slice3A_2225 : vector<300x128xf32>
    %reduce_sum3A_2228 = arith.constant dense<0.000000e+00> : vector<300xf32>
    %reduce_sum3A_2229 = vector.multi_reduction <add>, %mul3A_2227, %reduce_sum3A_2228 [1] : vector<300x128xf32> to vector<300xf32>
    %broadcast_in_dim3A_2230 = vector.shape_cast %reduce_sum3A_2229 : vector<300xf32> to vector<300x1xf32>
    %exp3A_2231 = math.exp %broadcast_in_dim3A_2230 : vector<300x1xf32>
    %add3A_2232 = arith.addf %add3A_2191, %exp3A_2231 : vector<300x1xf32>
    %mul3A_2233 = vector.broadcast %exp3A_2231 : vector<300x1xf32> to vector<300x128xf32>
    %mul3A_2234 = arith.mulf %mul3A_2233, %slice3A_2226 : vector<300x128xf32>
    %add3A_2235 = arith.addf %add3A_2194, %mul3A_2234 : vector<300x128xf32>
    %get3A_2236 = arith.constant 23 : index
    %get3A_2237 = arith.constant 0 : index
    %get3A_2238 = arith.constant 0 : index
    %get3A_2239 = vector.load %arg19[%get3A_2236, %get3A_2237, %get3A_2238] : memref<24x300x128xf32, #tpu.memory_space<vmem>>, vector<1x300x128xf32>
    %get3A_2240 = vector.shape_cast %get3A_2239 : vector<1x300x128xf32> to vector<300x128xf32>
    %reduce_sum3A_2241 = arith.constant dense<0.000000e+00> : vector<300xf32>
    %reduce_sum3A_2242 = vector.multi_reduction <add>, %get3A_2240, %reduce_sum3A_2241 [1] : vector<300x128xf32> to vector<300xf32>
    %broadcast_in_dim3A_2243 = vector.shape_cast %reduce_sum3A_2242 : vector<300xf32> to vector<300x1xf32>
    %div3A_2244 = arith.constant 1.280000e+02 : f32
    %div3A_2245 = vector.broadcast %div3A_2244 : f32 to vector<300x1xf32>
    %div3A_2246 = arith.divf %broadcast_in_dim3A_2243, %div3A_2245 : vector<300x1xf32>
    %sub3A_2247 = vector.broadcast %div3A_2246 : vector<300x1xf32> to vector<300x128xf32>
    %sub3A_2248 = arith.subf %get3A_2240, %sub3A_2247 : vector<300x128xf32>
    %integer_pow3A_2249 = arith.mulf %sub3A_2248, %sub3A_2248 : vector<300x128xf32>
    %reduce_sum3A_2250 = arith.constant dense<0.000000e+00> : vector<300xf32>
    %reduce_sum3A_2251 = vector.multi_reduction <add>, %integer_pow3A_2249, %reduce_sum3A_2250 [1] : vector<300x128xf32> to vector<300xf32>
    %broadcast_in_dim3A_2252 = vector.shape_cast %reduce_sum3A_2251 : vector<300xf32> to vector<300x1xf32>
    %div3A_2253 = arith.constant 1.280000e+02 : f32
    %div3A_2254 = vector.broadcast %div3A_2253 : f32 to vector<300x1xf32>
    %div3A_2255 = arith.divf %broadcast_in_dim3A_2252, %div3A_2254 : vector<300x1xf32>
    %sub3A_2256 = vector.broadcast %div3A_2246 : vector<300x1xf32> to vector<300x128xf32>
    %sub3A_2257 = arith.subf %get3A_2240, %sub3A_2256 : vector<300x128xf32>
    %add3A_2258 = arith.constant 9.99999974E-6 : f32
    %add3A_2259 = vector.broadcast %add3A_2258 : f32 to vector<300x1xf32>
    %add3A_2260 = arith.addf %div3A_2255, %add3A_2259 : vector<300x1xf32>
    %sqrt3A_2261 = math.sqrt %add3A_2260 : vector<300x1xf32>
    %div3A_2262 = vector.broadcast %sqrt3A_2261 : vector<300x1xf32> to vector<300x128xf32>
    %div3A_2263 = arith.divf %sub3A_2257, %div3A_2262 : vector<300x128xf32>
    %dot_general3A_2264 = arith.constant dense<0.000000e+00> : vector<300x256xf32>
    %dot_general3A_2265 = tpu.matmul %div3A_2263, %get3A_1256, %dot_general3A_2264 {dimension_numbers = #tpu.dot_dimension_numbers<[1], [0], [0], [1], [0, 0, 1, 1], [], []>, transpose_lhs_hint = false} : vector<300x128xf32>, vector<128x256xf32>, vector<300x256xf32> -> vector<300x256xf32>
    %slice3A_2266 = vector.extract_strided_slice %dot_general3A_2265 {offsets = [0, 0], sizes = [300, 128], strides = [1, 1]} : vector<300x256xf32> to vector<300x128xf32>
    %slice3A_2267 = vector.extract_strided_slice %dot_general3A_2265 {offsets = [0, 128], sizes = [300, 128], strides = [1, 1]} : vector<300x256xf32> to vector<300x128xf32>
    %mul3A_2268 = arith.mulf %dot_general3A_1289, %slice3A_2266 : vector<300x128xf32>
    %reduce_sum3A_2269 = arith.constant dense<0.000000e+00> : vector<300xf32>
    %reduce_sum3A_2270 = vector.multi_reduction <add>, %mul3A_2268, %reduce_sum3A_2269 [1] : vector<300x128xf32> to vector<300xf32>
    %broadcast_in_dim3A_2271 = vector.shape_cast %reduce_sum3A_2270 : vector<300xf32> to vector<300x1xf32>
    %exp3A_2272 = math.exp %broadcast_in_dim3A_2271 : vector<300x1xf32>
    %add3A_2273 = arith.addf %add3A_2232, %exp3A_2272 : vector<300x1xf32>
    %mul3A_2274 = vector.broadcast %exp3A_2272 : vector<300x1xf32> to vector<300x128xf32>
    %mul3A_2275 = arith.mulf %mul3A_2274, %slice3A_2267 : vector<300x128xf32>
    %add3A_2276 = arith.addf %add3A_2235, %mul3A_2275 : vector<300x128xf32>
    %div3A_2277 = vector.broadcast %add3A_2273 : vector<300x1xf32> to vector<300x128xf32>
    %div3A_2278 = arith.divf %add3A_2276, %div3A_2277 : vector<300x128xf32>
    %get3A_2279 = arith.constant 0 : index
    %get3A_2280 = arith.constant 0 : index
    %get3A_2281 = vector.load %arg8[%get3A_2279, %get3A_2280] : memref<128x128xf32, #tpu.memory_space<vmem>>, vector<128x128xf32>
    %dot_general3A_2282 = arith.constant dense<0.000000e+00> : vector<300x128xf32>
    %dot_general3A_2283 = tpu.matmul %div3A_2278, %get3A_2281, %dot_general3A_2282 {dimension_numbers = #tpu.dot_dimension_numbers<[1], [0], [0], [1], [0, 0, 1, 1], [], []>, transpose_lhs_hint = false} : vector<300x128xf32>, vector<128x128xf32>, vector<300x128xf32> -> vector<300x128xf32>
    %add3A_2284 = arith.addf %get3A_1261, %dot_general3A_2283 : vector<300x128xf32>
    %reduce_sum3A_2285 = arith.constant dense<0.000000e+00> : vector<300xf32>
    %reduce_sum3A_2286 = vector.multi_reduction <add>, %add3A_2284, %reduce_sum3A_2285 [1] : vector<300x128xf32> to vector<300xf32>
    %broadcast_in_dim3A_2287 = vector.shape_cast %reduce_sum3A_2286 : vector<300xf32> to vector<300x1xf32>
    %div3A_2288 = arith.constant 1.280000e+02 : f32
    %div3A_2289 = vector.broadcast %div3A_2288 : f32 to vector<300x1xf32>
    %div3A_2290 = arith.divf %broadcast_in_dim3A_2287, %div3A_2289 : vector<300x1xf32>
    %sub3A_2291 = vector.broadcast %div3A_2290 : vector<300x1xf32> to vector<300x128xf32>
    %sub3A_2292 = arith.subf %add3A_2284, %sub3A_2291 : vector<300x128xf32>
    %integer_pow3A_2293 = arith.mulf %sub3A_2292, %sub3A_2292 : vector<300x128xf32>
    %reduce_sum3A_2294 = arith.constant dense<0.000000e+00> : vector<300xf32>
    %reduce_sum3A_2295 = vector.multi_reduction <add>, %integer_pow3A_2293, %reduce_sum3A_2294 [1] : vector<300x128xf32> to vector<300xf32>
    %broadcast_in_dim3A_2296 = vector.shape_cast %reduce_sum3A_2295 : vector<300xf32> to vector<300x1xf32>
    %div3A_2297 = arith.constant 1.280000e+02 : f32
    %div3A_2298 = vector.broadcast %div3A_2297 : f32 to vector<300x1xf32>
    %div3A_2299 = arith.divf %broadcast_in_dim3A_2296, %div3A_2298 : vector<300x1xf32>
    %sub3A_2300 = vector.broadcast %div3A_2290 : vector<300x1xf32> to vector<300x128xf32>
    %sub3A_2301 = arith.subf %add3A_2284, %sub3A_2300 : vector<300x128xf32>
    %add3A_2302 = arith.constant 9.99999974E-6 : f32
    %add3A_2303 = vector.broadcast %add3A_2302 : f32 to vector<300x1xf32>
    %add3A_2304 = arith.addf %div3A_2299, %add3A_2303 : vector<300x1xf32>
    %sqrt3A_2305 = math.sqrt %add3A_2304 : vector<300x1xf32>
    %div3A_2306 = vector.broadcast %sqrt3A_2305 : vector<300x1xf32> to vector<300x128xf32>
    %div3A_2307 = arith.divf %sub3A_2301, %div3A_2306 : vector<300x128xf32>
    %get3A_2308 = arith.constant 0 : index
    %get3A_2309 = arith.constant 0 : index
    %get3A_2310 = vector.load %arg9[%get3A_2308, %get3A_2309] : memref<128x256xf32, #tpu.memory_space<vmem>>, vector<128x256xf32>
    %dot_general3A_2311 = arith.constant dense<0.000000e+00> : vector<300x256xf32>
    %dot_general3A_2312 = tpu.matmul %div3A_2307, %get3A_2310, %dot_general3A_2311 {dimension_numbers = #tpu.dot_dimension_numbers<[1], [0], [0], [1], [0, 0, 1, 1], [], []>, transpose_lhs_hint = false} : vector<300x128xf32>, vector<128x256xf32>, vector<300x256xf32> -> vector<300x256xf32>
    %max3A = arith.constant 0.000000e+00 : f32
    %max3A_2313 = vector.broadcast %max3A : f32 to vector<300x256xf32>
    %max3A_2314 = arith.maximumf %dot_general3A_2312, %max3A_2313 : vector<300x256xf32>
    %get3A_2315 = arith.constant 0 : index
    %get3A_2316 = arith.constant 0 : index
    %get3A_2317 = vector.load %arg10[%get3A_2315, %get3A_2316] : memref<256x128xf32, #tpu.memory_space<vmem>>, vector<256x128xf32>
    %dot_general3A_2318 = arith.constant dense<0.000000e+00> : vector<300x128xf32>
    %dot_general3A_2319 = tpu.matmul %max3A_2314, %get3A_2317, %dot_general3A_2318 {dimension_numbers = #tpu.dot_dimension_numbers<[1], [0], [0], [1], [0, 0, 1, 1], [], []>, transpose_lhs_hint = false} : vector<300x256xf32>, vector<256x128xf32>, vector<300x128xf32> -> vector<300x128xf32>
    %add3A_2320 = arith.addf %add3A_2284, %dot_general3A_2319 : vector<300x128xf32>
    %get3A_2321 = arith.constant 0 : index
    %get3A_2322 = arith.constant 0 : index
    %get3A_2323 = vector.load %arg2[%get3A_2321, %get3A_2322] : memref<300x300xf32, #tpu.memory_space<vmem>>, vector<300x300xf32>
    %gt3A = arith.constant 0.000000e+00 : f32
    %gt3A_2324 = vector.broadcast %gt3A : f32 to vector<300x300xf32>
    %gt3A_2325 = arith.cmpf ogt, %get3A_2323, %gt3A_2324 : vector<300x300xf32>
    %log3A = math.log %get3A_2323 : vector<300x300xf32>
    %jit3A_2326 = arith.constant -1.000000e+30 : f32
    %broadcast_in_dim3A_2327 = vector.broadcast %jit3A_2326 : f32 to vector<300x300xf32>
    %select_n3A_2328 = arith.select %gt3A_2325, %log3A, %broadcast_in_dim3A_2327 : vector<300x300xi1>, vector<300x300xf32>
    %get3A_2329 = arith.constant 0 : index
    %get3A_2330 = arith.constant 0 : index
    %get3A_2331 = vector.load %arg11[%get3A_2329, %get3A_2330] : memref<128x128xf32, #tpu.memory_space<vmem>>, vector<128x128xf32>
    %dot_general3A_2332 = arith.constant dense<0.000000e+00> : vector<300x128xf32>
    %dot_general3A_2333 = tpu.matmul %add3A_2320, %get3A_2331, %dot_general3A_2332 {dimension_numbers = #tpu.dot_dimension_numbers<[1], [0], [0], [1], [0, 0, 1, 1], [], []>, transpose_lhs_hint = false} : vector<300x128xf32>, vector<128x128xf32>, vector<300x128xf32> -> vector<300x128xf32>
    %get3A_2334 = arith.constant 0 : index
    %get3A_2335 = arith.constant 0 : index
    %get3A_2336 = vector.load %arg12[%get3A_2334, %get3A_2335] : memref<4x128xf32, #tpu.memory_space<vmem>>, vector<4x128xf32>
    %dot_general3A_2337 = arith.constant dense<0.000000e+00> : vector<4x300xf32>
    %dot_general3A_2338 = tpu.matmul %get3A_2336, %dot_general3A_2333, %dot_general3A_2337 {dimension_numbers = #tpu.dot_dimension_numbers<[1], [1], [0], [0], [0, 0, 1, 0], [], []>, transpose_lhs_hint = false} : vector<4x128xf32>, vector<300x128xf32>, vector<4x300xf32> -> vector<4x300xf32>
    %get3A_2339 = arith.constant 0 : index
    %get3A_2340 = arith.constant 0 : index
    %get3A_2341 = vector.load %arg13[%get3A_2339, %get3A_2340] : memref<128x4xf32, #tpu.memory_space<vmem>>, vector<128x4xf32>
    %dot_general3A_2342 = arith.constant dense<0.000000e+00> : vector<300x4xf32>
    %dot_general3A_2343 = tpu.matmul %dot_general3A_2333, %get3A_2341, %dot_general3A_2342 {dimension_numbers = #tpu.dot_dimension_numbers<[1], [0], [0], [1], [0, 0, 1, 1], [], []>, transpose_lhs_hint = false} : vector<300x128xf32>, vector<128x4xf32>, vector<300x4xf32> -> vector<300x4xf32>
    %slice3A_2344 = vector.extract_strided_slice %dot_general3A_2343 {offsets = [0, 0], sizes = [300, 1], strides = [1, 1]} : vector<300x4xf32> to vector<300x1xf32>
    %slice3A_2345 = vector.extract_strided_slice %dot_general3A_2338 {offsets = [0, 0], sizes = [1, 300], strides = [1, 1]} : vector<4x300xf32> to vector<1x300xf32>
    %add3A_2346 = vector.broadcast %slice3A_2344 : vector<300x1xf32> to vector<300x300xf32>
    %add3A_2347 = vector.broadcast %slice3A_2345 : vector<1x300xf32> to vector<300x300xf32>
    %add3A_2348 = arith.addf %add3A_2346, %add3A_2347 : vector<300x300xf32>
    %mul3A_2349 = arith.constant 2.000000e-01 : f32
    %mul3A_2350 = vector.broadcast %mul3A_2349 : f32 to vector<300x300xf32>
    %mul3A_2351 = arith.mulf %mul3A_2350, %add3A_2348 : vector<300x300xf32>
    %max3A_2352 = arith.maximumf %add3A_2348, %mul3A_2351 : vector<300x300xf32>
    %add3A_2353 = arith.addf %max3A_2352, %select_n3A_2328 : vector<300x300xf32>
    %exp3A_2354 = math.exp %add3A_2353 : vector<300x300xf32>
    %reduce_sum3A_2355 = arith.constant dense<0.000000e+00> : vector<300xf32>
    %reduce_sum3A_2356 = vector.multi_reduction <add>, %exp3A_2354, %reduce_sum3A_2355 [1] : vector<300x300xf32> to vector<300xf32>
    %broadcast_in_dim3A_2357 = vector.shape_cast %reduce_sum3A_2356 : vector<300xf32> to vector<300x1xf32>
    %slice3A_2358 = vector.extract_strided_slice %dot_general3A_2333 {offsets = [0, 0], sizes = [300, 32], strides = [1, 1]} : vector<300x128xf32> to vector<300x32xf32>
    %dot_general3A_2359 = arith.constant dense<0.000000e+00> : vector<300x32xf32>
    %dot_general3A_2360 = tpu.matmul %exp3A_2354, %slice3A_2358, %dot_general3A_2359 {dimension_numbers = #tpu.dot_dimension_numbers<[1], [0], [0], [1], [0, 0, 1, 1], [], []>, transpose_lhs_hint = false} : vector<300x300xf32>, vector<300x32xf32>, vector<300x32xf32> -> vector<300x32xf32>
    %add3A_2361 = arith.constant 1.000000e-16 : f32
    %add3A_2362 = vector.broadcast %add3A_2361 : f32 to vector<300x1xf32>
    %add3A_2363 = arith.addf %broadcast_in_dim3A_2357, %add3A_2362 : vector<300x1xf32>
    %div3A_2364 = vector.broadcast %add3A_2363 : vector<300x1xf32> to vector<300x32xf32>
    %div3A_2365 = arith.divf %dot_general3A_2360, %div3A_2364 : vector<300x32xf32>
    %slice3A_2366 = vector.extract_strided_slice %dot_general3A_2343 {offsets = [0, 1], sizes = [300, 1], strides = [1, 1]} : vector<300x4xf32> to vector<300x1xf32>
    %slice3A_2367 = vector.extract_strided_slice %dot_general3A_2338 {offsets = [1, 0], sizes = [1, 300], strides = [1, 1]} : vector<4x300xf32> to vector<1x300xf32>
    %add3A_2368 = vector.broadcast %slice3A_2366 : vector<300x1xf32> to vector<300x300xf32>
    %add3A_2369 = vector.broadcast %slice3A_2367 : vector<1x300xf32> to vector<300x300xf32>
    %add3A_2370 = arith.addf %add3A_2368, %add3A_2369 : vector<300x300xf32>
    %mul3A_2371 = arith.constant 2.000000e-01 : f32
    %mul3A_2372 = vector.broadcast %mul3A_2371 : f32 to vector<300x300xf32>
    %mul3A_2373 = arith.mulf %mul3A_2372, %add3A_2370 : vector<300x300xf32>
    %max3A_2374 = arith.maximumf %add3A_2370, %mul3A_2373 : vector<300x300xf32>
    %add3A_2375 = arith.addf %max3A_2374, %select_n3A_2328 : vector<300x300xf32>
    %exp3A_2376 = math.exp %add3A_2375 : vector<300x300xf32>
    %reduce_sum3A_2377 = arith.constant dense<0.000000e+00> : vector<300xf32>
    %reduce_sum3A_2378 = vector.multi_reduction <add>, %exp3A_2376, %reduce_sum3A_2377 [1] : vector<300x300xf32> to vector<300xf32>
    %broadcast_in_dim3A_2379 = vector.shape_cast %reduce_sum3A_2378 : vector<300xf32> to vector<300x1xf32>
    %slice3A_2380 = vector.extract_strided_slice %dot_general3A_2333 {offsets = [0, 32], sizes = [300, 32], strides = [1, 1]} : vector<300x128xf32> to vector<300x32xf32>
    %dot_general3A_2381 = arith.constant dense<0.000000e+00> : vector<300x32xf32>
    %dot_general3A_2382 = tpu.matmul %exp3A_2376, %slice3A_2380, %dot_general3A_2381 {dimension_numbers = #tpu.dot_dimension_numbers<[1], [0], [0], [1], [0, 0, 1, 1], [], []>, transpose_lhs_hint = false} : vector<300x300xf32>, vector<300x32xf32>, vector<300x32xf32> -> vector<300x32xf32>
    %add3A_2383 = arith.constant 1.000000e-16 : f32
    %add3A_2384 = vector.broadcast %add3A_2383 : f32 to vector<300x1xf32>
    %add3A_2385 = arith.addf %broadcast_in_dim3A_2379, %add3A_2384 : vector<300x1xf32>
    %div3A_2386 = vector.broadcast %add3A_2385 : vector<300x1xf32> to vector<300x32xf32>
    %div3A_2387 = arith.divf %dot_general3A_2382, %div3A_2386 : vector<300x32xf32>
    %slice3A_2388 = vector.extract_strided_slice %dot_general3A_2343 {offsets = [0, 2], sizes = [300, 1], strides = [1, 1]} : vector<300x4xf32> to vector<300x1xf32>
    %slice3A_2389 = vector.extract_strided_slice %dot_general3A_2338 {offsets = [2, 0], sizes = [1, 300], strides = [1, 1]} : vector<4x300xf32> to vector<1x300xf32>
    %add3A_2390 = vector.broadcast %slice3A_2388 : vector<300x1xf32> to vector<300x300xf32>
    %add3A_2391 = vector.broadcast %slice3A_2389 : vector<1x300xf32> to vector<300x300xf32>
    %add3A_2392 = arith.addf %add3A_2390, %add3A_2391 : vector<300x300xf32>
    %mul3A_2393 = arith.constant 2.000000e-01 : f32
    %mul3A_2394 = vector.broadcast %mul3A_2393 : f32 to vector<300x300xf32>
    %mul3A_2395 = arith.mulf %mul3A_2394, %add3A_2392 : vector<300x300xf32>
    %max3A_2396 = arith.maximumf %add3A_2392, %mul3A_2395 : vector<300x300xf32>
    %add3A_2397 = arith.addf %max3A_2396, %select_n3A_2328 : vector<300x300xf32>
    %exp3A_2398 = math.exp %add3A_2397 : vector<300x300xf32>
    %reduce_sum3A_2399 = arith.constant dense<0.000000e+00> : vector<300xf32>
    %reduce_sum3A_2400 = vector.multi_reduction <add>, %exp3A_2398, %reduce_sum3A_2399 [1] : vector<300x300xf32> to vector<300xf32>
    %broadcast_in_dim3A_2401 = vector.shape_cast %reduce_sum3A_2400 : vector<300xf32> to vector<300x1xf32>
    %slice3A_2402 = vector.extract_strided_slice %dot_general3A_2333 {offsets = [0, 64], sizes = [300, 32], strides = [1, 1]} : vector<300x128xf32> to vector<300x32xf32>
    %dot_general3A_2403 = arith.constant dense<0.000000e+00> : vector<300x32xf32>
    %dot_general3A_2404 = tpu.matmul %exp3A_2398, %slice3A_2402, %dot_general3A_2403 {dimension_numbers = #tpu.dot_dimension_numbers<[1], [0], [0], [1], [0, 0, 1, 1], [], []>, transpose_lhs_hint = false} : vector<300x300xf32>, vector<300x32xf32>, vector<300x32xf32> -> vector<300x32xf32>
    %add3A_2405 = arith.constant 1.000000e-16 : f32
    %add3A_2406 = vector.broadcast %add3A_2405 : f32 to vector<300x1xf32>
    %add3A_2407 = arith.addf %broadcast_in_dim3A_2401, %add3A_2406 : vector<300x1xf32>
    %div3A_2408 = vector.broadcast %add3A_2407 : vector<300x1xf32> to vector<300x32xf32>
    %div3A_2409 = arith.divf %dot_general3A_2404, %div3A_2408 : vector<300x32xf32>
    %slice3A_2410 = vector.extract_strided_slice %dot_general3A_2343 {offsets = [0, 3], sizes = [300, 1], strides = [1, 1]} : vector<300x4xf32> to vector<300x1xf32>
    %slice3A_2411 = vector.extract_strided_slice %dot_general3A_2338 {offsets = [3, 0], sizes = [1, 300], strides = [1, 1]} : vector<4x300xf32> to vector<1x300xf32>
    %add3A_2412 = vector.broadcast %slice3A_2410 : vector<300x1xf32> to vector<300x300xf32>
    %add3A_2413 = vector.broadcast %slice3A_2411 : vector<1x300xf32> to vector<300x300xf32>
    %add3A_2414 = arith.addf %add3A_2412, %add3A_2413 : vector<300x300xf32>
    %mul3A_2415 = arith.constant 2.000000e-01 : f32
    %mul3A_2416 = vector.broadcast %mul3A_2415 : f32 to vector<300x300xf32>
    %mul3A_2417 = arith.mulf %mul3A_2416, %add3A_2414 : vector<300x300xf32>
    %max3A_2418 = arith.maximumf %add3A_2414, %mul3A_2417 : vector<300x300xf32>
    %add3A_2419 = arith.addf %max3A_2418, %select_n3A_2328 : vector<300x300xf32>
    %exp3A_2420 = math.exp %add3A_2419 : vector<300x300xf32>
    %reduce_sum3A_2421 = arith.constant dense<0.000000e+00> : vector<300xf32>
    %reduce_sum3A_2422 = vector.multi_reduction <add>, %exp3A_2420, %reduce_sum3A_2421 [1] : vector<300x300xf32> to vector<300xf32>
    %broadcast_in_dim3A_2423 = vector.shape_cast %reduce_sum3A_2422 : vector<300xf32> to vector<300x1xf32>
    %slice3A_2424 = vector.extract_strided_slice %dot_general3A_2333 {offsets = [0, 96], sizes = [300, 32], strides = [1, 1]} : vector<300x128xf32> to vector<300x32xf32>
    %dot_general3A_2425 = arith.constant dense<0.000000e+00> : vector<300x32xf32>
    %dot_general3A_2426 = tpu.matmul %exp3A_2420, %slice3A_2424, %dot_general3A_2425 {dimension_numbers = #tpu.dot_dimension_numbers<[1], [0], [0], [1], [0, 0, 1, 1], [], []>, transpose_lhs_hint = false} : vector<300x300xf32>, vector<300x32xf32>, vector<300x32xf32> -> vector<300x32xf32>
    %add3A_2427 = arith.constant 1.000000e-16 : f32
    %add3A_2428 = vector.broadcast %add3A_2427 : f32 to vector<300x1xf32>
    %add3A_2429 = arith.addf %broadcast_in_dim3A_2423, %add3A_2428 : vector<300x1xf32>
    %div3A_2430 = vector.broadcast %add3A_2429 : vector<300x1xf32> to vector<300x32xf32>
    %div3A_2431 = arith.divf %dot_general3A_2426, %div3A_2430 : vector<300x32xf32>
    %concatenate3A = tpu.concatenate %div3A_2365, %div3A_2387, %div3A_2409, %div3A_2431 in 1 : vector<300x32xf32>, vector<300x32xf32>, vector<300x32xf32>, vector<300x32xf32> -> vector<300x128xf32>
    %gt3A_2432 = arith.constant 0.000000e+00 : f32
    %gt3A_2433 = vector.broadcast %gt3A_2432 : f32 to vector<300x128xf32>
    %gt3A_2434 = arith.cmpf ogt, %concatenate3A, %gt3A_2433 : vector<300x128xf32>
    %min3A = arith.constant 0.000000e+00 : f32
    %min3A_2435 = vector.broadcast %min3A : f32 to vector<300x128xf32>
    %min3A_2436 = arith.minimumf %concatenate3A, %min3A_2435 : vector<300x128xf32>
    %exp3A_2437 = math.exp %min3A_2436 : vector<300x128xf32>
    %sub3A_2438 = arith.constant 1.000000e+00 : f32
    %sub3A_2439 = vector.broadcast %sub3A_2438 : f32 to vector<300x128xf32>
    %sub3A_2440 = arith.subf %exp3A_2437, %sub3A_2439 : vector<300x128xf32>
    %select_n3A_2441 = arith.select %gt3A_2434, %concatenate3A, %sub3A_2440 : vector<300x128xi1>, vector<300x128xf32>
    %get3A_2442 = arith.constant 0 : index
    %get3A_2443 = arith.constant 0 : index
    %get3A_2444 = vector.load %arg14[%get3A_2442, %get3A_2443] : memref<128x64xf32, #tpu.memory_space<vmem>>, vector<128x64xf32>
    %dot_general3A_2445 = arith.constant dense<0.000000e+00> : vector<300x64xf32>
    %dot_general3A_2446 = tpu.matmul %select_n3A_2441, %get3A_2444, %dot_general3A_2445 {dimension_numbers = #tpu.dot_dimension_numbers<[1], [0], [0], [1], [0, 0, 1, 1], [], []>, transpose_lhs_hint = false} : vector<300x128xf32>, vector<128x64xf32>, vector<300x64xf32> -> vector<300x64xf32>
    %get3A_2447 = arith.constant 0 : index
    %get3A_2448 = arith.constant 0 : index
    %get3A_2449 = vector.load %arg15[%get3A_2447, %get3A_2448] : memref<1x64xf32, #tpu.memory_space<vmem>>, vector<1x64xf32>
    %dot_general3A_2450 = arith.constant dense<0.000000e+00> : vector<1x300xf32>
    %dot_general3A_2451 = tpu.matmul %get3A_2449, %dot_general3A_2446, %dot_general3A_2450 {dimension_numbers = #tpu.dot_dimension_numbers<[1], [1], [0], [0], [0, 0, 1, 0], [], []>, transpose_lhs_hint = false} : vector<1x64xf32>, vector<300x64xf32>, vector<1x300xf32> -> vector<1x300xf32>
    %get3A_2452 = arith.constant 0 : index
    %get3A_2453 = arith.constant 0 : index
    %get3A_2454 = vector.load %arg16[%get3A_2452, %get3A_2453] : memref<64x1xf32, #tpu.memory_space<vmem>>, vector<64x1xf32>
    %dot_general3A_2455 = arith.constant dense<0.000000e+00> : vector<300x1xf32>
    %dot_general3A_2456 = tpu.matmul %dot_general3A_2446, %get3A_2454, %dot_general3A_2455 {dimension_numbers = #tpu.dot_dimension_numbers<[1], [0], [0], [1], [0, 0, 1, 1], [], []>, transpose_lhs_hint = false} : vector<300x64xf32>, vector<64x1xf32>, vector<300x1xf32> -> vector<300x1xf32>
    %add3A_2457 = vector.broadcast %dot_general3A_2456 : vector<300x1xf32> to vector<300x300xf32>
    %add3A_2458 = vector.broadcast %dot_general3A_2451 : vector<1x300xf32> to vector<300x300xf32>
    %add3A_2459 = arith.addf %add3A_2457, %add3A_2458 : vector<300x300xf32>
    %mul3A_2460 = arith.constant 2.000000e-01 : f32
    %mul3A_2461 = vector.broadcast %mul3A_2460 : f32 to vector<300x300xf32>
    %mul3A_2462 = arith.mulf %mul3A_2461, %add3A_2459 : vector<300x300xf32>
    %max3A_2463 = arith.maximumf %add3A_2459, %mul3A_2462 : vector<300x300xf32>
    %add3A_2464 = arith.addf %max3A_2463, %select_n3A_2328 : vector<300x300xf32>
    %exp3A_2465 = math.exp %add3A_2464 : vector<300x300xf32>
    %reduce_sum3A_2466 = arith.constant dense<0.000000e+00> : vector<300xf32>
    %reduce_sum3A_2467 = vector.multi_reduction <add>, %exp3A_2465, %reduce_sum3A_2466 [1] : vector<300x300xf32> to vector<300xf32>
    %broadcast_in_dim3A_2468 = vector.shape_cast %reduce_sum3A_2467 : vector<300xf32> to vector<300x1xf32>
    %dot_general3A_2469 = arith.constant dense<0.000000e+00> : vector<300x64xf32>
    %dot_general3A_2470 = tpu.matmul %exp3A_2465, %dot_general3A_2446, %dot_general3A_2469 {dimension_numbers = #tpu.dot_dimension_numbers<[1], [0], [0], [1], [0, 0, 1, 1], [], []>, transpose_lhs_hint = false} : vector<300x300xf32>, vector<300x64xf32>, vector<300x64xf32> -> vector<300x64xf32>
    %add3A_2471 = arith.constant 1.000000e-16 : f32
    %add3A_2472 = vector.broadcast %add3A_2471 : f32 to vector<300x1xf32>
    %add3A_2473 = arith.addf %broadcast_in_dim3A_2468, %add3A_2472 : vector<300x1xf32>
    %div3A_2474 = vector.broadcast %add3A_2473 : vector<300x1xf32> to vector<300x64xf32>
    %div3A_2475 = arith.divf %dot_general3A_2470, %div3A_2474 : vector<300x64xf32>
    %get3A_2476 = arith.constant 0 : index
    %get3A_2477 = arith.constant 0 : index
    %get3A_2478 = vector.load %arg17[%get3A_2476, %get3A_2477] : memref<64x14xf32, #tpu.memory_space<vmem>>, vector<64x14xf32>
    %dot_general3A_2479 = arith.constant dense<0.000000e+00> : vector<300x14xf32>
    %dot_general3A_2480 = tpu.matmul %div3A_2475, %get3A_2478, %dot_general3A_2479 {dimension_numbers = #tpu.dot_dimension_numbers<[1], [0], [0], [1], [0, 0, 1, 1], [], []>, transpose_lhs_hint = false} : vector<300x64xf32>, vector<64x14xf32>, vector<300x14xf32> -> vector<300x14xf32>
    %swap3A_2481 = arith.constant 0 : index
    %swap3A_2482 = arith.constant 0 : index
    %swap3A_2483 = arith.constant 0 : index
    %swap3A_2484 = vector.load %arg18[%swap3A_2481, %swap3A_2482, %swap3A_2483] : memref<1x300x14xf32, #tpu.memory_space<vmem>>, vector<1x300x14xf32>
    %swap3A_2485 = vector.shape_cast %swap3A_2484 : vector<1x300x14xf32> to vector<300x14xf32>
    %swap3A_2486 = vector.shape_cast %dot_general3A_2480 : vector<300x14xf32> to vector<1x300x14xf32>
    tpu.vector_store %arg18[%swap3A_2481, %swap3A_2482, %swap3A_2483], %swap3A_2486 {strides = array<i32>} : memref<1x300x14xf32, #tpu.memory_space<vmem>>, vector<1x300x14xf32>,
    return
  }
  func.func @transform_0(%arg0: i32) -> (i32, i32, i32, i32) {
    %c0_i32 = arith.constant 0 : i32
    %c0_i32_0 = arith.constant 0 : i32
    %c0_i32_1 = arith.constant 0 : i32
    %c0_i32_2 = arith.constant 0 : i32
    return %arg0, %c0_i32, %c0_i32_0, %c0_i32_1 : i32, i32, i32, i32
  }
  func.func @transform_1(%arg0: i32) -> (i32, i32) {
    %c0_i32 = arith.constant 0 : i32
    %c0_i32_0 = arith.constant 0 : i32
    %c0_i32_1 = arith.constant 0 : i32
    return %c0_i32, %c0_i32_0 : i32, i32
  }
  func.func @transform_2(%arg0: i32) -> (i32, i32) {
    %c0_i32 = arith.constant 0 : i32
    %c0_i32_0 = arith.constant 0 : i32
    %c0_i32_1 = arith.constant 0 : i32
    return %c0_i32, %c0_i32_0 : i32, i32
  }
  func.func @transform_3(%arg0: i32) -> (i32, i32) {
    %c0_i32 = arith.constant 0 : i32
    %c0_i32_0 = arith.constant 0 : i32
    %c0_i32_1 = arith.constant 0 : i32
    return %c0_i32, %c0_i32_0 : i32, i32
  }
  func.func @transform_4(%arg0: i32) -> (i32, i32) {
    %c0_i32 = arith.constant 0 : i32
    %c0_i32_0 = arith.constant 0 : i32
    %c0_i32_1 = arith.constant 0 : i32
    return %c0_i32, %c0_i32_0 : i32, i32
  }
  func.func @transform_5(%arg0: i32) -> (i32, i32) {
    %c0_i32 = arith.constant 0 : i32
    %c0_i32_0 = arith.constant 0 : i32
    %c0_i32_1 = arith.constant 0 : i32
    return %c0_i32, %c0_i32_0 : i32, i32
  }
  func.func @transform_6(%arg0: i32) -> (i32, i32) {
    %c0_i32 = arith.constant 0 : i32
    %c0_i32_0 = arith.constant 0 : i32
    %c0_i32_1 = arith.constant 0 : i32
    return %c0_i32, %c0_i32_0 : i32, i32
  }
  func.func @transform_7(%arg0: i32) -> (i32, i32) {
    %c0_i32 = arith.constant 0 : i32
    %c0_i32_0 = arith.constant 0 : i32
    %c0_i32_1 = arith.constant 0 : i32
    return %c0_i32, %c0_i32_0 : i32, i32
  }
  func.func @transform_8(%arg0: i32) -> (i32, i32) {
    %c0_i32 = arith.constant 0 : i32
    %c0_i32_0 = arith.constant 0 : i32
    %c0_i32_1 = arith.constant 0 : i32
    return %c0_i32, %c0_i32_0 : i32, i32
  }
  func.func @transform_9(%arg0: i32) -> (i32, i32) {
    %c0_i32 = arith.constant 0 : i32
    %c0_i32_0 = arith.constant 0 : i32
    %c0_i32_1 = arith.constant 0 : i32
    return %c0_i32, %c0_i32_0 : i32, i32
  }
  func.func @transform_10(%arg0: i32) -> (i32, i32) {
    %c0_i32 = arith.constant 0 : i32
    %c0_i32_0 = arith.constant 0 : i32
    %c0_i32_1 = arith.constant 0 : i32
    return %c0_i32, %c0_i32_0 : i32, i32
  }
  func.func @transform_11(%arg0: i32) -> (i32, i32) {
    %c0_i32 = arith.constant 0 : i32
    %c0_i32_0 = arith.constant 0 : i32
    %c0_i32_1 = arith.constant 0 : i32
    return %c0_i32, %c0_i32_0 : i32, i32
  }
  func.func @transform_12(%arg0: i32) -> (i32, i32) {
    %c0_i32 = arith.constant 0 : i32
    %c0_i32_0 = arith.constant 0 : i32
    %c0_i32_1 = arith.constant 0 : i32
    return %c0_i32, %c0_i32_0 : i32, i32
  }
  func.func @transform_13(%arg0: i32) -> (i32, i32) {
    %c0_i32 = arith.constant 0 : i32
    %c0_i32_0 = arith.constant 0 : i32
    %c0_i32_1 = arith.constant 0 : i32
    return %c0_i32, %c0_i32_0 : i32, i32
  }
  func.func @transform_14(%arg0: i32) -> (i32, i32) {
    %c0_i32 = arith.constant 0 : i32
    %c0_i32_0 = arith.constant 0 : i32
    %c0_i32_1 = arith.constant 0 : i32
    return %c0_i32, %c0_i32_0 : i32, i32
  }
  func.func @transform_15(%arg0: i32) -> (i32, i32) {
    %c0_i32 = arith.constant 0 : i32
    %c0_i32_0 = arith.constant 0 : i32
    %c0_i32_1 = arith.constant 0 : i32
    return %c0_i32, %c0_i32_0 : i32, i32
  }
  func.func @transform_16(%arg0: i32) -> (i32, i32) {
    %c0_i32 = arith.constant 0 : i32
    %c0_i32_0 = arith.constant 0 : i32
    %c0_i32_1 = arith.constant 0 : i32
    return %c0_i32, %c0_i32_0 : i32, i32
  }
  func.func @transform_17(%arg0: i32) -> (i32, i32, i32) {
    %c0_i32 = arith.constant 0 : i32
    %c0_i32_0 = arith.constant 0 : i32
    %c0_i32_1 = arith.constant 0 : i32
    return %arg0, %c0_i32, %c0_i32_0 : i32, i32, i32
  }
}

</mosaic_0001>

<sc_bundles>
// kernel: kernel.4.cloned.1.call-start
scs
__scs_entry_jumppad:
0x0: {  	(pc) =	sbr.rel $0x88, $3  }
0x1: {  	(tag) =	ssettag $0x0;
	lr =	simm.s32 $0x1  }
0x2: {  	[smem:$0x3F8D] =	sst lr;
	_ =	strace $0xD0000000  }
0x3: {  	_ = 	snop  }
0x4: {  	_ = 	snop  }
0x5: {  	_ = 	snop  }
0x6: {  	_ = 	snop  }
0x7: {  	_ = 	snop  }
__scs_overlays_trampoline_lowered:
0x8: {  	[smem:$0x3F9C] =	sst s0  }
0x9: {  	[smem:$0x3F9D] =	sst s1  }
0xa: {  	[smem:$0x3F9E] =	sst s2  }
0xb: {  	[smem:$0x3F9F] =	sst s3  }
0xc: {  	[smem:$0x3FA0] =	sst s4  }
0xd: {  	[smem:$0x3FA1] =	sst s5  }
0xe: {  	[smem:$0x3FA2] =	sst s6  }
0xf: {  	[smem:$0x3FA3] =	sst s7  }
0x10: {  	[smem:$0x3FA4] =	sst s8  }
0x11: {  	[smem:$0x3FA5] =	sst s9;
	s0 =	simm.s32 @!p0 $0x0  }
0x12: {  	s1 =	sld [smem:$0x3F8B];
	s0 =	simm.s32 @p0 $0x1  }
0x13: {  	[smem:$0x3FA6] =	sst s0;
	s0 =	simm.s32 @!p1 $0x0  }
0x14: {  	s2 =	sld [smem:$0x3F8A];
	s0 =	simm.s32 @p1 $0x1  }
0x15: {  	[smem:$0x3FA7] =	sst s0;
	s0 =	simm.s32 @!p2 $0x0  }
0x16: {  	s3 =	sld [smem:$0x3FDB];
	s0 =	simm.s32 @p2 $0x1  }
0x17: {  	s4 =	simm.s32 $0x1BF5;
	[smem:$0x3FA9] =	sst s0  }
0x18: {  	s0 =	sld [smem:$0x3F8C];
	_ =	swait.ge [sflag:s4], $0x0  }
0x19: {  	s7 =	sld [smem:$0x3F8D]  }
0x1a: {  	s8 =	sadd.s32 $0xFFFFE003, lr  }
0x1b: {  	s9 =	sadd.s32 $0xFFFFFEF7, lr;
	s5 =	simm.s32 $0xFFFFFFFF;
	p2 =	slt.u32 s8, $0xFFFFF086  }
0x1c: {  	p1 =	slt.u32 s9, $0xF7A;
	s5 =	simm.s32 @!p2 $0x0  }
0x1d: {  	s5 =	simm.s32 @p1 $0x1;
	p0 =	seq.s32 s7, s2  }
0x1e: {  	s7 =	smul.u32 @!p0 $0xF7A, s2;
	p2 =	seq.s32 @!p0 s5, $0x0  }
0x1f: {  	s9 =	smul.u32 $0xF7A, s1;
	s8 =	simm.s32 @!p0 $0x1BF5;
	p2 =	por !p2, p0  }
0x20: {  	[sflag:s8] =	ssyncset.s32 @!p0 $0xFFFFF086;
	s6 =	sadd.s32 @!p0 s3, s7;
	s7 =	simm.s32 @!p0 $0x108  }
0x21: {  	s3 =	sadd.s32 s3, s9;
	s6 =	sadd.s32 @!p0 $0x88, s6;
	s7 =	simm.s32 @p2 $0x1082  }
0x22: {  	[simem:s7], [sflag:s8] =	dma.local @!p0 [hbm:s6], $0xF7A  }
0x23: {  	s9 =	sor.u32 $0xD0000000, s2;
	s6 =	simm.s32 $0x108;
	_ =	swait.ge @!p0 [sflag:s8], $0x0  }
0x24: {  	s3 =	sadd.s32 $0x88, s3;
	s6 =	simm.s32 @!p1 $0x1082;
	[sflag:s4] =	ssyncset.s32 $0xFFFFF086  }
0x25: {  	[simem:s6], [sflag:s4] =	dma.local [hbm:s3], $0xF7A  }
0x26: {  	[smem:$0x3F8D] =	sst s1;
	(tag) =	ssettag s2;
	_ =	strace s9  }
0x27: {  	s1 =	sld [smem:$0x3F9D]  }
0x28: {  	s2 =	sld [smem:$0x3F9E]  }
0x29: {  	s4 =	sld [smem:$0x3FA0]  }
0x2a: {  	p0 =	seq.s32 s5, $0x0;
	s5 =	sld [smem:$0x3FA1]  }
0x2b: {  	s6 =	sld [smem:$0x3FA2]  }
0x2c: {  	s7 =	sld [smem:$0x3FA3]  }
0x2d: {  	s3 =	simm.s32 $0x108;
	s8 =	sld [smem:$0x3FA4]  }
0x2e: {  	s3 =	simm.s32 @!p0 $0x1082;
	s9 =	sld [smem:$0x3FA5]  }
0x2f: {  	lr =	sadd.s32 s0, s3;
	s0 =	sld [smem:$0x3F9C]  }
0x30: {  	s3 =	sld [smem:$0x3F9F]  }
0x31: {  	[smem:$0x3FA8] =	sst s10  }
0x32: {  	s10 =	sld [smem:$0x3FA6];
	_ =	sdelay $0x3  }
0x33: {  	p0 =	seq.s32 s10, $0x1;
	s10 =	sld [smem:$0x3FA8];
	_ =	sdelay $0x3  }
0x34: {  	[smem:$0x3FA8] =	sst s10  }
0x35: {  	s10 =	sld [smem:$0x3FA7];
	_ =	sdelay $0x3  }
0x36: {  	p1 =	seq.s32 s10, $0x1;
	s10 =	sld [smem:$0x3FA8];
	_ =	sdelay $0x3  }
0x37: {  	[smem:$0x3FA8] =	sst s10  }
0x38: {  	s10 =	sld [smem:$0x3FA9]  }
0x39: {  	_ = 	snop;
	(pc) =	sbr.ind lr, $3  }
0x3a: {  	_ = 	snop  }
0x3b: {  	_ = 	snop  }
0x3c: {  	p2 =	seq.s32 s10, $0x1;
	s10 =	sld [smem:$0x3FA8]  }
0x3d: {  	_ =	shalt  }
0x3e: {  	_ =	shalt  }
0x3f: {  	_ =	shalt  }
0x40: {  	_ =	shalt  }
0x41: {  	_ =	shalt  }
0x42: {  	_ =	shalt  }
0x43: {  	_ =	shalt  }
0x44: {  	_ =	shalt  }
0x45: {  	_ =	shalt  }
0x46: {  	_ =	shalt  }
0x47: {  	_ =	shalt  }
0x48: {  	_ =	shalt  }
0x49: {  	_ =	shalt  }
0x4a: {  	_ =	shalt  }
0x4b: {  	_ =	shalt  }
0x4c: {  	_ =	shalt  }
0x4d: {  	_ =	shalt  }
0x4e: {  	_ =	shalt  }
0x4f: {  	_ =	shalt  }
0x50: {  	_ =	shalt  }
0x51: {  	_ =	shalt  }
0x52: {  	_ =	shalt  }
0x53: {  	_ =	shalt  }
0x54: {  	_ =	shalt  }
0x55: {  	_ =	shalt  }
0x56: {  	_ =	shalt  }
0x57: {  	_ =	shalt  }
0x58: {  	_ =	shalt  }
0x59: {  	_ =	shalt  }
0x5a: {  	_ =	shalt  }
0x5b: {  	_ =	shalt  }
0x5c: {  	_ =	shalt  }
0x5d: {  	_ =	shalt  }
0x5e: {  	_ =	shalt  }
0x5f: {  	_ =	shalt  }
0x60: {  	_ =	shalt  }
0x61: {  	_ =	shalt  }
0x62: {  	_ =	shalt  }
0x63: {  	_ =	shalt  }
0x64: {  	_ =	shalt  }
0x65: {  	_ =	shalt  }
0x66: {  	_ =	shalt  }
0x67: {  	_ =	shalt  }
0x68: {  	_ =	shalt  }
0x69: {  	_ =	shalt  }
0x6a: {  	_ =	shalt  }
0x6b: {  	_ =	shalt  }
0x6c: {  	_ =	shalt  }
0x6d: {  	_ =	shalt  }
0x6e: {  	_ =	shalt  }
0x6f: {  	_ =	shalt  }
0x70: {  	_ =	shalt  }
0x71: {  	_ =	shalt  }
0x72: {  	_ =	shalt  }
0x73: {  	_ =	shalt  }
0x74: {  	_ =	shalt  }
0x75: {  	_ =	shalt  }
0x76: {  	_ =	shalt  }
0x77: {  	_ =	shalt  }
0x78: {  	_ =	shalt  }
0x79: {  	_ =	shalt  }
0x7a: {  	_ =	shalt  }
0x7b: {  	_ =	shalt  }
0x7c: {  	_ =	shalt  }
0x7d: {  	_ =	shalt  }
0x7e: {  	_ =	shalt  }
0x7f: {  	_ =	shalt  }
0x80: {  	_ =	shalt  }
0x81: {  	_ =	shalt  }
0x82: {  	_ =	shalt  }
0x83: {  	_ =	shalt  }
0x84: {  	_ =	shalt  }
0x85: {  	_ =	shalt  }
0x86: {  	_ =	shalt  }
0x87: {  	_ =	shalt  }
.Lfunc_end0:
.L_simem_size_0:
called_computation_lowered:
.L_overlay_start_0:
0x88: {  	s2 =	sld [smem:$0x3FD9]  }
0x89: {  	s3 =	sld [smem:$0x3FFE];
	_ =	sdelay $0x1  }
0x8a: {  	s1 =	srdreg.scid  }
0x8b: {  	s0 =	sand.u32 $0x1, s1  }
0x8c: {  	s17 =	sshll.u32 s0, $0xA;
	s2 =	sadd.s32 s3, s2  }
0x8d: {  	s2 =	sadd.s32 s2, s17  }
0x8e: {  	[smem:$0x3FB4] =	sst s2  }
0x8f: {  	_ = 	snop  }
0x90: {  	s2 =	sld [smem:$0x3FD0];
	(tm) =	ssettm $0x1  }
0x91: {  	s18 =	sld [smem:$0x3FFB];
	_ =	sdelay $0x3  }
0x92: {  	_ =	strace s18  }
0x93: {  	s3 =	sld [smem:$0x3FFC];
	_ =	sdelay $0x3  }
0x94: {  	_ =	strace s3  }
0x95: {  	s3 =	sld [smem:$0x3FFD];
	_ =	sdelay $0x3  }
0x96: {  	_ =	strace s3  }
0x97: {  	_ =	strace $0x8FFFFFFF  }
0x98: {  	s19 =	sld [smem:$0x3FDB];
	_ =	sdelay $0x1  }
0x99: {  	s4 =	simm.s32 $_scs_section_size  }
0x9a: {  	s5 =	simm.s32 $_size__tile_overlayer_lowered;
	s6 =	simm.s32 $_tile_overlayer_lowered  }
0x9b: {  	s22 =	simm.s32 $0x1BFF;
	s21 =	sshll.u32 s6, $0x1;
	s3 =	sadd.s32 s4, s19  }
0x9c: {  	s7 =	simm.s32 $0x0;
	s20 =	sshll.u32 s5, $0x1;
	s5 =	sadd.s32 s21, s3  }
0x9d: {  	[timem:s7], [sflag:s22] =	dma.local [hbm:s5], s20  }
0x9e: {  	_ =	swait.ge [sflag:s22], s20  }
0x9f: {  	s4 =	ssub.s32 $0x0, s20;
	[sflag:s22] =	ssyncset.done $0x0  }
0xa0: {  	[sflag:s22] =	ssyncadd.s32 s4;
	_ =	sdelay $0x1  }
0xa1: {  	s23 =	simm.s32 $0x1B8B  }
0xa2: {  	_ =	swait.ge [sflag:s23], $0x1  }
0xa3: {  	[sflag:s23] =	ssyncset.done $0x0  }
0xa4: {  	s25 =	simm.s32 $0x1B8E;
	s24 =	sld [smem:$0x3FFE];
	[sflag:s23] =	ssyncadd.s32 $0xFFFFFFFF  }
0xa5: {  	s26 =	simm.s32 $execute0_lowered;
	[smem:$0x3FD2] =	sst s25  }
0xa6: {  	s5 =	sshll.u32 s26, $0x1;
	_ =	strace $0x80000046;
	[dreg:$0x1] =	wrdreg $0xFFFFFFFF  }
0xa7: {  	s28 =	simm.s32 $_size_execute0_lowered;
	s3 =	sadd.s32 s3, s5;
	[dreg:$0x0] =	wrdreg $0x0  }
0xa8: {  	s5 =	sshll.u32 s28, $0x1;
	[dreg:$0x2] =	wrdreg s3  }
0xa9: {  	[dreg:$0x3] =	wrdreg s5  }
0xaa: {  	[dreg:$0x4] =	wrdreg $0xC0  }
0xab: {  	_ =	task [dreg:s7], $0x5FFFF  }
0xac: {  	[dreg:$0x1] =	wrdreg $0xFFFFFFFF  }
0xad: {  	[dreg:$0x0] =	wrdreg $0x60  }
0xae: {  	[dreg:$0x2] =	wrdreg s2  }
0xaf: {  	[dreg:$0x3] =	wrdreg s24  }
0xb0: {  	[dreg:$0x4] =	wrdreg $0x9  }
0xb1: {  	_ =	task.clear_ibuf [dreg:s7], $0x5FFFF;
	_ =	strace $0x90000046  }
0xb2: {  	s29 =	simm.s32 $0x9;
	_ =	strace $0x80000048  }
0xb3: {  	_ =	swait.ge [sflag:s29], $0x1  }
0xb4: {  	[sflag:s29] =	ssyncadd.s32 $0xFFFFFFFF  }
0xb5: {  	_ =	strace $0x90000048  }
0xb6: {  	_ =	sfence  }
0xb7: {  	s30 =	sld [smem:$0x0];
	_ =	sdelay $0x2  }
0xb8: {  	s31 =	sshll.u32 s1, $0xD;
	s1 =	sshrl.u32 s1, $0x2  }
0xb9: {  	s3 =	sand.u32 $0x4000, s31;
	s1 =	sadd.s32 s1, s30  }
0xba: {  	s0 =	sor.u32 s3, s0;
	s1 =	sshll.u32 s1, $0x11  }
0xbb: {  	s0 =	sor.u32 s1, s0  }
0xbc: {  	s0 =	sadd.s32 $0x8F2B, s0  }
0xbd: {  	[sflag:s0] =	ssyncadd.remote.s32 $0x1  }
0xbe: {  	_ =	sfence.sel $0xFFFF  }
0xbf: {  	[dreg:$0x0] =	wrdreg $0xFFFFFFFF;
	(pc) =	sbr.abs _section_cstart, $3  }
0xc0: {  	[dreg:$0x1] =	wrdreg $0xFFFFFFFF  }
0xc1: {  	_ =	task.clear_ibuf [dreg:s7], $0x2FFFF;
	_ =	strace $0x9FFFFFFF  }
0xc2: {  	(tm) =	ssettm $0x7FFFFFFF  }
0xc3: {  	_ =	shalt  }
tec
execute0_lowered:
.L_overlay_start_1:
0x0: {  	(tag) =	ssettag $0x1  }
0x1: {  	s0 =	srdreg.scid  }
0x2: {  	s1 =	stileid.u32;
	s4 =	sand.u32 $0x1, s0  }
0x3: {  	s6 =	sor.u32 s1, s4  }
0x4: {  	p0 =	sne.s32 s6, $0x0  }
.Ltmp0:
0x5: {  	_ = 	snop;
	(pc) =	sbr.rel @p0 .LBB2_9-.Ltmp0, $4  }
0x6: {  	s2 =	rddreg [dreg:$0x0]  }
0x7: {  	s5 =	rddreg [dreg:$0x1];
	s3 =	simm.s32 $0x0  }
0x8: {  	[smem:$0x7FF] =	sst s3  }
0x9: {  	s0 =	rddreg [dreg:$0x2];
	_ =	strace $0x80000047  }
0xa: {  	v2 =	vlaneseq.u32;
	vm11 =	vmmov $0x1;
	v1 =	vimm.f32 $1.000000000e+00  }
0xb: {  	vm3 =	vcmask $0x704;
	vm4 =	vcmask $0xB08;
	vm5 =	vcmask $0xF0C  }
0xc: {  	vm6 =	vcmask $0x1310;
	vm7 =	vcmask $0x1714;
	v0 =	vmul.u32 $0xFFFFFFFF, v2  }
0xd: {  	vm12 =	vcmask $0x2F2C;
	vm8 =	vcmask $0x3330;
	v2 =	vmul.u32 $0x12D, v2  }
0xe: {  	vm9 =	vcmask $0x3734;
	vm10 =	vcmask $0x3B38;
	v0 =	vadd.s32 $0xBB8, v0  }
0xf: {  	v3 =	vadd.s32 $0x12D0, v2;
	v4 =	vadd.s32 $0x25A0, v2;
	v5 =	vadd.s32 $0x3870, v2  }
0x10: {  	v6 =	vadd.s32 $0x4B40, v2;
	v7 =	vadd.s32 $0x5E10, v2;
	v8 =	vadd.s32 $0x70E0, v2  }
0x11: {  	v9 =	vadd.s32 $0x83B0, v2;
	v10 =	vadd.s32 $0x9680, v2;
	v11 =	vadd.s32 $0xA950, v2  }
0x12: {  	s6 =	ssub.s32 $0x2, s4;
	s4 =	sadd.s32 $0x1E00, s5;
	s5 =	sadd.s32 $0x4A00, s5;
	v12 =	vadd.s32 $0xBC20, v2;
	v13 =	vadd.s32 $0xCEF0, v2;
	v14 =	vadd.s32 $0xE1C0, v2  }
0x13: {  	s8 =	simm.s32 $0x1;
	s9 =	simm.s32 $0x17780;
	s7 =	sshrl.u32 s6, $0x1;
	v15 =	vadd.s32 $0xF490, v2;
	v16 =	vadd.s32 $0x10760, v2;
	v17 =	vadd.s32 $0x11A30, v2  }
0x14: {  	s10 =	simm.s32 $0x0;
	s6 =	ssub.s32 s6, s7;
	s7 =	simm.s32 $0x1780;
	v18 =	vadd.s32 $0x12D00, v2;
	v19 =	vadd.s32 $0x13FD0, v2;
	v20 =	vadd.s32 $0x152A0, v2  }
.LBB2_2:
0x15: {  	s12 =	simm.s32 $0x0  }
0x16: {  	[tilespmem:s7], [sflag:$0x1] =	stream.linear.gather [hbm4b:s4+s12], $0x16000, $0x38;
	[tilespmem:$0x18F00] =	vst v63  }
0x17: {  	_ =	swait.ge [sflag:s8], $0x16000  }
0x18: {  	[sflag:s8] =	ssyncset.done $0x0  }
0x19: {  	[sflag:s8] =	ssyncadd.s32 $0xFFFEA000  }
0x1a: {  	[tilespmem:s12], [sflag:$0x1] =	stream.linear.gather [hbm4b:s2+s12], $0x1780, $0x38;
	[tilespmem:$0x18F00] =	vst v63  }
0x1b: {  	_ =	swait.ge [sflag:s8], $0x1780  }
0x1c: {  	[sflag:s8] =	ssyncset.done $0x0  }
0x1d: {  	s11 =	simm.s32 $0xBC0;
	[sflag:s8] =	ssyncadd.s32 $0xFFFFE880  }
0x1e: {  	v21 =	vld [tilespmem:s11+$0x0];
	_ =	sdelay $0x1  }
0x1f: {  	v22 =	vld [tilespmem:s11+$0xFFFFF440];
	_ =	sdelay $0x1  }
0x20: {  	v23 =	vmov s12  }
0x21: {  	vm1 =	vlt.u32 v23, v0;
	v21 =	vmul.u32 $0x12C, v21  }
0x22: {  	vm13 =	vmand vm1, vm11;
	vm14 =	vmand vm1, vm3  }
0x23: {  	vm2 =	vmand vm1, vm6;
	v21 =	vadd.s32 v22, v21;
	v22 =	vimm.s32 $0x0  }
0x24: {  	v22 =	vsel vm2, $0xFFFFFFFF, v22  }
0x25: {  	vm15 =	vmand vm1, vm4;
	vm2 =	vmand vm1, vm7;
	[tilespmem:$0x1FFA0] =	vst v22;
	v22 =	vimm.s32 $0x0  }
0x26: {  	v22 =	vsel vm2, $0xFFFFFFFF, v22  }
0x27: {  	vm2 =	vcmask $0x1B18;
	[tilespmem:$0x1FFB0] =	vst v22  }
0x28: {  	v22 =	vimm.s32 $0x0;
	[tilespmem:v21+s7+$0x0] =	vst.idx.add.f32.msk vm13, v1;
	vm13 =	vmand vm1, vm2  }
0x29: {  	v22 =	vsel vm13, $0xFFFFFFFF, v22;
	[tilespmem:v21+s7+$0x0] =	vst.idx.add.f32.msk vm14, v1;
	vm13 =	vcmask $0x1F1C  }
0x2a: {  	[tilespmem:$0x1FFC0] =	vst v22;
	vm14 =	vmand vm1, vm13;
	v22 =	vimm.s32 $0x0  }
0x2b: {  	[tilespmem:v21+s7+$0x0] =	vst.idx.add.f32.msk vm15, v1;
	v22 =	vsel vm14, $0xFFFFFFFF, v22;
	vm14 =	vcmask $0x2320  }
0x2c: {  	[tilespmem:$0x1FFD0] =	vst v22;
	vm15 =	vmand vm1, vm14;
	v22 =	vimm.s32 $0x0  }
0x2d: {  	vm0 =	vmand vm1, vm5;
	v22 =	vsel vm15, $0xFFFFFFFF, v22  }
0x2e: {  	[tilespmem:$0x1FFE0] =	vst v22;
	v22 =	vld [tilespmem:$0x1FFA0];
	_ =	sdelay $0x4  }
0x2f: {  	[tilespmem:v21+s7+$0x0] =	vst.idx.add.f32.msk vm0, v1;
	vm0 =	vnez.u8 v22;
	_ =	sdelay $0x5  }
0x30: {  	[tilespmem:v21+s7+$0x0] =	vst.idx.add.f32.msk vm0, v1;
	vm0 =	vcmask $0x2B28  }
0x31: {  	v22 =	vimm.s32 $0x0;
	vm0 =	vmand vm1, vm0  }
0x32: {  	v22 =	vsel vm0, $0xFFFFFFFF, v22  }
0x33: {  	[tilespmem:$0x1FFF0] =	vst v22;
	v22 =	vld [tilespmem:$0x1FFB0];
	_ =	sdelay $0x4  }
0x34: {  	vm0 =	vnez.u8 v22  }
0x35: {  	v22 =	vld [tilespmem:$0x1FFC0];
	_ =	sdelay $0x4  }
0x36: {  	[tilespmem:v21+s7+$0x0] =	vst.idx.add.f32.msk vm0, v1;
	vm0 =	vnez.u8 v22  }
0x37: {  	v22 =	vld [tilespmem:$0x1FFD0];
	_ =	sdelay $0x4  }
0x38: {  	[tilespmem:v21+s7+$0x0] =	vst.idx.add.f32.msk vm0, v1;
	vm0 =	vnez.u8 v22  }
0x39: {  	v22 =	vld [tilespmem:$0x1FFE0];
	_ =	sdelay $0x4  }
0x3a: {  	[tilespmem:v21+s7+$0x0] =	vst.idx.add.f32.msk vm0, v1;
	vm0 =	vnez.u8 v22  }
0x3b: {  	v22 =	vld [tilespmem:$0x1FFF0];
	_ =	sdelay $0x1  }
0x3c: {  	vm15 =	vcmask $0x2724  }
0x3d: {  	vm15 =	vmand vm1, vm15;
	_ =	sdelay $0x1  }
0x3e: {  	[tilespmem:v21+s7+$0x0] =	vst.idx.add.f32.msk vm0, v1;
	vm0 =	vnez.u8 v22  }
0x3f: {  	vm12 =	vmand vm1, vm12  }
0x40: {  	vm8 =	vmand vm1, vm8  }
0x41: {  	vm9 =	vmand vm1, vm9  }
0x42: {  	vm10 =	vmand vm1, vm10;
	[tilespmem:v21+s7+$0x0] =	vst.idx.add.f32.msk vm15, v1;
	vm15 =	vmmov vm14  }
0x43: {  	vm14 =	vmmov vm13;
	vm13 =	vmmov vm2;
	vm2 =	vcmask $0x3F3C  }
0x44: {  	vm1 =	vmand vm1, vm2;
	[tilespmem:v21+s7+$0x0] =	vst.idx.add.f32.msk vm0, v1  }
0x45: {  	[tilespmem:v21+s7+$0x0] =	vst.idx.add.f32.msk vm12, v1  }
0x46: {  	[tilespmem:v21+s7+$0x0] =	vst.idx.add.f32.msk vm8, v1  }
0x47: {  	[tilespmem:v21+s7+$0x0] =	vst.idx.add.f32.msk vm9, v1  }
0x48: {  	s12 =	simm.s32 $0x10;
	[tilespmem:v21+s7+$0x0] =	vst.idx.add.f32.msk vm10, v1  }
.LBB2_3:
0x49: {  	p0 =	sne.s32 s12, $0xBB0  }
0x4a: {  	[tilespmem:v21+s7+$0x0] =	vst.idx.add.f32.msk vm1, v1;
	s11 =	sadd.s32 $0x10, s11;
	s13 =	smov.u32 s12;
	s12 =	sadd.s32 $0x10, s12  }
0x4b: {  	v21 =	vld [tilespmem:s11+$0x0];
	_ =	sdelay $0x1  }
0x4c: {  	v22 =	vld [tilespmem:s11+$0xFFFFF440];
	_ =	sdelay $0x1  }
0x4d: {  	v23 =	vmov s13  }
0x4e: {  	vm1 =	vlt.u32 v23, v0;
	v21 =	vmul.u32 $0x12C, v21  }
0x4f: {  	vm2 =	vmand vm1, vm11  }
0x50: {  	vm8 =	vmmov vm3;
	vm3 =	vmand vm1, vm3;
	v21 =	vadd.s32 v22, v21  }
0x51: {  	vm9 =	vmmov vm4;
	vm4 =	vmand vm1, vm4  }
0x52: {  	vm10 =	vmand vm1, vm5  }
0x53: {  	vm0 =	vmmov vm11;
	vm11 =	vmand vm1, vm6  }
0x54: {  	vm12 =	vmand vm1, vm7  }
0x55: {  	[tilespmem:v21+s7+$0x0] =	vst.idx.add.f32.msk vm2, v1;
	vm2 =	vmand vm1, vm13  }
0x56: {  	[tilespmem:v21+s7+$0x0] =	vst.idx.add.f32.msk vm3, v1;
	vm3 =	vmand vm1, vm14  }
0x57: {  	[tilespmem:v21+s7+$0x0] =	vst.idx.add.f32.msk vm4, v1;
	vm4 =	vmand vm1, vm15  }
0x58: {  	[tilespmem:v21+s7+$0x0] =	vst.idx.add.f32.msk vm10, v1;
	vm10 =	vcmask $0x2724  }
0x59: {  	vm10 =	vmand vm1, vm10  }
0x5a: {  	[tilespmem:v21+s7+$0x0] =	vst.idx.add.f32.msk vm11, v1;
	vm11 =	vcmask $0x2B28  }
0x5b: {  	vm11 =	vmand vm1, vm11  }
0x5c: {  	[tilespmem:v21+s7+$0x0] =	vst.idx.add.f32.msk vm12, v1;
	vm12 =	vcmask $0x2F2C  }
0x5d: {  	vm12 =	vmand vm1, vm12  }
0x5e: {  	[tilespmem:v21+s7+$0x0] =	vst.idx.add.f32.msk vm2, v1;
	vm2 =	vcmask $0x3330  }
0x5f: {  	vm2 =	vmand vm1, vm2  }
0x60: {  	[tilespmem:v21+s7+$0x0] =	vst.idx.add.f32.msk vm3, v1;
	vm3 =	vcmask $0x3734  }
0x61: {  	vm3 =	vmand vm1, vm3  }
0x62: {  	[tilespmem:v21+s7+$0x0] =	vst.idx.add.f32.msk vm4, v1;
	vm4 =	vcmask $0x3B38  }
0x63: {  	vm4 =	vmand vm1, vm4  }
0x64: {  	[tilespmem:v21+s7+$0x0] =	vst.idx.add.f32.msk vm10, v1;
	vm10 =	vcmask $0x3F3C  }
0x65: {  	vm1 =	vmand vm1, vm10  }
.Ltmp1:
0x66: {  	[tilespmem:v21+s7+$0x0] =	vst.idx.add.f32.msk vm11, v1;
	vm11 =	vmmov vm0;
	(pc) =	sbr.rel @p0 .LBB2_3-.Ltmp1, $4  }
0x67: {  	[tilespmem:v21+s7+$0x0] =	vst.idx.add.f32.msk vm12, v1  }
0x68: {  	[tilespmem:v21+s7+$0x0] =	vst.idx.add.f32.msk vm2, v1  }
0x69: {  	[tilespmem:v21+s7+$0x0] =	vst.idx.add.f32.msk vm3, v1;
	vm3 =	vmmov vm8  }
0x6a: {  	[tilespmem:v21+s7+$0x0] =	vst.idx.add.f32.msk vm4, v1;
	vm4 =	vmmov vm9  }
0x6b: {  	_ =	sdelay $0x4  }
0x6c: {  	[tilespmem:v21+s7+$0x0] =	vst.idx.add.f32.msk vm1, v1;
	s11 =	simm.s32 $0x1780  }
0x6d: {  	[tilespmem:v2+s11+$0x0] =	vst.idx.add.f32.msk $0xffff, v1  }
0x6e: {  	[tilespmem:v3+s11+$0x0] =	vst.idx.add.f32.msk $0xffff, v1  }
0x6f: {  	[tilespmem:v4+s11+$0x0] =	vst.idx.add.f32.msk $0xffff, v1  }
0x70: {  	[tilespmem:v5+s11+$0x0] =	vst.idx.add.f32.msk $0xffff, v1  }
0x71: {  	[tilespmem:v6+s11+$0x0] =	vst.idx.add.f32.msk $0xffff, v1  }
0x72: {  	[tilespmem:v7+s11+$0x0] =	vst.idx.add.f32.msk $0xffff, v1  }
0x73: {  	[tilespmem:v8+s11+$0x0] =	vst.idx.add.f32.msk $0xffff, v1  }
0x74: {  	[tilespmem:v9+s11+$0x0] =	vst.idx.add.f32.msk $0xffff, v1  }
0x75: {  	[tilespmem:v10+s11+$0x0] =	vst.idx.add.f32.msk $0xffff, v1  }
0x76: {  	[tilespmem:v11+s11+$0x0] =	vst.idx.add.f32.msk $0xffff, v1  }
0x77: {  	[tilespmem:v12+s11+$0x0] =	vst.idx.add.f32.msk $0xffff, v1  }
0x78: {  	[tilespmem:v13+s11+$0x0] =	vst.idx.add.f32.msk $0xffff, v1  }
0x79: {  	[tilespmem:v14+s11+$0x0] =	vst.idx.add.f32.msk $0xffff, v1  }
0x7a: {  	[tilespmem:v15+s11+$0x0] =	vst.idx.add.f32.msk $0xffff, v1  }
0x7b: {  	[tilespmem:v16+s11+$0x0] =	vst.idx.add.f32.msk $0xffff, v1  }
0x7c: {  	[tilespmem:v17+s11+$0x0] =	vst.idx.add.f32.msk $0xffff, v1  }
0x7d: {  	[tilespmem:v18+s11+$0x0] =	vst.idx.add.f32.msk $0xffff, v1  }
0x7e: {  	vm12 =	vcmask $0x2F2C;
	[tilespmem:v19+s11+$0x0] =	vst.idx.add.f32.msk $0xffff, v1  }
0x7f: {  	s12 =	simm.s32 $0x0;
	vm8 =	vcmask $0x3330;
	vm9 =	vcmask $0x3734;
	vm10 =	vcmask $0x3B38;
	[tilespmem:v20+s11+$0x0] =	vst.idx.add.f32.msk $0xfff, v1  }
.LBB2_5:
0x80: {  	v21 =	vmov s11;
	_ =	sdelay $0x3  }
0x81: {  	s13 =	simm.s32 $0x0;
	s14 =	simm.s32 $0x40  }
.LBB2_6:
0x82: {  	p0 =	sne.s32 s14, $0x5D80;
	v22 =	vld.idx.msk [tilespmem:v21+s13+$0x0 ss:$0x1], $0xffff;
	_ =	sdelay $0x1  }
.Ltmp2:
0x83: {  	(pc) =	sbr.rel @p0 .LBB2_6-.Ltmp2, $2  }
0x84: {  	_ =	sdelay $0x2  }
0x85: {  	[tilespmem:s13+$0x17780] =	vst v22;
	s13 =	sshra.s32 s14, $0x2;
	s14 =	sadd.s32 $0x40, s14  }
0x86: {  	_ =	sdelay $0x3  }
0x87: {  	v21 =	vld.idx.msk [tilespmem:v21+s13+$0x0 ss:$0x1], $0xffff;
	_ =	sdelay $0x2  }
0x88: {  	s14 =	smul.u32 $0x2EE, s12;
	s12 =	sadd.s32 $0x1, s12  }
0x89: {  	p0 =	sne.s32 s12, $0xF  }
.Ltmp3:
0x8a: {  	s31 =	sadd.s32 s5, s14;
	[tilespmem:s13+$0x17780] =	vst v21;
	(pc) =	sbr.rel @p0 .LBB2_5-.Ltmp3, $4  }
0x8b: {  	[hbm4b:s31+s3] =	stream.linear.scatter [tilespmem:s9], [sflag:$0x1], $0x1770, $0x38;
	[tilespmem:$0x18F00] =	vst v63  }
0x8c: {  	_ =	swait.ge [sflag:s8], $0x1770  }
0x8d: {  	[sflag:s8] =	ssyncset.done $0x0  }
0x8e: {  	s11 =	sadd.s32 $0x1770, s11;
	[sflag:s8] =	ssyncadd.s32 $0xFFFFE890  }
0x8f: {  	s10 =	sadd.s32 $0x1, s10  }
0x90: {  	p0 =	sne.s32 s10, s6  }
.Ltmp4:
0x91: {  	_ = 	snop;
	(pc) =	sbr.rel @p0 .LBB2_2-.Ltmp4, $1  }
0x92: {  	_ =	sdelay $0x3  }
.LBB2_9:
0x93: {  	_ =	sfence.sel $0x180000  }
0x94: {  	[bflag:$0x0] =	sbarrier.arrive $0xFFFF  }
0x95: {  	p0 =	sne.s32 s1, $0x0;
	_ =	strace $0x90000047  }
0x96: {  	s0 =	sadd.s32 @!p0 $0x100000, s0;
	[bflag:$0x2] =	sbarrier.arrive $0xFFFF  }
0x97: {  	[sflag:s0] =	ssyncadd.tile.s32 @!p0 $0x1;
	_ =	shalt  }
.Lfunc_end2:
_tile_overlayer_lowered:
.L_overlay_start_2:
0x98: {  	(tag) =	ssettag $0x2  }
0x99: {  	s0 =	rddreg [dreg:$0x0];
	s2 =	stileid.u32  }
0x9a: {  	s1 =	rddreg [dreg:$0x1];
	p0 =	sne.s32 s2, $0x0  }
0x9b: {  	s3 =	rddreg [dreg:$0x2];
	[bflag:$0x3] =	sbarrier.arrive $0xFFFF;
	s2 =	simm.s32 @!p0 $0x1C01  }
0x9c: {  	[timem:s3], [sflag:s2] =	dma.local @!p0 [hbm:s0], s1  }
0x9d: {  	s0 =	simm.s32 @!p0 $0x1  }
0x9e: {  	_ =	swait.ge @!p0 [sflag:s0], s1  }
0x9f: {  	s1 =	ssub.s32 @!p0 $0x0, s1;
	[sflag:s0] =	ssyncset.done @!p0 $0x0  }
0xa0: {  	[sflag:s0] =	ssyncadd.s32 @!p0 s1  }
0xa1: {  	[bflag:$0x3] =	sbarrier.arrive $0xFFFF  }
0xa2: {  	_ =	shalt  }

</sc_bundles>
